<compile_context>
chip_gen: v7x
topology: tpu7x:2x2x1
jax: 0.10.2.dev20260603
libtpu: 0.0.44.dev20260713+nightly
codegen_flags: <defaults>
</compile_context>

<pallas_src>
import functools

import jax
import jax.numpy as jnp
from jax import lax
from jax.experimental import pallas as pl
from jax.experimental.pallas import tpu as pltpu
from jax.experimental.pallas import tpu_sc as plsc

N_NODES = 10000
N_EDGES = 320000
D = 128
H = 256

NC = 2
NS = 16
NW = NC * NS
EPW = N_EDGES // NW
C = 40
CHUNKS = EPW // C
RPT = 624
TAIL0 = RPT * NS
TAIL = N_NODES - TAIL0

NB = 4
LA = 2
BODY = (CHUNKS // NB) * NB


def _sc_fused(edges, x, src, dst):
    mesh = plsc.VectorSubcoreMesh(core_axis_name="c", subcore_axis_name="s")

    scratch = (
        [pltpu.VMEM((C,), jnp.int32) for _ in range(2 * NB)]
        + [pltpu.VMEM((C, D), jnp.float32) for _ in range(2 * NB)]
        + [pltpu.VMEM_SHARED((N_NODES, D), jnp.float32)]
        + [pltpu.SemaphoreType.DMA for _ in range(3 * NB)]
    )

    @functools.partial(
        pl.kernel,
        out_type=jax.ShapeDtypeStruct((NC, N_NODES, D), jnp.float32),
        mesh=mesh,
        scratch_types=scratch,
    )
    def k(edges_hbm, x_hbm, src_hbm, dst_hbm, out_hbm, *scr):
        srcv = scr[0:NB]
        dstv = scr[NB:2 * NB]
        ev = scr[2 * NB:3 * NB]
        xv = scr[3 * NB:4 * NB]
        fsh = scr[4 * NB]
        sem_i = scr[4 * NB + 1: 4 * NB + 1 + NB]
        sem_g = scr[4 * NB + 1 + NB: 4 * NB + 1 + 2 * NB]
        sem_d = scr[4 * NB + 1 + 2 * NB: 4 * NB + 1 + 3 * NB]

        cid = lax.axis_index("c")
        sid = lax.axis_index("s")
        wid = sid * NC + cid
        base = wid * EPW

        @plsc.parallel_loop(0, C, 1, unroll=2)
        def _(i):
            for j in range(D // 16):
                ev[0][i, pl.ds(j * 16, 16)] = jnp.zeros((16,), jnp.float32)

        r0 = sid * RPT
        for t in range(RPT // C):
            pltpu.sync_copy(ev[0], fsh.at[pl.ds(r0 + t * C, C)])
        pltpu.sync_copy(ev[0].at[pl.ds(0, RPT - (RPT // C) * C)],
                        fsh.at[pl.ds(r0 + (RPT // C) * C, RPT - (RPT // C) * C)])

        @pl.when(sid == NS - 1)
        def _():
            pltpu.sync_copy(ev[0].at[pl.ds(0, TAIL)], fsh.at[pl.ds(TAIL0, TAIL)])

        plsc.subcore_barrier()

        def phase1(kk, s):
            off = base + kk * C
            pltpu.async_copy(src_hbm.at[pl.ds(off, C)], srcv[s], sem_i[s])
            pltpu.async_copy(dst_hbm.at[pl.ds(off, C)], dstv[s], sem_i[s])
            pltpu.async_copy(edges_hbm.at[pl.ds(off, C)], ev[s], sem_g[s])

        def drain_i(s):
            pltpu.make_async_copy(src_hbm.at[pl.ds(0, C)], srcv[s], sem_i[s]).wait()
            pltpu.make_async_copy(src_hbm.at[pl.ds(0, C)], dstv[s], sem_i[s]).wait()

        def drain_g(s):
            pltpu.make_async_copy(edges_hbm.at[pl.ds(0, C)], ev[s], sem_g[s]).wait()
            pltpu.make_async_copy(edges_hbm.at[pl.ds(0, C)], xv[s], sem_g[s]).wait()

        def drain_d(s):
            pltpu.make_async_copy(edges_hbm.at[pl.ds(0, C)], ev[s], sem_d[s]).wait()

        def gather(s):
            pltpu.async_copy(x_hbm.at[srcv[s]], xv[s], sem_g[s])

        def position(kk, b, static):
            s_pre = (b + LA) % NB
            s_nxt = (b + 1) % NB
            when = (lambda c: pl.when(bool(c))) if static else pl.when

            @when(kk + 1 < CHUNKS)
            def _():
                drain_i(s_nxt)
                gather(s_nxt)

            @when(kk >= NB - LA)
            def _():
                drain_d(s_pre)

            @when(kk + LA < CHUNKS)
            def _():
                phase1(kk + LA, s_pre)

            drain_g(b)

            @plsc.parallel_loop(0, C, 1, unroll=4)
            def _(i):
                for j in range(D // 16):
                    sl = pl.ds(j * 16, 16)
                    ev[b][i, sl] = ev[b][i, sl] * xv[b][i, sl]

            pltpu.async_copy(ev[b], fsh.at[dstv[b]], sem_d[b], add=True)

        phase1(0, 0)
        phase1(1, 1)
        drain_i(0)
        gather(0)

        def outer(go, carry):
            for b in range(NB):
                position(go + b, b, static=False)
            return carry

        lax.fori_loop(0, BODY // NB, lambda g, c: outer(g * NB, c), 0)

        for kk in range(BODY, CHUNKS):
            position(kk, kk % NB, static=True)
        for kk in range(CHUNKS - LA, CHUNKS):
            drain_d(kk % NB)

        plsc.subcore_barrier()
        pltpu.sync_copy(fsh.at[pl.ds(r0, RPT)], out_hbm.at[cid, pl.ds(r0, RPT)])

        @pl.when(sid == NS - 1)
        def _():
            pltpu.sync_copy(fsh.at[pl.ds(TAIL0, TAIL)],
                            out_hbm.at[cid, pl.ds(TAIL0, TAIL)])

    return k(edges, x, src, dst)


ER = 16000


def _tc_edge(ea, Wu1, bu1, Wu2, bu2):
    def body(ea_ref, w1_ref, b1_ref, w2_ref, b2_ref, edges_ref):
        a = ea_ref[...]
        h = jnp.tanh(jnp.dot(a.astype(jnp.bfloat16), w1_ref[...].astype(jnp.bfloat16),
                             preferred_element_type=jnp.float32) + b1_ref[...])
        edges_ref[...] = a + jnp.dot(
            h.astype(jnp.bfloat16), w2_ref[...].astype(jnp.bfloat16),
            preferred_element_type=jnp.float32) + b2_ref[...]

    grid = (N_EDGES // ER,)
    return pl.pallas_call(
        body,
        grid=grid,
        in_specs=[
            pl.BlockSpec((ER, D), lambda i: (i, 0)),
            pl.BlockSpec((D, H), lambda i: (0, 0)),
            pl.BlockSpec((1, H), lambda i: (0, 0)),
            pl.BlockSpec((H, D), lambda i: (0, 0)),
            pl.BlockSpec((1, D), lambda i: (0, 0)),
        ],
        out_specs=pl.BlockSpec((ER, D), lambda i: (i, 0)),
        out_shape=jax.ShapeDtypeStruct((N_EDGES, D), jnp.float32),
    )(ea, Wu1, bu1, Wu2, bu2)


NR = 2000


def _tc_node(x, fp, Wg1, bg1, Wg2, bg2):
    def body(x_ref, fp_ref, w1_ref, b1_ref, w2_ref, b2_ref, out_ref):
        f = fp_ref[0] + fp_ref[1]
        h = jnp.tanh(jnp.dot(f.astype(jnp.bfloat16), w1_ref[...].astype(jnp.bfloat16),
                             preferred_element_type=jnp.float32) + b1_ref[...])
        out_ref[...] = x_ref[...] + jnp.dot(
            h.astype(jnp.bfloat16), w2_ref[...].astype(jnp.bfloat16),
            preferred_element_type=jnp.float32) + b2_ref[...]

    grid = (N_NODES // NR,)
    return pl.pallas_call(
        body,
        grid=grid,
        in_specs=[
            pl.BlockSpec((NR, D), lambda i: (i, 0)),
            pl.BlockSpec((NC, NR, D), lambda i: (0, i, 0)),
            pl.BlockSpec((D, H), lambda i: (0, 0)),
            pl.BlockSpec((1, H), lambda i: (0, 0)),
            pl.BlockSpec((H, D), lambda i: (0, 0)),
            pl.BlockSpec((1, D), lambda i: (0, 0)),
        ],
        out_specs=pl.BlockSpec((NR, D), lambda i: (i, 0)),
        out_shape=jax.ShapeDtypeStruct((N_NODES, D), jnp.float32),
    )(x, fp, Wg1, bg1, Wg2, bg2)


def kernel(x, edge_attr, edge_index, Wu1, bu1, Wu2, bu2, Wg1, bg1, Wg2, bg2):
    src = edge_index[0].astype(jnp.int32)
    dst = edge_index[1].astype(jnp.int32)

    edges = _tc_edge(edge_attr, Wu1, bu1.reshape(1, H), Wu2, bu2.reshape(1, D))
    fp = _sc_fused(edges, x, src, dst)
    nodes = _tc_node(x, fp, Wg1, bg1.reshape(1, H), Wg2, bg2.reshape(1, D))
    return nodes, edges

# --- scband reference (transcript-rebuilt; emitter-appended) ---
"""Pipeline reference for scband-electron-gnnlayer-23364622090771 (READ-ONLY COPY).

The authoritative reference and input builder live on the scoring server;
editing this copy changes nothing except your own understanding.
"""

import jax, jax.numpy as jnp
import numpy as np

N_NODES = 10000
N_EDGES = 320000
D = 128
H = 256


def setup_inputs(seed: int = 0) -> dict:
    key = jax.random.key(seed)
    ks = jax.random.split(key, 12)
    x = jax.random.normal(ks[0], (N_NODES, D), dtype=jnp.float32)
    edge_attr = jax.random.normal(ks[1], (N_EDGES, D), dtype=jnp.float32)
    edge_index = jax.random.randint(ks[2], (2, N_EDGES), 0, N_NODES, dtype=jnp.int64)
    s = lambda fan_in: 1.0 / np.sqrt(fan_in)
    # edge-update subnetwork u (deep_features='shared'): 2-layer MLP with tanh
    Wu1 = jax.random.normal(ks[3], (D, H), dtype=jnp.float32) * s(D)
    bu1 = jnp.zeros((H,), dtype=jnp.float32)
    Wu2 = jax.random.normal(ks[4], (H, D), dtype=jnp.float32) * s(H)
    bu2 = jnp.zeros((D,), dtype=jnp.float32)
    # node-update subnetwork g (update_rule='sum'): 2-layer MLP with tanh
    Wg1 = jax.random.normal(ks[5], (D, H), dtype=jnp.float32) * s(D)
    bg1 = jnp.zeros((H,), dtype=jnp.float32)
    Wg2 = jax.random.normal(ks[6], (H, D), dtype=jnp.float32) * s(H)
    bg2 = jnp.zeros((D,), dtype=jnp.float32)
    return {
        'x': x, 'edge_attr': edge_attr, 'edge_index': edge_index,
        'Wu1': Wu1, 'bu1': bu1, 'Wu2': Wu2, 'bu2': bu2,
        'Wg1': Wg1, 'bg1': bg1, 'Wg2': Wg2, 'bg2': bg2,
    }


def reference(x, edge_attr, edge_index, Wu1, bu1, Wu2, bu2, Wg1, bg1, Wg2, bg2):
    src = edge_index[0]
    dst = edge_index[1]
    n_nodes = x.shape[0]

    # --- update_edges (deep_features='shared'): u MLP over single edge array ---
    h = jnp.tanh(edge_attr @ Wu1 + bu1)
    e_new = h @ Wu2 + bu2
    # two_particle_residual
    edges = edge_attr + e_new

    # --- aggregate_edges_for_nodes: edge-gated message from src node, summed at dst ---
    msgs = edges * jnp.take(x, src, axis=0)
    f = jax.ops.segment_sum(msgs, dst, num_segments=n_nodes)

    # --- update_nodes (update_rule='sum'): g MLP on summed update features ---
    h2 = jnp.tanh(f @ Wg1 + bg1)
    upd = h2 @ Wg2 + bg2
    # one_particle_residual on electron embeddings
    nodes = x + upd

    return nodes, edges

if __name__ == "__main__":
    import jax
    _d = setup_inputs()
    print(jax.jit(kernel)(*tuple(_d.values())))

</pallas_src>

<mosaic_0001>
#map = affine_map<(d0, d1) -> (0, 0)>
#map1 = affine_map<(d0, d1) -> (0)>
#map2 = affine_map<(d0, d1) -> (0, 0, 0)>
module attributes {stable_mosaic.version = 14 : i64} {
  func.func @k(%arg0: i32, %arg1: i32, %arg2: memref<320000x128xf32, #tpu.memory_space<hbm>>, %arg3: memref<10000x128xf32, #tpu.memory_space<hbm>>, %arg4: memref<320000xi32, #tpu.memory_space<hbm>>, %arg5: memref<320000xi32, #tpu.memory_space<hbm>>, %arg6: memref<2x10000x128xf32, #tpu.memory_space<hbm>>, %arg7: memref<40xi32, #tpu.memory_space<vmem>>, %arg8: memref<40xi32, #tpu.memory_space<vmem>>, %arg9: memref<40xi32, #tpu.memory_space<vmem>>, %arg10: memref<40xi32, #tpu.memory_space<vmem>>, %arg11: memref<40xi32, #tpu.memory_space<vmem>>, %arg12: memref<40xi32, #tpu.memory_space<vmem>>, %arg13: memref<40xi32, #tpu.memory_space<vmem>>, %arg14: memref<40xi32, #tpu.memory_space<vmem>>, %arg15: memref<40x128xf32, #tpu.memory_space<vmem>>, %arg16: memref<40x128xf32, #tpu.memory_space<vmem>>, %arg17: memref<40x128xf32, #tpu.memory_space<vmem>>, %arg18: memref<40x128xf32, #tpu.memory_space<vmem>>, %arg19: memref<40x128xf32, #tpu.memory_space<vmem>>, %arg20: memref<40x128xf32, #tpu.memory_space<vmem>>, %arg21: memref<40x128xf32, #tpu.memory_space<vmem>>, %arg22: memref<40x128xf32, #tpu.memory_space<vmem>>, %arg23: memref<10000x128xf32, #tpu.memory_space<vmem_shared>>, %arg24: memref<!tpu.dma_semaphore, #tpu.memory_space<semaphore_mem>>, %arg25: memref<!tpu.dma_semaphore, #tpu.memory_space<semaphore_mem>>, %arg26: memref<!tpu.dma_semaphore, #tpu.memory_space<semaphore_mem>>, %arg27: memref<!tpu.dma_semaphore, #tpu.memory_space<semaphore_mem>>, %arg28: memref<!tpu.dma_semaphore, #tpu.memory_space<semaphore_mem>>, %arg29: memref<!tpu.dma_semaphore, #tpu.memory_space<semaphore_mem>>, %arg30: memref<!tpu.dma_semaphore, #tpu.memory_space<semaphore_mem>>, %arg31: memref<!tpu.dma_semaphore, #tpu.memory_space<semaphore_mem>>, %arg32: memref<!tpu.dma_semaphore, #tpu.memory_space<semaphore_mem>>, %arg33: memref<!tpu.dma_semaphore, #tpu.memory_space<semaphore_mem>>, %arg34: memref<!tpu.dma_semaphore, #tpu.memory_space<semaphore_mem>>, %arg35: memref<!tpu.dma_semaphore, #tpu.memory_space<semaphore_mem>>) attributes {dimension_semantics = [#tpu.dimension_semantics<core_parallel>, #tpu.dimension_semantics<subcore_parallel>], iteration_bounds = array<i64: 2, 16>, scalar_prefetch = 0 : i64, scratch_operands = 29 : i64, tpu.core_type = #tpu.core_type<sc_vector_subcore>, window_params = [{transform_indices = #map}, {transform_indices = #map}, {transform_indices = #map1}, {transform_indices = #map1}, {transform_indices = #map2}]} {
    %mul3A = arith.constant 2 : i32
    %mul3A_0 = arith.muli %arg1, %mul3A : i32
    %add3A = arith.addi %mul3A_0, %arg0 : i32
    %mul3A_1 = arith.constant 10000 : i32
    %mul3A_2 = arith.muli %add3A, %mul3A_1 : i32
    %parallel_loop3A = arith.constant 0 : i32
    %parallel_loop3A_3 = arith.constant 40 : i32
    %parallel_loop3A_4 = arith.constant 1 : i32
    scf.for %parallel_loop3A_152 = %parallel_loop3A to %parallel_loop3A_3 step %parallel_loop3A_4  : i32 {
      %parallel_loop3A_153 = arith.constant 0.000000e+00 : f32
      %parallel_loop3A_154 = vector.broadcast %parallel_loop3A_153 : f32 to vector<16xf32>
      %parallel_loop3A_155 = arith.index_cast %parallel_loop3A_152 : i32 to index
      %parallel_loop3A_156 = arith.constant 0 : index
      %parallel_loop3A_157 = tpu.vector_load %arg15[%parallel_loop3A_155, %parallel_loop3A_156] {strides = array<i32>} : memref<40x128xf32, #tpu.memory_space<vmem>>, vector<1x16xf32>,
      %parallel_loop3A_158 = vector.shape_cast %parallel_loop3A_157 : vector<1x16xf32> to vector<16xf32>
      %parallel_loop3A_159 = vector.shape_cast %parallel_loop3A_154 : vector<16xf32> to vector<1x16xf32>
      tpu.vector_store %arg15[%parallel_loop3A_155, %parallel_loop3A_156], %parallel_loop3A_159 {strides = array<i32>} : memref<40x128xf32, #tpu.memory_space<vmem>>, vector<1x16xf32>,
      %parallel_loop3A_160 = arith.constant 0.000000e+00 : f32
      %parallel_loop3A_161 = vector.broadcast %parallel_loop3A_160 : f32 to vector<16xf32>
      %parallel_loop3A_162 = arith.index_cast %parallel_loop3A_152 : i32 to index
      %parallel_loop3A_163 = arith.constant 16 : index
      %parallel_loop3A_164 = tpu.vector_load %arg15[%parallel_loop3A_162, %parallel_loop3A_163] {strides = array<i32>} : memref<40x128xf32, #tpu.memory_space<vmem>>, vector<1x16xf32>,
      %parallel_loop3A_165 = vector.shape_cast %parallel_loop3A_164 : vector<1x16xf32> to vector<16xf32>
      %parallel_loop3A_166 = vector.shape_cast %parallel_loop3A_161 : vector<16xf32> to vector<1x16xf32>
      tpu.vector_store %arg15[%parallel_loop3A_162, %parallel_loop3A_163], %parallel_loop3A_166 {strides = array<i32>} : memref<40x128xf32, #tpu.memory_space<vmem>>, vector<1x16xf32>,
      %parallel_loop3A_167 = arith.constant 0.000000e+00 : f32
      %parallel_loop3A_168 = vector.broadcast %parallel_loop3A_167 : f32 to vector<16xf32>
      %parallel_loop3A_169 = arith.index_cast %parallel_loop3A_152 : i32 to index
      %parallel_loop3A_170 = arith.constant 32 : index
      %parallel_loop3A_171 = tpu.vector_load %arg15[%parallel_loop3A_169, %parallel_loop3A_170] {strides = array<i32>} : memref<40x128xf32, #tpu.memory_space<vmem>>, vector<1x16xf32>,
      %parallel_loop3A_172 = vector.shape_cast %parallel_loop3A_171 : vector<1x16xf32> to vector<16xf32>
      %parallel_loop3A_173 = vector.shape_cast %parallel_loop3A_168 : vector<16xf32> to vector<1x16xf32>
      tpu.vector_store %arg15[%parallel_loop3A_169, %parallel_loop3A_170], %parallel_loop3A_173 {strides = array<i32>} : memref<40x128xf32, #tpu.memory_space<vmem>>, vector<1x16xf32>,
      %parallel_loop3A_174 = arith.constant 0.000000e+00 : f32
      %parallel_loop3A_175 = vector.broadcast %parallel_loop3A_174 : f32 to vector<16xf32>
      %parallel_loop3A_176 = arith.index_cast %parallel_loop3A_152 : i32 to index
      %parallel_loop3A_177 = arith.constant 48 : index
      %parallel_loop3A_178 = tpu.vector_load %arg15[%parallel_loop3A_176, %parallel_loop3A_177] {strides = array<i32>} : memref<40x128xf32, #tpu.memory_space<vmem>>, vector<1x16xf32>,
      %parallel_loop3A_179 = vector.shape_cast %parallel_loop3A_178 : vector<1x16xf32> to vector<16xf32>
      %parallel_loop3A_180 = vector.shape_cast %parallel_loop3A_175 : vector<16xf32> to vector<1x16xf32>
      tpu.vector_store %arg15[%parallel_loop3A_176, %parallel_loop3A_177], %parallel_loop3A_180 {strides = array<i32>} : memref<40x128xf32, #tpu.memory_space<vmem>>, vector<1x16xf32>,
      %parallel_loop3A_181 = arith.constant 0.000000e+00 : f32
      %parallel_loop3A_182 = vector.broadcast %parallel_loop3A_181 : f32 to vector<16xf32>
      %parallel_loop3A_183 = arith.index_cast %parallel_loop3A_152 : i32 to index
      %parallel_loop3A_184 = arith.constant 64 : index
      %parallel_loop3A_185 = tpu.vector_load %arg15[%parallel_loop3A_183, %parallel_loop3A_184] {strides = array<i32>} : memref<40x128xf32, #tpu.memory_space<vmem>>, vector<1x16xf32>,
      %parallel_loop3A_186 = vector.shape_cast %parallel_loop3A_185 : vector<1x16xf32> to vector<16xf32>
      %parallel_loop3A_187 = vector.shape_cast %parallel_loop3A_182 : vector<16xf32> to vector<1x16xf32>
      tpu.vector_store %arg15[%parallel_loop3A_183, %parallel_loop3A_184], %parallel_loop3A_187 {strides = array<i32>} : memref<40x128xf32, #tpu.memory_space<vmem>>, vector<1x16xf32>,
      %parallel_loop3A_188 = arith.constant 0.000000e+00 : f32
      %parallel_loop3A_189 = vector.broadcast %parallel_loop3A_188 : f32 to vector<16xf32>
      %parallel_loop3A_190 = arith.index_cast %parallel_loop3A_152 : i32 to index
      %parallel_loop3A_191 = arith.constant 80 : index
      %parallel_loop3A_192 = tpu.vector_load %arg15[%parallel_loop3A_190, %parallel_loop3A_191] {strides = array<i32>} : memref<40x128xf32, #tpu.memory_space<vmem>>, vector<1x16xf32>,
      %parallel_loop3A_193 = vector.shape_cast %parallel_loop3A_192 : vector<1x16xf32> to vector<16xf32>
      %parallel_loop3A_194 = vector.shape_cast %parallel_loop3A_189 : vector<16xf32> to vector<1x16xf32>
      tpu.vector_store %arg15[%parallel_loop3A_190, %parallel_loop3A_191], %parallel_loop3A_194 {strides = array<i32>} : memref<40x128xf32, #tpu.memory_space<vmem>>, vector<1x16xf32>,
      %parallel_loop3A_195 = arith.constant 0.000000e+00 : f32
      %parallel_loop3A_196 = vector.broadcast %parallel_loop3A_195 : f32 to vector<16xf32>
      %parallel_loop3A_197 = arith.index_cast %parallel_loop3A_152 : i32 to index
      %parallel_loop3A_198 = arith.constant 96 : index
      %parallel_loop3A_199 = tpu.vector_load %arg15[%parallel_loop3A_197, %parallel_loop3A_198] {strides = array<i32>} : memref<40x128xf32, #tpu.memory_space<vmem>>, vector<1x16xf32>,
      %parallel_loop3A_200 = vector.shape_cast %parallel_loop3A_199 : vector<1x16xf32> to vector<16xf32>
      %parallel_loop3A_201 = vector.shape_cast %parallel_loop3A_196 : vector<16xf32> to vector<1x16xf32>
      tpu.vector_store %arg15[%parallel_loop3A_197, %parallel_loop3A_198], %parallel_loop3A_201 {strides = array<i32>} : memref<40x128xf32, #tpu.memory_space<vmem>>, vector<1x16xf32>,
      %parallel_loop3A_202 = arith.constant 0.000000e+00 : f32
      %parallel_loop3A_203 = vector.broadcast %parallel_loop3A_202 : f32 to vector<16xf32>
      %parallel_loop3A_204 = arith.index_cast %parallel_loop3A_152 : i32 to index
      %parallel_loop3A_205 = arith.constant 112 : index
      %parallel_loop3A_206 = tpu.vector_load %arg15[%parallel_loop3A_204, %parallel_loop3A_205] {strides = array<i32>} : memref<40x128xf32, #tpu.memory_space<vmem>>, vector<1x16xf32>,
      %parallel_loop3A_207 = vector.shape_cast %parallel_loop3A_206 : vector<1x16xf32> to vector<16xf32>
      %parallel_loop3A_208 = vector.shape_cast %parallel_loop3A_203 : vector<16xf32> to vector<1x16xf32>
      tpu.vector_store %arg15[%parallel_loop3A_204, %parallel_loop3A_205], %parallel_loop3A_208 {strides = array<i32>} : memref<40x128xf32, #tpu.memory_space<vmem>>, vector<1x16xf32>,
    } {sc.loop_unroll_factor = 2 : i64, sc.parallel_access}
    %mul3A_5 = arith.constant 624 : i32
    %mul3A_6 = arith.muli %arg1, %mul3A_5 : i32
    %add3A_7 = arith.constant 0 : i32
    %add3A_8 = arith.addi %mul3A_6, %add3A_7 : i32
    "tpu.region"() ({
      %run_scoped3A = tpu.sem_alloc : memref<!tpu.dma_semaphore, #tpu.memory_space<semaphore_mem>>
      %dma_start3A_152 = arith.constant 0 : i32
      %dma_start3A_153 = tpu.memref_slice %arg23[%add3A_8, %dma_start3A_152] : memref<10000x128xf32, #tpu.memory_space<vmem_shared>> -> memref<40x128xf32, #tpu.memory_space<vmem_shared>>
      %dma_start3A_154 = arith.constant 0 : i32
      %dma_start3A_155 = tpu.memref_slice %arg23[%add3A_8, %dma_start3A_154] : memref<10000x128xf32, #tpu.memory_space<vmem_shared>> -> memref<40x128xf32, #tpu.memory_space<vmem_shared>>
      tpu.enqueue_dma source(%arg15 : memref<40x128xf32, #tpu.memory_space<vmem>>) target(%dma_start3A_155 : memref<40x128xf32, #tpu.memory_space<vmem_shared>>) target_semaphore(%run_scoped3A : memref<!tpu.dma_semaphore, #tpu.memory_space<semaphore_mem>>)
      %dma_wait3A_156 = arith.constant 0 : i32
      %dma_wait3A_157 = tpu.memref_slice %arg23[%add3A_8, %dma_wait3A_156] : memref<10000x128xf32, #tpu.memory_space<vmem_shared>> -> memref<40x128xf32, #tpu.memory_space<vmem_shared>>
      %dma_wait3A_158 = arith.constant 0 : i32
      %dma_wait3A_159 = tpu.memref_slice %arg23[%add3A_8, %dma_wait3A_158] : memref<10000x128xf32, #tpu.memory_space<vmem_shared>> -> memref<40x128xf32, #tpu.memory_space<vmem_shared>>
      tpu.wait_dma2 semaphore(%run_scoped3A : memref<!tpu.dma_semaphore, #tpu.memory_space<semaphore_mem>>) src(%arg15 : memref<40x128xf32, #tpu.memory_space<vmem>>) dst(%dma_wait3A_159 : memref<40x128xf32, #tpu.memory_space<vmem_shared>>)
      tpu.yield
    }) : () -> ()
    %add3A_9 = arith.constant 40 : i32
    %add3A_10 = arith.addi %mul3A_6, %add3A_9 : i32
    "tpu.region"() ({
      %run_scoped3A = tpu.sem_alloc : memref<!tpu.dma_semaphore, #tpu.memory_space<semaphore_mem>>
      %dma_start3A_152 = arith.constant 0 : i32
      %dma_start3A_153 = tpu.memref_slice %arg23[%add3A_10, %dma_start3A_152] : memref<10000x128xf32, #tpu.memory_space<vmem_shared>> -> memref<40x128xf32, #tpu.memory_space<vmem_shared>>
      %dma_start3A_154 = arith.constant 0 : i32
      %dma_start3A_155 = tpu.memref_slice %arg23[%add3A_10, %dma_start3A_154] : memref<10000x128xf32, #tpu.memory_space<vmem_shared>> -> memref<40x128xf32, #tpu.memory_space<vmem_shared>>
      tpu.enqueue_dma source(%arg15 : memref<40x128xf32, #tpu.memory_space<vmem>>) target(%dma_start3A_155 : memref<40x128xf32, #tpu.memory_space<vmem_shared>>) target_semaphore(%run_scoped3A : memref<!tpu.dma_semaphore, #tpu.memory_space<semaphore_mem>>)
      %dma_wait3A_156 = arith.constant 0 : i32
      %dma_wait3A_157 = tpu.memref_slice %arg23[%add3A_10, %dma_wait3A_156] : memref<10000x128xf32, #tpu.memory_space<vmem_shared>> -> memref<40x128xf32, #tpu.memory_space<vmem_shared>>
      %dma_wait3A_158 = arith.constant 0 : i32
      %dma_wait3A_159 = tpu.memref_slice %arg23[%add3A_10, %dma_wait3A_158] : memref<10000x128xf32, #tpu.memory_space<vmem_shared>> -> memref<40x128xf32, #tpu.memory_space<vmem_shared>>
      tpu.wait_dma2 semaphore(%run_scoped3A : memref<!tpu.dma_semaphore, #tpu.memory_space<semaphore_mem>>) src(%arg15 : memref<40x128xf32, #tpu.memory_space<vmem>>) dst(%dma_wait3A_159 : memref<40x128xf32, #tpu.memory_space<vmem_shared>>)
      tpu.yield
    }) : () -> ()
    %add3A_11 = arith.constant 80 : i32
    %add3A_12 = arith.addi %mul3A_6, %add3A_11 : i32
    "tpu.region"() ({
      %run_scoped3A = tpu.sem_alloc : memref<!tpu.dma_semaphore, #tpu.memory_space<semaphore_mem>>
      %dma_start3A_152 = arith.constant 0 : i32
      %dma_start3A_153 = tpu.memref_slice %arg23[%add3A_12, %dma_start3A_152] : memref<10000x128xf32, #tpu.memory_space<vmem_shared>> -> memref<40x128xf32, #tpu.memory_space<vmem_shared>>
      %dma_start3A_154 = arith.constant 0 : i32
      %dma_start3A_155 = tpu.memref_slice %arg23[%add3A_12, %dma_start3A_154] : memref<10000x128xf32, #tpu.memory_space<vmem_shared>> -> memref<40x128xf32, #tpu.memory_space<vmem_shared>>
      tpu.enqueue_dma source(%arg15 : memref<40x128xf32, #tpu.memory_space<vmem>>) target(%dma_start3A_155 : memref<40x128xf32, #tpu.memory_space<vmem_shared>>) target_semaphore(%run_scoped3A : memref<!tpu.dma_semaphore, #tpu.memory_space<semaphore_mem>>)
      %dma_wait3A_156 = arith.constant 0 : i32
      %dma_wait3A_157 = tpu.memref_slice %arg23[%add3A_12, %dma_wait3A_156] : memref<10000x128xf32, #tpu.memory_space<vmem_shared>> -> memref<40x128xf32, #tpu.memory_space<vmem_shared>>
      %dma_wait3A_158 = arith.constant 0 : i32
      %dma_wait3A_159 = tpu.memref_slice %arg23[%add3A_12, %dma_wait3A_158] : memref<10000x128xf32, #tpu.memory_space<vmem_shared>> -> memref<40x128xf32, #tpu.memory_space<vmem_shared>>
      tpu.wait_dma2 semaphore(%run_scoped3A : memref<!tpu.dma_semaphore, #tpu.memory_space<semaphore_mem>>) src(%arg15 : memref<40x128xf32, #tpu.memory_space<vmem>>) dst(%dma_wait3A_159 : memref<40x128xf32, #tpu.memory_space<vmem_shared>>)
      tpu.yield
    }) : () -> ()
    %add3A_13 = arith.constant 120 : i32
    %add3A_14 = arith.addi %mul3A_6, %add3A_13 : i32
    "tpu.region"() ({
      %run_scoped3A = tpu.sem_alloc : memref<!tpu.dma_semaphore, #tpu.memory_space<semaphore_mem>>
      %dma_start3A_152 = arith.constant 0 : i32
      %dma_start3A_153 = tpu.memref_slice %arg23[%add3A_14, %dma_start3A_152] : memref<10000x128xf32, #tpu.memory_space<vmem_shared>> -> memref<40x128xf32, #tpu.memory_space<vmem_shared>>
      %dma_start3A_154 = arith.constant 0 : i32
      %dma_start3A_155 = tpu.memref_slice %arg23[%add3A_14, %dma_start3A_154] : memref<10000x128xf32, #tpu.memory_space<vmem_shared>> -> memref<40x128xf32, #tpu.memory_space<vmem_shared>>
      tpu.enqueue_dma source(%arg15 : memref<40x128xf32, #tpu.memory_space<vmem>>) target(%dma_start3A_155 : memref<40x128xf32, #tpu.memory_space<vmem_shared>>) target_semaphore(%run_scoped3A : memref<!tpu.dma_semaphore, #tpu.memory_space<semaphore_mem>>)
      %dma_wait3A_156 = arith.constant 0 : i32
      %dma_wait3A_157 = tpu.memref_slice %arg23[%add3A_14, %dma_wait3A_156] : memref<10000x128xf32, #tpu.memory_space<vmem_shared>> -> memref<40x128xf32, #tpu.memory_space<vmem_shared>>
      %dma_wait3A_158 = arith.constant 0 : i32
      %dma_wait3A_159 = tpu.memref_slice %arg23[%add3A_14, %dma_wait3A_158] : memref<10000x128xf32, #tpu.memory_space<vmem_shared>> -> memref<40x128xf32, #tpu.memory_space<vmem_shared>>
      tpu.wait_dma2 semaphore(%run_scoped3A : memref<!tpu.dma_semaphore, #tpu.memory_space<semaphore_mem>>) src(%arg15 : memref<40x128xf32, #tpu.memory_space<vmem>>) dst(%dma_wait3A_159 : memref<40x128xf32, #tpu.memory_space<vmem_shared>>)
      tpu.yield
    }) : () -> ()
    %add3A_15 = arith.constant 160 : i32
    %add3A_16 = arith.addi %mul3A_6, %add3A_15 : i32
    "tpu.region"() ({
      %run_scoped3A = tpu.sem_alloc : memref<!tpu.dma_semaphore, #tpu.memory_space<semaphore_mem>>
      %dma_start3A_152 = arith.constant 0 : i32
      %dma_start3A_153 = tpu.memref_slice %arg23[%add3A_16, %dma_start3A_152] : memref<10000x128xf32, #tpu.memory_space<vmem_shared>> -> memref<40x128xf32, #tpu.memory_space<vmem_shared>>
      %dma_start3A_154 = arith.constant 0 : i32
      %dma_start3A_155 = tpu.memref_slice %arg23[%add3A_16, %dma_start3A_154] : memref<10000x128xf32, #tpu.memory_space<vmem_shared>> -> memref<40x128xf32, #tpu.memory_space<vmem_shared>>
      tpu.enqueue_dma source(%arg15 : memref<40x128xf32, #tpu.memory_space<vmem>>) target(%dma_start3A_155 : memref<40x128xf32, #tpu.memory_space<vmem_shared>>) target_semaphore(%run_scoped3A : memref<!tpu.dma_semaphore, #tpu.memory_space<semaphore_mem>>)
      %dma_wait3A_156 = arith.constant 0 : i32
      %dma_wait3A_157 = tpu.memref_slice %arg23[%add3A_16, %dma_wait3A_156] : memref<10000x128xf32, #tpu.memory_space<vmem_shared>> -> memref<40x128xf32, #tpu.memory_space<vmem_shared>>
      %dma_wait3A_158 = arith.constant 0 : i32
      %dma_wait3A_159 = tpu.memref_slice %arg23[%add3A_16, %dma_wait3A_158] : memref<10000x128xf32, #tpu.memory_space<vmem_shared>> -> memref<40x128xf32, #tpu.memory_space<vmem_shared>>
      tpu.wait_dma2 semaphore(%run_scoped3A : memref<!tpu.dma_semaphore, #tpu.memory_space<semaphore_mem>>) src(%arg15 : memref<40x128xf32, #tpu.memory_space<vmem>>) dst(%dma_wait3A_159 : memref<40x128xf32, #tpu.memory_space<vmem_shared>>)
      tpu.yield
    }) : () -> ()
    %add3A_17 = arith.constant 200 : i32
    %add3A_18 = arith.addi %mul3A_6, %add3A_17 : i32
    "tpu.region"() ({
      %run_scoped3A = tpu.sem_alloc : memref<!tpu.dma_semaphore, #tpu.memory_space<semaphore_mem>>
      %dma_start3A_152 = arith.constant 0 : i32
      %dma_start3A_153 = tpu.memref_slice %arg23[%add3A_18, %dma_start3A_152] : memref<10000x128xf32, #tpu.memory_space<vmem_shared>> -> memref<40x128xf32, #tpu.memory_space<vmem_shared>>
      %dma_start3A_154 = arith.constant 0 : i32
      %dma_start3A_155 = tpu.memref_slice %arg23[%add3A_18, %dma_start3A_154] : memref<10000x128xf32, #tpu.memory_space<vmem_shared>> -> memref<40x128xf32, #tpu.memory_space<vmem_shared>>
      tpu.enqueue_dma source(%arg15 : memref<40x128xf32, #tpu.memory_space<vmem>>) target(%dma_start3A_155 : memref<40x128xf32, #tpu.memory_space<vmem_shared>>) target_semaphore(%run_scoped3A : memref<!tpu.dma_semaphore, #tpu.memory_space<semaphore_mem>>)
      %dma_wait3A_156 = arith.constant 0 : i32
      %dma_wait3A_157 = tpu.memref_slice %arg23[%add3A_18, %dma_wait3A_156] : memref<10000x128xf32, #tpu.memory_space<vmem_shared>> -> memref<40x128xf32, #tpu.memory_space<vmem_shared>>
      %dma_wait3A_158 = arith.constant 0 : i32
      %dma_wait3A_159 = tpu.memref_slice %arg23[%add3A_18, %dma_wait3A_158] : memref<10000x128xf32, #tpu.memory_space<vmem_shared>> -> memref<40x128xf32, #tpu.memory_space<vmem_shared>>
      tpu.wait_dma2 semaphore(%run_scoped3A : memref<!tpu.dma_semaphore, #tpu.memory_space<semaphore_mem>>) src(%arg15 : memref<40x128xf32, #tpu.memory_space<vmem>>) dst(%dma_wait3A_159 : memref<40x128xf32, #tpu.memory_space<vmem_shared>>)
      tpu.yield
    }) : () -> ()
    %add3A_19 = arith.constant 240 : i32
    %add3A_20 = arith.addi %mul3A_6, %add3A_19 : i32
    "tpu.region"() ({
      %run_scoped3A = tpu.sem_alloc : memref<!tpu.dma_semaphore, #tpu.memory_space<semaphore_mem>>
      %dma_start3A_152 = arith.constant 0 : i32
      %dma_start3A_153 = tpu.memref_slice %arg23[%add3A_20, %dma_start3A_152] : memref<10000x128xf32, #tpu.memory_space<vmem_shared>> -> memref<40x128xf32, #tpu.memory_space<vmem_shared>>
      %dma_start3A_154 = arith.constant 0 : i32
      %dma_start3A_155 = tpu.memref_slice %arg23[%add3A_20, %dma_start3A_154] : memref<10000x128xf32, #tpu.memory_space<vmem_shared>> -> memref<40x128xf32, #tpu.memory_space<vmem_shared>>
      tpu.enqueue_dma source(%arg15 : memref<40x128xf32, #tpu.memory_space<vmem>>) target(%dma_start3A_155 : memref<40x128xf32, #tpu.memory_space<vmem_shared>>) target_semaphore(%run_scoped3A : memref<!tpu.dma_semaphore, #tpu.memory_space<semaphore_mem>>)
      %dma_wait3A_156 = arith.constant 0 : i32
      %dma_wait3A_157 = tpu.memref_slice %arg23[%add3A_20, %dma_wait3A_156] : memref<10000x128xf32, #tpu.memory_space<vmem_shared>> -> memref<40x128xf32, #tpu.memory_space<vmem_shared>>
      %dma_wait3A_158 = arith.constant 0 : i32
      %dma_wait3A_159 = tpu.memref_slice %arg23[%add3A_20, %dma_wait3A_158] : memref<10000x128xf32, #tpu.memory_space<vmem_shared>> -> memref<40x128xf32, #tpu.memory_space<vmem_shared>>
      tpu.wait_dma2 semaphore(%run_scoped3A : memref<!tpu.dma_semaphore, #tpu.memory_space<semaphore_mem>>) src(%arg15 : memref<40x128xf32, #tpu.memory_space<vmem>>) dst(%dma_wait3A_159 : memref<40x128xf32, #tpu.memory_space<vmem_shared>>)
      tpu.yield
    }) : () -> ()
    %add3A_21 = arith.constant 280 : i32
    %add3A_22 = arith.addi %mul3A_6, %add3A_21 : i32
    "tpu.region"() ({
      %run_scoped3A = tpu.sem_alloc : memref<!tpu.dma_semaphore, #tpu.memory_space<semaphore_mem>>
      %dma_start3A_152 = arith.constant 0 : i32
      %dma_start3A_153 = tpu.memref_slice %arg23[%add3A_22, %dma_start3A_152] : memref<10000x128xf32, #tpu.memory_space<vmem_shared>> -> memref<40x128xf32, #tpu.memory_space<vmem_shared>>
      %dma_start3A_154 = arith.constant 0 : i32
      %dma_start3A_155 = tpu.memref_slice %arg23[%add3A_22, %dma_start3A_154] : memref<10000x128xf32, #tpu.memory_space<vmem_shared>> -> memref<40x128xf32, #tpu.memory_space<vmem_shared>>
      tpu.enqueue_dma source(%arg15 : memref<40x128xf32, #tpu.memory_space<vmem>>) target(%dma_start3A_155 : memref<40x128xf32, #tpu.memory_space<vmem_shared>>) target_semaphore(%run_scoped3A : memref<!tpu.dma_semaphore, #tpu.memory_space<semaphore_mem>>)
      %dma_wait3A_156 = arith.constant 0 : i32
      %dma_wait3A_157 = tpu.memref_slice %arg23[%add3A_22, %dma_wait3A_156] : memref<10000x128xf32, #tpu.memory_space<vmem_shared>> -> memref<40x128xf32, #tpu.memory_space<vmem_shared>>
      %dma_wait3A_158 = arith.constant 0 : i32
      %dma_wait3A_159 = tpu.memref_slice %arg23[%add3A_22, %dma_wait3A_158] : memref<10000x128xf32, #tpu.memory_space<vmem_shared>> -> memref<40x128xf32, #tpu.memory_space<vmem_shared>>
      tpu.wait_dma2 semaphore(%run_scoped3A : memref<!tpu.dma_semaphore, #tpu.memory_space<semaphore_mem>>) src(%arg15 : memref<40x128xf32, #tpu.memory_space<vmem>>) dst(%dma_wait3A_159 : memref<40x128xf32, #tpu.memory_space<vmem_shared>>)
      tpu.yield
    }) : () -> ()
    %add3A_23 = arith.constant 320 : i32
    %add3A_24 = arith.addi %mul3A_6, %add3A_23 : i32
    "tpu.region"() ({
      %run_scoped3A = tpu.sem_alloc : memref<!tpu.dma_semaphore, #tpu.memory_space<semaphore_mem>>
      %dma_start3A_152 = arith.constant 0 : i32
      %dma_start3A_153 = tpu.memref_slice %arg23[%add3A_24, %dma_start3A_152] : memref<10000x128xf32, #tpu.memory_space<vmem_shared>> -> memref<40x128xf32, #tpu.memory_space<vmem_shared>>
      %dma_start3A_154 = arith.constant 0 : i32
      %dma_start3A_155 = tpu.memref_slice %arg23[%add3A_24, %dma_start3A_154] : memref<10000x128xf32, #tpu.memory_space<vmem_shared>> -> memref<40x128xf32, #tpu.memory_space<vmem_shared>>
      tpu.enqueue_dma source(%arg15 : memref<40x128xf32, #tpu.memory_space<vmem>>) target(%dma_start3A_155 : memref<40x128xf32, #tpu.memory_space<vmem_shared>>) target_semaphore(%run_scoped3A : memref<!tpu.dma_semaphore, #tpu.memory_space<semaphore_mem>>)
      %dma_wait3A_156 = arith.constant 0 : i32
      %dma_wait3A_157 = tpu.memref_slice %arg23[%add3A_24, %dma_wait3A_156] : memref<10000x128xf32, #tpu.memory_space<vmem_shared>> -> memref<40x128xf32, #tpu.memory_space<vmem_shared>>
      %dma_wait3A_158 = arith.constant 0 : i32
      %dma_wait3A_159 = tpu.memref_slice %arg23[%add3A_24, %dma_wait3A_158] : memref<10000x128xf32, #tpu.memory_space<vmem_shared>> -> memref<40x128xf32, #tpu.memory_space<vmem_shared>>
      tpu.wait_dma2 semaphore(%run_scoped3A : memref<!tpu.dma_semaphore, #tpu.memory_space<semaphore_mem>>) src(%arg15 : memref<40x128xf32, #tpu.memory_space<vmem>>) dst(%dma_wait3A_159 : memref<40x128xf32, #tpu.memory_space<vmem_shared>>)
      tpu.yield
    }) : () -> ()
    %add3A_25 = arith.constant 360 : i32
    %add3A_26 = arith.addi %mul3A_6, %add3A_25 : i32
    "tpu.region"() ({
      %run_scoped3A = tpu.sem_alloc : memref<!tpu.dma_semaphore, #tpu.memory_space<semaphore_mem>>
      %dma_start3A_152 = arith.constant 0 : i32
      %dma_start3A_153 = tpu.memref_slice %arg23[%add3A_26, %dma_start3A_152] : memref<10000x128xf32, #tpu.memory_space<vmem_shared>> -> memref<40x128xf32, #tpu.memory_space<vmem_shared>>
      %dma_start3A_154 = arith.constant 0 : i32
      %dma_start3A_155 = tpu.memref_slice %arg23[%add3A_26, %dma_start3A_154] : memref<10000x128xf32, #tpu.memory_space<vmem_shared>> -> memref<40x128xf32, #tpu.memory_space<vmem_shared>>
      tpu.enqueue_dma source(%arg15 : memref<40x128xf32, #tpu.memory_space<vmem>>) target(%dma_start3A_155 : memref<40x128xf32, #tpu.memory_space<vmem_shared>>) target_semaphore(%run_scoped3A : memref<!tpu.dma_semaphore, #tpu.memory_space<semaphore_mem>>)
      %dma_wait3A_156 = arith.constant 0 : i32
      %dma_wait3A_157 = tpu.memref_slice %arg23[%add3A_26, %dma_wait3A_156] : memref<10000x128xf32, #tpu.memory_space<vmem_shared>> -> memref<40x128xf32, #tpu.memory_space<vmem_shared>>
      %dma_wait3A_158 = arith.constant 0 : i32
      %dma_wait3A_159 = tpu.memref_slice %arg23[%add3A_26, %dma_wait3A_158] : memref<10000x128xf32, #tpu.memory_space<vmem_shared>> -> memref<40x128xf32, #tpu.memory_space<vmem_shared>>
      tpu.wait_dma2 semaphore(%run_scoped3A : memref<!tpu.dma_semaphore, #tpu.memory_space<semaphore_mem>>) src(%arg15 : memref<40x128xf32, #tpu.memory_space<vmem>>) dst(%dma_wait3A_159 : memref<40x128xf32, #tpu.memory_space<vmem_shared>>)
      tpu.yield
    }) : () -> ()
    %add3A_27 = arith.constant 400 : i32
    %add3A_28 = arith.addi %mul3A_6, %add3A_27 : i32
    "tpu.region"() ({
      %run_scoped3A = tpu.sem_alloc : memref<!tpu.dma_semaphore, #tpu.memory_space<semaphore_mem>>
      %dma_start3A_152 = arith.constant 0 : i32
      %dma_start3A_153 = tpu.memref_slice %arg23[%add3A_28, %dma_start3A_152] : memref<10000x128xf32, #tpu.memory_space<vmem_shared>> -> memref<40x128xf32, #tpu.memory_space<vmem_shared>>
      %dma_start3A_154 = arith.constant 0 : i32
      %dma_start3A_155 = tpu.memref_slice %arg23[%add3A_28, %dma_start3A_154] : memref<10000x128xf32, #tpu.memory_space<vmem_shared>> -> memref<40x128xf32, #tpu.memory_space<vmem_shared>>
      tpu.enqueue_dma source(%arg15 : memref<40x128xf32, #tpu.memory_space<vmem>>) target(%dma_start3A_155 : memref<40x128xf32, #tpu.memory_space<vmem_shared>>) target_semaphore(%run_scoped3A : memref<!tpu.dma_semaphore, #tpu.memory_space<semaphore_mem>>)
      %dma_wait3A_156 = arith.constant 0 : i32
      %dma_wait3A_157 = tpu.memref_slice %arg23[%add3A_28, %dma_wait3A_156] : memref<10000x128xf32, #tpu.memory_space<vmem_shared>> -> memref<40x128xf32, #tpu.memory_space<vmem_shared>>
      %dma_wait3A_158 = arith.constant 0 : i32
      %dma_wait3A_159 = tpu.memref_slice %arg23[%add3A_28, %dma_wait3A_158] : memref<10000x128xf32, #tpu.memory_space<vmem_shared>> -> memref<40x128xf32, #tpu.memory_space<vmem_shared>>
      tpu.wait_dma2 semaphore(%run_scoped3A : memref<!tpu.dma_semaphore, #tpu.memory_space<semaphore_mem>>) src(%arg15 : memref<40x128xf32, #tpu.memory_space<vmem>>) dst(%dma_wait3A_159 : memref<40x128xf32, #tpu.memory_space<vmem_shared>>)
      tpu.yield
    }) : () -> ()
    %add3A_29 = arith.constant 440 : i32
    %add3A_30 = arith.addi %mul3A_6, %add3A_29 : i32
    "tpu.region"() ({
      %run_scoped3A = tpu.sem_alloc : memref<!tpu.dma_semaphore, #tpu.memory_space<semaphore_mem>>
      %dma_start3A_152 = arith.constant 0 : i32
      %dma_start3A_153 = tpu.memref_slice %arg23[%add3A_30, %dma_start3A_152] : memref<10000x128xf32, #tpu.memory_space<vmem_shared>> -> memref<40x128xf32, #tpu.memory_space<vmem_shared>>
      %dma_start3A_154 = arith.constant 0 : i32
      %dma_start3A_155 = tpu.memref_slice %arg23[%add3A_30, %dma_start3A_154] : memref<10000x128xf32, #tpu.memory_space<vmem_shared>> -> memref<40x128xf32, #tpu.memory_space<vmem_shared>>
      tpu.enqueue_dma source(%arg15 : memref<40x128xf32, #tpu.memory_space<vmem>>) target(%dma_start3A_155 : memref<40x128xf32, #tpu.memory_space<vmem_shared>>) target_semaphore(%run_scoped3A : memref<!tpu.dma_semaphore, #tpu.memory_space<semaphore_mem>>)
      %dma_wait3A_156 = arith.constant 0 : i32
      %dma_wait3A_157 = tpu.memref_slice %arg23[%add3A_30, %dma_wait3A_156] : memref<10000x128xf32, #tpu.memory_space<vmem_shared>> -> memref<40x128xf32, #tpu.memory_space<vmem_shared>>
      %dma_wait3A_158 = arith.constant 0 : i32
      %dma_wait3A_159 = tpu.memref_slice %arg23[%add3A_30, %dma_wait3A_158] : memref<10000x128xf32, #tpu.memory_space<vmem_shared>> -> memref<40x128xf32, #tpu.memory_space<vmem_shared>>
      tpu.wait_dma2 semaphore(%run_scoped3A : memref<!tpu.dma_semaphore, #tpu.memory_space<semaphore_mem>>) src(%arg15 : memref<40x128xf32, #tpu.memory_space<vmem>>) dst(%dma_wait3A_159 : memref<40x128xf32, #tpu.memory_space<vmem_shared>>)
      tpu.yield
    }) : () -> ()
    %add3A_31 = arith.constant 480 : i32
    %add3A_32 = arith.addi %mul3A_6, %add3A_31 : i32
    "tpu.region"() ({
      %run_scoped3A = tpu.sem_alloc : memref<!tpu.dma_semaphore, #tpu.memory_space<semaphore_mem>>
      %dma_start3A_152 = arith.constant 0 : i32
      %dma_start3A_153 = tpu.memref_slice %arg23[%add3A_32, %dma_start3A_152] : memref<10000x128xf32, #tpu.memory_space<vmem_shared>> -> memref<40x128xf32, #tpu.memory_space<vmem_shared>>
      %dma_start3A_154 = arith.constant 0 : i32
      %dma_start3A_155 = tpu.memref_slice %arg23[%add3A_32, %dma_start3A_154] : memref<10000x128xf32, #tpu.memory_space<vmem_shared>> -> memref<40x128xf32, #tpu.memory_space<vmem_shared>>
      tpu.enqueue_dma source(%arg15 : memref<40x128xf32, #tpu.memory_space<vmem>>) target(%dma_start3A_155 : memref<40x128xf32, #tpu.memory_space<vmem_shared>>) target_semaphore(%run_scoped3A : memref<!tpu.dma_semaphore, #tpu.memory_space<semaphore_mem>>)
      %dma_wait3A_156 = arith.constant 0 : i32
      %dma_wait3A_157 = tpu.memref_slice %arg23[%add3A_32, %dma_wait3A_156] : memref<10000x128xf32, #tpu.memory_space<vmem_shared>> -> memref<40x128xf32, #tpu.memory_space<vmem_shared>>
      %dma_wait3A_158 = arith.constant 0 : i32
      %dma_wait3A_159 = tpu.memref_slice %arg23[%add3A_32, %dma_wait3A_158] : memref<10000x128xf32, #tpu.memory_space<vmem_shared>> -> memref<40x128xf32, #tpu.memory_space<vmem_shared>>
      tpu.wait_dma2 semaphore(%run_scoped3A : memref<!tpu.dma_semaphore, #tpu.memory_space<semaphore_mem>>) src(%arg15 : memref<40x128xf32, #tpu.memory_space<vmem>>) dst(%dma_wait3A_159 : memref<40x128xf32, #tpu.memory_space<vmem_shared>>)
      tpu.yield
    }) : () -> ()
    %add3A_33 = arith.constant 520 : i32
    %add3A_34 = arith.addi %mul3A_6, %add3A_33 : i32
    "tpu.region"() ({
      %run_scoped3A = tpu.sem_alloc : memref<!tpu.dma_semaphore, #tpu.memory_space<semaphore_mem>>
      %dma_start3A_152 = arith.constant 0 : i32
      %dma_start3A_153 = tpu.memref_slice %arg23[%add3A_34, %dma_start3A_152] : memref<10000x128xf32, #tpu.memory_space<vmem_shared>> -> memref<40x128xf32, #tpu.memory_space<vmem_shared>>
      %dma_start3A_154 = arith.constant 0 : i32
      %dma_start3A_155 = tpu.memref_slice %arg23[%add3A_34, %dma_start3A_154] : memref<10000x128xf32, #tpu.memory_space<vmem_shared>> -> memref<40x128xf32, #tpu.memory_space<vmem_shared>>
      tpu.enqueue_dma source(%arg15 : memref<40x128xf32, #tpu.memory_space<vmem>>) target(%dma_start3A_155 : memref<40x128xf32, #tpu.memory_space<vmem_shared>>) target_semaphore(%run_scoped3A : memref<!tpu.dma_semaphore, #tpu.memory_space<semaphore_mem>>)
      %dma_wait3A_156 = arith.constant 0 : i32
      %dma_wait3A_157 = tpu.memref_slice %arg23[%add3A_34, %dma_wait3A_156] : memref<10000x128xf32, #tpu.memory_space<vmem_shared>> -> memref<40x128xf32, #tpu.memory_space<vmem_shared>>
      %dma_wait3A_158 = arith.constant 0 : i32
      %dma_wait3A_159 = tpu.memref_slice %arg23[%add3A_34, %dma_wait3A_158] : memref<10000x128xf32, #tpu.memory_space<vmem_shared>> -> memref<40x128xf32, #tpu.memory_space<vmem_shared>>
      tpu.wait_dma2 semaphore(%run_scoped3A : memref<!tpu.dma_semaphore, #tpu.memory_space<semaphore_mem>>) src(%arg15 : memref<40x128xf32, #tpu.memory_space<vmem>>) dst(%dma_wait3A_159 : memref<40x128xf32, #tpu.memory_space<vmem_shared>>)
      tpu.yield
    }) : () -> ()
    %add3A_35 = arith.constant 560 : i32
    %add3A_36 = arith.addi %mul3A_6, %add3A_35 : i32
    "tpu.region"() ({
      %run_scoped3A = tpu.sem_alloc : memref<!tpu.dma_semaphore, #tpu.memory_space<semaphore_mem>>
      %dma_start3A_152 = arith.constant 0 : i32
      %dma_start3A_153 = tpu.memref_slice %arg23[%add3A_36, %dma_start3A_152] : memref<10000x128xf32, #tpu.memory_space<vmem_shared>> -> memref<40x128xf32, #tpu.memory_space<vmem_shared>>
      %dma_start3A_154 = arith.constant 0 : i32
      %dma_start3A_155 = tpu.memref_slice %arg23[%add3A_36, %dma_start3A_154] : memref<10000x128xf32, #tpu.memory_space<vmem_shared>> -> memref<40x128xf32, #tpu.memory_space<vmem_shared>>
      tpu.enqueue_dma source(%arg15 : memref<40x128xf32, #tpu.memory_space<vmem>>) target(%dma_start3A_155 : memref<40x128xf32, #tpu.memory_space<vmem_shared>>) target_semaphore(%run_scoped3A : memref<!tpu.dma_semaphore, #tpu.memory_space<semaphore_mem>>)
      %dma_wait3A_156 = arith.constant 0 : i32
      %dma_wait3A_157 = tpu.memref_slice %arg23[%add3A_36, %dma_wait3A_156] : memref<10000x128xf32, #tpu.memory_space<vmem_shared>> -> memref<40x128xf32, #tpu.memory_space<vmem_shared>>
      %dma_wait3A_158 = arith.constant 0 : i32
      %dma_wait3A_159 = tpu.memref_slice %arg23[%add3A_36, %dma_wait3A_158] : memref<10000x128xf32, #tpu.memory_space<vmem_shared>> -> memref<40x128xf32, #tpu.memory_space<vmem_shared>>
      tpu.wait_dma2 semaphore(%run_scoped3A : memref<!tpu.dma_semaphore, #tpu.memory_space<semaphore_mem>>) src(%arg15 : memref<40x128xf32, #tpu.memory_space<vmem>>) dst(%dma_wait3A_159 : memref<40x128xf32, #tpu.memory_space<vmem_shared>>)
      tpu.yield
    }) : () -> ()
    %add3A_37 = arith.constant 600 : i32
    %add3A_38 = arith.addi %mul3A_6, %add3A_37 : i32
    "tpu.region"() ({
      %run_scoped3A = tpu.sem_alloc : memref<!tpu.dma_semaphore, #tpu.memory_space<semaphore_mem>>
      %dma_start3A_152 = arith.constant 0 : i32
      %dma_start3A_153 = arith.constant 0 : i32
      %dma_start3A_154 = tpu.memref_slice %arg15[%dma_start3A_152, %dma_start3A_153] : memref<40x128xf32, #tpu.memory_space<vmem>> -> memref<24x128xf32, #tpu.memory_space<vmem>>
      %dma_start3A_155 = arith.constant 0 : i32
      %dma_start3A_156 = tpu.memref_slice %arg23[%add3A_38, %dma_start3A_155] : memref<10000x128xf32, #tpu.memory_space<vmem_shared>> -> memref<24x128xf32, #tpu.memory_space<vmem_shared>>
      %dma_start3A_157 = arith.constant 0 : i32
      %dma_start3A_158 = tpu.memref_slice %arg23[%add3A_38, %dma_start3A_157] : memref<10000x128xf32, #tpu.memory_space<vmem_shared>> -> memref<24x128xf32, #tpu.memory_space<vmem_shared>>
      %dma_start3A_159 = arith.constant 0 : i32
      %dma_start3A_160 = arith.constant 0 : i32
      %dma_start3A_161 = tpu.memref_slice %arg15[%dma_start3A_159, %dma_start3A_160] : memref<40x128xf32, #tpu.memory_space<vmem>> -> memref<24x128xf32, #tpu.memory_space<vmem>>
      tpu.enqueue_dma source(%dma_start3A_161 : memref<24x128xf32, #tpu.memory_space<vmem>>) target(%dma_start3A_158 : memref<24x128xf32, #tpu.memory_space<vmem_shared>>) target_semaphore(%run_scoped3A : memref<!tpu.dma_semaphore, #tpu.memory_space<semaphore_mem>>)
      %dma_wait3A_162 = arith.constant 0 : i32
      %dma_wait3A_163 = arith.constant 0 : i32
      %dma_wait3A_164 = tpu.memref_slice %arg15[%dma_wait3A_162, %dma_wait3A_163] : memref<40x128xf32, #tpu.memory_space<vmem>> -> memref<24x128xf32, #tpu.memory_space<vmem>>
      %dma_wait3A_165 = arith.constant 0 : i32
      %dma_wait3A_166 = tpu.memref_slice %arg23[%add3A_38, %dma_wait3A_165] : memref<10000x128xf32, #tpu.memory_space<vmem_shared>> -> memref<24x128xf32, #tpu.memory_space<vmem_shared>>
      %dma_wait3A_167 = arith.constant 0 : i32
      %dma_wait3A_168 = tpu.memref_slice %arg23[%add3A_38, %dma_wait3A_167] : memref<10000x128xf32, #tpu.memory_space<vmem_shared>> -> memref<24x128xf32, #tpu.memory_space<vmem_shared>>
      %dma_wait3A_169 = arith.constant 0 : i32
      %dma_wait3A_170 = arith.constant 0 : i32
      %dma_wait3A_171 = tpu.memref_slice %arg15[%dma_wait3A_169, %dma_wait3A_170] : memref<40x128xf32, #tpu.memory_space<vmem>> -> memref<24x128xf32, #tpu.memory_space<vmem>>
      tpu.wait_dma2 semaphore(%run_scoped3A : memref<!tpu.dma_semaphore, #tpu.memory_space<semaphore_mem>>) src(%dma_wait3A_171 : memref<24x128xf32, #tpu.memory_space<vmem>>) dst(%dma_wait3A_168 : memref<24x128xf32, #tpu.memory_space<vmem_shared>>)
      tpu.yield
    }) : () -> ()
    %eq3A = arith.constant 15 : i32
    %eq3A_39 = arith.cmpi eq, %arg1, %eq3A : i32
    %convert_element_type3A = arith.extui %eq3A_39 : i1 to i32
    %cond3A = arith.constant 0 : i32
    %cond3A_40 = arith.cmpi ne, %convert_element_type3A, %cond3A : i32
    scf.if %cond3A_40 {
      "tpu.region"() ({
        %run_scoped3A = tpu.sem_alloc : memref<!tpu.dma_semaphore, #tpu.memory_space<semaphore_mem>>
        %dma_start3A_152 = arith.constant 0 : i32
        %dma_start3A_153 = arith.constant 0 : i32
        %dma_start3A_154 = tpu.memref_slice %arg15[%dma_start3A_152, %dma_start3A_153] : memref<40x128xf32, #tpu.memory_space<vmem>> -> memref<16x128xf32, #tpu.memory_space<vmem>>
        %dma_start3A_155 = arith.constant 9984 : i32
        %dma_start3A_156 = arith.constant 0 : i32
        %dma_start3A_157 = tpu.memref_slice %arg23[%dma_start3A_155, %dma_start3A_156] : memref<10000x128xf32, #tpu.memory_space<vmem_shared>> -> memref<16x128xf32, #tpu.memory_space<vmem_shared>>
        %dma_start3A_158 = arith.constant 9984 : i32
        %dma_start3A_159 = arith.constant 0 : i32
        %dma_start3A_160 = tpu.memref_slice %arg23[%dma_start3A_158, %dma_start3A_159] : memref<10000x128xf32, #tpu.memory_space<vmem_shared>> -> memref<16x128xf32, #tpu.memory_space<vmem_shared>>
        %dma_start3A_161 = arith.constant 0 : i32
        %dma_start3A_162 = arith.constant 0 : i32
        %dma_start3A_163 = tpu.memref_slice %arg15[%dma_start3A_161, %dma_start3A_162] : memref<40x128xf32, #tpu.memory_space<vmem>> -> memref<16x128xf32, #tpu.memory_space<vmem>>
        tpu.enqueue_dma source(%dma_start3A_163 : memref<16x128xf32, #tpu.memory_space<vmem>>) target(%dma_start3A_160 : memref<16x128xf32, #tpu.memory_space<vmem_shared>>) target_semaphore(%run_scoped3A : memref<!tpu.dma_semaphore, #tpu.memory_space<semaphore_mem>>)
        %dma_wait3A_164 = arith.constant 0 : i32
        %dma_wait3A_165 = arith.constant 0 : i32
        %dma_wait3A_166 = tpu.memref_slice %arg15[%dma_wait3A_164, %dma_wait3A_165] : memref<40x128xf32, #tpu.memory_space<vmem>> -> memref<16x128xf32, #tpu.memory_space<vmem>>
        %dma_wait3A_167 = arith.constant 9984 : i32
        %dma_wait3A_168 = arith.constant 0 : i32
        %dma_wait3A_169 = tpu.memref_slice %arg23[%dma_wait3A_167, %dma_wait3A_168] : memref<10000x128xf32, #tpu.memory_space<vmem_shared>> -> memref<16x128xf32, #tpu.memory_space<vmem_shared>>
        %dma_wait3A_170 = arith.constant 9984 : i32
        %dma_wait3A_171 = arith.constant 0 : i32
        %dma_wait3A_172 = tpu.memref_slice %arg23[%dma_wait3A_170, %dma_wait3A_171] : memref<10000x128xf32, #tpu.memory_space<vmem_shared>> -> memref<16x128xf32, #tpu.memory_space<vmem_shared>>
        %dma_wait3A_173 = arith.constant 0 : i32
        %dma_wait3A_174 = arith.constant 0 : i32
        %dma_wait3A_175 = tpu.memref_slice %arg15[%dma_wait3A_173, %dma_wait3A_174] : memref<40x128xf32, #tpu.memory_space<vmem>> -> memref<16x128xf32, #tpu.memory_space<vmem>>
        tpu.wait_dma2 semaphore(%run_scoped3A : memref<!tpu.dma_semaphore, #tpu.memory_space<semaphore_mem>>) src(%dma_wait3A_175 : memref<16x128xf32, #tpu.memory_space<vmem>>) dst(%dma_wait3A_172 : memref<16x128xf32, #tpu.memory_space<vmem_shared>>)
        tpu.yield
      }) : () -> ()
    } else {
    }
    %barrier3A = arith.constant 0 : index
    tpu.barrier barrier_id(%barrier3A)
    %add3A_41 = arith.constant 0 : i32
    %add3A_42 = arith.addi %mul3A_2, %add3A_41 : i32
    %dma_start3A = tpu.memref_slice %arg4[%add3A_42] : memref<320000xi32, #tpu.memory_space<hbm>> -> memref<40xi32, #tpu.memory_space<hbm>>
    %dma_start3A_43 = tpu.memref_slice %arg4[%add3A_42] : memref<320000xi32, #tpu.memory_space<hbm>> -> memref<40xi32, #tpu.memory_space<hbm>>
    tpu.enqueue_dma source(%dma_start3A_43 : memref<40xi32, #tpu.memory_space<hbm>>) target(%arg7 : memref<40xi32, #tpu.memory_space<vmem>>) target_semaphore(%arg24 : memref<!tpu.dma_semaphore, #tpu.memory_space<semaphore_mem>>)
    %dma_start3A_44 = tpu.memref_slice %arg5[%add3A_42] : memref<320000xi32, #tpu.memory_space<hbm>> -> memref<40xi32, #tpu.memory_space<hbm>>
    %dma_start3A_45 = tpu.memref_slice %arg5[%add3A_42] : memref<320000xi32, #tpu.memory_space<hbm>> -> memref<40xi32, #tpu.memory_space<hbm>>
    tpu.enqueue_dma source(%dma_start3A_45 : memref<40xi32, #tpu.memory_space<hbm>>) target(%arg11 : memref<40xi32, #tpu.memory_space<vmem>>) target_semaphore(%arg24 : memref<!tpu.dma_semaphore, #tpu.memory_space<semaphore_mem>>)
    %dma_start3A_46 = arith.constant 0 : i32
    %dma_start3A_47 = tpu.memref_slice %arg2[%add3A_42, %dma_start3A_46] : memref<320000x128xf32, #tpu.memory_space<hbm>> -> memref<40x128xf32, #tpu.memory_space<hbm>>
    %dma_start3A_48 = arith.constant 0 : i32
    %dma_start3A_49 = tpu.memref_slice %arg2[%add3A_42, %dma_start3A_48] : memref<320000x128xf32, #tpu.memory_space<hbm>> -> memref<40x128xf32, #tpu.memory_space<hbm>>
    tpu.enqueue_dma source(%dma_start3A_49 : memref<40x128xf32, #tpu.memory_space<hbm>>) target(%arg15 : memref<40x128xf32, #tpu.memory_space<vmem>>) target_semaphore(%arg28 : memref<!tpu.dma_semaphore, #tpu.memory_space<semaphore_mem>>)
    %add3A_50 = arith.constant 40 : i32
    %add3A_51 = arith.addi %mul3A_2, %add3A_50 : i32
    %dma_start3A_52 = tpu.memref_slice %arg4[%add3A_51] : memref<320000xi32, #tpu.memory_space<hbm>> -> memref<40xi32, #tpu.memory_space<hbm>>
    %dma_start3A_53 = tpu.memref_slice %arg4[%add3A_51] : memref<320000xi32, #tpu.memory_space<hbm>> -> memref<40xi32, #tpu.memory_space<hbm>>
    tpu.enqueue_dma source(%dma_start3A_53 : memref<40xi32, #tpu.memory_space<hbm>>) target(%arg8 : memref<40xi32, #tpu.memory_space<vmem>>) target_semaphore(%arg25 : memref<!tpu.dma_semaphore, #tpu.memory_space<semaphore_mem>>)
    %dma_start3A_54 = tpu.memref_slice %arg5[%add3A_51] : memref<320000xi32, #tpu.memory_space<hbm>> -> memref<40xi32, #tpu.memory_space<hbm>>
    %dma_start3A_55 = tpu.memref_slice %arg5[%add3A_51] : memref<320000xi32, #tpu.memory_space<hbm>> -> memref<40xi32, #tpu.memory_space<hbm>>
    tpu.enqueue_dma source(%dma_start3A_55 : memref<40xi32, #tpu.memory_space<hbm>>) target(%arg12 : memref<40xi32, #tpu.memory_space<vmem>>) target_semaphore(%arg25 : memref<!tpu.dma_semaphore, #tpu.memory_space<semaphore_mem>>)
    %dma_start3A_56 = arith.constant 0 : i32
    %dma_start3A_57 = tpu.memref_slice %arg2[%add3A_51, %dma_start3A_56] : memref<320000x128xf32, #tpu.memory_space<hbm>> -> memref<40x128xf32, #tpu.memory_space<hbm>>
    %dma_start3A_58 = arith.constant 0 : i32
    %dma_start3A_59 = tpu.memref_slice %arg2[%add3A_51, %dma_start3A_58] : memref<320000x128xf32, #tpu.memory_space<hbm>> -> memref<40x128xf32, #tpu.memory_space<hbm>>
    tpu.enqueue_dma source(%dma_start3A_59 : memref<40x128xf32, #tpu.memory_space<hbm>>) target(%arg16 : memref<40x128xf32, #tpu.memory_space<vmem>>) target_semaphore(%arg29 : memref<!tpu.dma_semaphore, #tpu.memory_space<semaphore_mem>>)
    %dma_wait3A = arith.constant 0 : i32
    %dma_wait3A_60 = tpu.memref_slice %arg4[%dma_wait3A] : memref<320000xi32, #tpu.memory_space<hbm>> -> memref<40xi32, #tpu.memory_space<hbm>>
    %dma_wait3A_61 = arith.constant 0 : i32
    %dma_wait3A_62 = tpu.memref_slice %arg4[%dma_wait3A_61] : memref<320000xi32, #tpu.memory_space<hbm>> -> memref<40xi32, #tpu.memory_space<hbm>>
    tpu.wait_dma2 semaphore(%arg24 : memref<!tpu.dma_semaphore, #tpu.memory_space<semaphore_mem>>) src(%dma_wait3A_62 : memref<40xi32, #tpu.memory_space<hbm>>) dst(%arg7 : memref<40xi32, #tpu.memory_space<vmem>>)
    %dma_wait3A_63 = arith.constant 0 : i32
    %dma_wait3A_64 = tpu.memref_slice %arg4[%dma_wait3A_63] : memref<320000xi32, #tpu.memory_space<hbm>> -> memref<40xi32, #tpu.memory_space<hbm>>
    %dma_wait3A_65 = arith.constant 0 : i32
    %dma_wait3A_66 = tpu.memref_slice %arg4[%dma_wait3A_65] : memref<320000xi32, #tpu.memory_space<hbm>> -> memref<40xi32, #tpu.memory_space<hbm>>
    tpu.wait_dma2 semaphore(%arg24 : memref<!tpu.dma_semaphore, #tpu.memory_space<semaphore_mem>>) src(%dma_wait3A_66 : memref<40xi32, #tpu.memory_space<hbm>>) dst(%arg11 : memref<40xi32, #tpu.memory_space<vmem>>)
    %dma_start3A_67 = arith.constant 0 : i32
    %dma_start3A_68 = arith.constant 0 : i32
    %dma_start3A_69 = tpu.memref_slice %arg3[%dma_start3A_67, %dma_start3A_68] : memref<10000x128xf32, #tpu.memory_space<hbm>> -> memref<10000x128xf32, #tpu.memory_space<hbm>>
    tpu.enqueue_indirect_dma source(%dma_start3A_69 : memref<10000x128xf32, #tpu.memory_space<hbm>>) target(%arg19 : memref<40x128xf32, #tpu.memory_space<vmem>>) offsets(%arg7 : memref<40xi32, #tpu.memory_space<vmem>>) semaphore(%arg28 : memref<!tpu.dma_semaphore, #tpu.memory_space<semaphore_mem>>)
    %scan3A = arith.constant 0 : i32
    %scan3A_70 = arith.constant 0 : i32
    %scan3A_71 = arith.constant 62 : i32
    %scan3A_72 = arith.addi %scan3A_70, %scan3A_71 : i32
    %scan3A_73 = arith.constant 1 : i32
    scf.for %scan3A_152 = %scan3A_70 to %scan3A_72 step %scan3A_73  : i32 {
      %mul3A_153 = arith.constant 4 : i32
      %mul3A_154 = arith.muli %scan3A_152, %mul3A_153 : i32
      %add3A_155 = arith.constant 0 : i32
      %add3A_156 = arith.addi %mul3A_154, %add3A_155 : i32
      %add3A_157 = arith.constant 1 : i32
      %add3A_158 = arith.addi %add3A_156, %add3A_157 : i32
      %lt3A = arith.constant 250 : i32
      %lt3A_159 = arith.cmpi slt, %add3A_158, %lt3A : i32
      %convert_element_type3A_160 = arith.extui %lt3A_159 : i1 to i32
      %cond3A_161 = arith.constant 0 : i32
      %cond3A_162 = arith.cmpi ne, %convert_element_type3A_160, %cond3A_161 : i32
      scf.if %cond3A_162 {
        %dma_wait3A_309 = arith.constant 0 : i32
        %dma_wait3A_310 = tpu.memref_slice %arg4[%dma_wait3A_309] : memref<320000xi32, #tpu.memory_space<hbm>> -> memref<40xi32, #tpu.memory_space<hbm>>
        %dma_wait3A_311 = arith.constant 0 : i32
        %dma_wait3A_312 = tpu.memref_slice %arg4[%dma_wait3A_311] : memref<320000xi32, #tpu.memory_space<hbm>> -> memref<40xi32, #tpu.memory_space<hbm>>
        tpu.wait_dma2 semaphore(%arg25 : memref<!tpu.dma_semaphore, #tpu.memory_space<semaphore_mem>>) src(%dma_wait3A_312 : memref<40xi32, #tpu.memory_space<hbm>>) dst(%arg8 : memref<40xi32, #tpu.memory_space<vmem>>)
        %dma_wait3A_313 = arith.constant 0 : i32
        %dma_wait3A_314 = tpu.memref_slice %arg4[%dma_wait3A_313] : memref<320000xi32, #tpu.memory_space<hbm>> -> memref<40xi32, #tpu.memory_space<hbm>>
        %dma_wait3A_315 = arith.constant 0 : i32
        %dma_wait3A_316 = tpu.memref_slice %arg4[%dma_wait3A_315] : memref<320000xi32, #tpu.memory_space<hbm>> -> memref<40xi32, #tpu.memory_space<hbm>>
        tpu.wait_dma2 semaphore(%arg25 : memref<!tpu.dma_semaphore, #tpu.memory_space<semaphore_mem>>) src(%dma_wait3A_316 : memref<40xi32, #tpu.memory_space<hbm>>) dst(%arg12 : memref<40xi32, #tpu.memory_space<vmem>>)
        %dma_start3A_317 = arith.constant 0 : i32
        %dma_start3A_318 = arith.constant 0 : i32
        %dma_start3A_319 = tpu.memref_slice %arg3[%dma_start3A_317, %dma_start3A_318] : memref<10000x128xf32, #tpu.memory_space<hbm>> -> memref<10000x128xf32, #tpu.memory_space<hbm>>
        tpu.enqueue_indirect_dma source(%dma_start3A_319 : memref<10000x128xf32, #tpu.memory_space<hbm>>) target(%arg20 : memref<40x128xf32, #tpu.memory_space<vmem>>) offsets(%arg8 : memref<40xi32, #tpu.memory_space<vmem>>) semaphore(%arg29 : memref<!tpu.dma_semaphore, #tpu.memory_space<semaphore_mem>>)
      } else {
      }
      %ge3A = arith.constant 2 : i32
      %ge3A_163 = arith.cmpi sge, %add3A_156, %ge3A : i32
      %convert_element_type3A_164 = arith.extui %ge3A_163 : i1 to i32
      %cond3A_165 = arith.constant 0 : i32
      %cond3A_166 = arith.cmpi ne, %convert_element_type3A_164, %cond3A_165 : i32
      scf.if %cond3A_166 {
        %dma_wait3A_309 = arith.constant 0 : i32
        %dma_wait3A_310 = arith.constant 0 : i32
        %dma_wait3A_311 = tpu.memref_slice %arg2[%dma_wait3A_309, %dma_wait3A_310] : memref<320000x128xf32, #tpu.memory_space<hbm>> -> memref<40x128xf32, #tpu.memory_space<hbm>>
        %dma_wait3A_312 = arith.constant 0 : i32
        %dma_wait3A_313 = arith.constant 0 : i32
        %dma_wait3A_314 = tpu.memref_slice %arg2[%dma_wait3A_312, %dma_wait3A_313] : memref<320000x128xf32, #tpu.memory_space<hbm>> -> memref<40x128xf32, #tpu.memory_space<hbm>>
        tpu.wait_dma2 semaphore(%arg34 : memref<!tpu.dma_semaphore, #tpu.memory_space<semaphore_mem>>) src(%dma_wait3A_314 : memref<40x128xf32, #tpu.memory_space<hbm>>) dst(%arg17 : memref<40x128xf32, #tpu.memory_space<vmem>>)
      } else {
      }
      %add3A_167 = arith.constant 2 : i32
      %add3A_168 = arith.addi %add3A_156, %add3A_167 : i32
      %lt3A_169 = arith.constant 250 : i32
      %lt3A_170 = arith.cmpi slt, %add3A_168, %lt3A_169 : i32
      %convert_element_type3A_171 = arith.extui %lt3A_170 : i1 to i32
      %cond3A_172 = arith.constant 0 : i32
      %cond3A_173 = arith.cmpi ne, %convert_element_type3A_171, %cond3A_172 : i32
      scf.if %cond3A_173 {
        %add3A_309 = arith.constant 2 : i32
        %add3A_310 = arith.addi %add3A_156, %add3A_309 : i32
        %mul3A_311 = arith.constant 40 : i32
        %mul3A_312 = arith.muli %add3A_310, %mul3A_311 : i32
        %add3A_313 = arith.addi %mul3A_2, %mul3A_312 : i32
        %dma_start3A_314 = tpu.memref_slice %arg4[%add3A_313] : memref<320000xi32, #tpu.memory_space<hbm>> -> memref<40xi32, #tpu.memory_space<hbm>>
        %dma_start3A_315 = tpu.memref_slice %arg4[%add3A_313] : memref<320000xi32, #tpu.memory_space<hbm>> -> memref<40xi32, #tpu.memory_space<hbm>>
        tpu.enqueue_dma source(%dma_start3A_315 : memref<40xi32, #tpu.memory_space<hbm>>) target(%arg9 : memref<40xi32, #tpu.memory_space<vmem>>) target_semaphore(%arg26 : memref<!tpu.dma_semaphore, #tpu.memory_space<semaphore_mem>>)
        %dma_start3A_316 = tpu.memref_slice %arg5[%add3A_313] : memref<320000xi32, #tpu.memory_space<hbm>> -> memref<40xi32, #tpu.memory_space<hbm>>
        %dma_start3A_317 = tpu.memref_slice %arg5[%add3A_313] : memref<320000xi32, #tpu.memory_space<hbm>> -> memref<40xi32, #tpu.memory_space<hbm>>
        tpu.enqueue_dma source(%dma_start3A_317 : memref<40xi32, #tpu.memory_space<hbm>>) target(%arg13 : memref<40xi32, #tpu.memory_space<vmem>>) target_semaphore(%arg26 : memref<!tpu.dma_semaphore, #tpu.memory_space<semaphore_mem>>)
        %dma_start3A_318 = arith.constant 0 : i32
        %dma_start3A_319 = tpu.memref_slice %arg2[%add3A_313, %dma_start3A_318] : memref<320000x128xf32, #tpu.memory_space<hbm>> -> memref<40x128xf32, #tpu.memory_space<hbm>>
        %dma_start3A_320 = arith.constant 0 : i32
        %dma_start3A_321 = tpu.memref_slice %arg2[%add3A_313, %dma_start3A_320] : memref<320000x128xf32, #tpu.memory_space<hbm>> -> memref<40x128xf32, #tpu.memory_space<hbm>>
        tpu.enqueue_dma source(%dma_start3A_321 : memref<40x128xf32, #tpu.memory_space<hbm>>) target(%arg17 : memref<40x128xf32, #tpu.memory_space<vmem>>) target_semaphore(%arg30 : memref<!tpu.dma_semaphore, #tpu.memory_space<semaphore_mem>>)
      } else {
      }
      %dma_wait3A_174 = arith.constant 0 : i32
      %dma_wait3A_175 = arith.constant 0 : i32
      %dma_wait3A_176 = tpu.memref_slice %arg2[%dma_wait3A_174, %dma_wait3A_175] : memref<320000x128xf32, #tpu.memory_space<hbm>> -> memref<40x128xf32, #tpu.memory_space<hbm>>
      %dma_wait3A_177 = arith.constant 0 : i32
      %dma_wait3A_178 = arith.constant 0 : i32
      %dma_wait3A_179 = tpu.memref_slice %arg2[%dma_wait3A_177, %dma_wait3A_178] : memref<320000x128xf32, #tpu.memory_space<hbm>> -> memref<40x128xf32, #tpu.memory_space<hbm>>
      tpu.wait_dma2 semaphore(%arg28 : memref<!tpu.dma_semaphore, #tpu.memory_space<semaphore_mem>>) src(%dma_wait3A_179 : memref<40x128xf32, #tpu.memory_space<hbm>>) dst(%arg15 : memref<40x128xf32, #tpu.memory_space<vmem>>)
      %dma_wait3A_180 = arith.constant 0 : i32
      %dma_wait3A_181 = arith.constant 0 : i32
      %dma_wait3A_182 = tpu.memref_slice %arg2[%dma_wait3A_180, %dma_wait3A_181] : memref<320000x128xf32, #tpu.memory_space<hbm>> -> memref<40x128xf32, #tpu.memory_space<hbm>>
      %dma_wait3A_183 = arith.constant 0 : i32
      %dma_wait3A_184 = arith.constant 0 : i32
      %dma_wait3A_185 = tpu.memref_slice %arg2[%dma_wait3A_183, %dma_wait3A_184] : memref<320000x128xf32, #tpu.memory_space<hbm>> -> memref<40x128xf32, #tpu.memory_space<hbm>>
      tpu.wait_dma2 semaphore(%arg28 : memref<!tpu.dma_semaphore, #tpu.memory_space<semaphore_mem>>) src(%dma_wait3A_185 : memref<40x128xf32, #tpu.memory_space<hbm>>) dst(%arg19 : memref<40x128xf32, #tpu.memory_space<vmem>>)
      %parallel_loop3A_186 = arith.constant 0 : i32
      %parallel_loop3A_187 = arith.constant 40 : i32
      %parallel_loop3A_188 = arith.constant 1 : i32
      scf.for %parallel_loop3A_309 = %parallel_loop3A_186 to %parallel_loop3A_187 step %parallel_loop3A_188  : i32 {
        %parallel_loop3A_310 = arith.index_cast %parallel_loop3A_309 : i32 to index
        %parallel_loop3A_311 = arith.constant 0 : index
        %parallel_loop3A_312 = tpu.vector_load %arg15[%parallel_loop3A_310, %parallel_loop3A_311] {strides = array<i32>} : memref<40x128xf32, #tpu.memory_space<vmem>>, vector<1x16xf32>,
        %parallel_loop3A_313 = vector.shape_cast %parallel_loop3A_312 : vector<1x16xf32> to vector<16xf32>
        %parallel_loop3A_314 = arith.index_cast %parallel_loop3A_309 : i32 to index
        %parallel_loop3A_315 = arith.constant 0 : index
        %parallel_loop3A_316 = tpu.vector_load %arg19[%parallel_loop3A_314, %parallel_loop3A_315] {strides = array<i32>} : memref<40x128xf32, #tpu.memory_space<vmem>>, vector<1x16xf32>,
        %parallel_loop3A_317 = vector.shape_cast %parallel_loop3A_316 : vector<1x16xf32> to vector<16xf32>
        %parallel_loop3A_318 = arith.mulf %parallel_loop3A_313, %parallel_loop3A_317 : vector<16xf32>
        %parallel_loop3A_319 = arith.index_cast %parallel_loop3A_309 : i32 to index
        %parallel_loop3A_320 = arith.constant 0 : index
        %parallel_loop3A_321 = tpu.vector_load %arg15[%parallel_loop3A_319, %parallel_loop3A_320] {strides = array<i32>} : memref<40x128xf32, #tpu.memory_space<vmem>>, vector<1x16xf32>,
        %parallel_loop3A_322 = vector.shape_cast %parallel_loop3A_321 : vector<1x16xf32> to vector<16xf32>
        %parallel_loop3A_323 = vector.shape_cast %parallel_loop3A_318 : vector<16xf32> to vector<1x16xf32>
        tpu.vector_store %arg15[%parallel_loop3A_319, %parallel_loop3A_320], %parallel_loop3A_323 {strides = array<i32>} : memref<40x128xf32, #tpu.memory_space<vmem>>, vector<1x16xf32>,
        %parallel_loop3A_324 = arith.index_cast %parallel_loop3A_309 : i32 to index
        %parallel_loop3A_325 = arith.constant 16 : index
        %parallel_loop3A_326 = tpu.vector_load %arg15[%parallel_loop3A_324, %parallel_loop3A_325] {strides = array<i32>} : memref<40x128xf32, #tpu.memory_space<vmem>>, vector<1x16xf32>,
        %parallel_loop3A_327 = vector.shape_cast %parallel_loop3A_326 : vector<1x16xf32> to vector<16xf32>
        %parallel_loop3A_328 = arith.index_cast %parallel_loop3A_309 : i32 to index
        %parallel_loop3A_329 = arith.constant 16 : index
        %parallel_loop3A_330 = tpu.vector_load %arg19[%parallel_loop3A_328, %parallel_loop3A_329] {strides = array<i32>} : memref<40x128xf32, #tpu.memory_space<vmem>>, vector<1x16xf32>,
        %parallel_loop3A_331 = vector.shape_cast %parallel_loop3A_330 : vector<1x16xf32> to vector<16xf32>
        %parallel_loop3A_332 = arith.mulf %parallel_loop3A_327, %parallel_loop3A_331 : vector<16xf32>
        %parallel_loop3A_333 = arith.index_cast %parallel_loop3A_309 : i32 to index
        %parallel_loop3A_334 = arith.constant 16 : index
        %parallel_loop3A_335 = tpu.vector_load %arg15[%parallel_loop3A_333, %parallel_loop3A_334] {strides = array<i32>} : memref<40x128xf32, #tpu.memory_space<vmem>>, vector<1x16xf32>,
        %parallel_loop3A_336 = vector.shape_cast %parallel_loop3A_335 : vector<1x16xf32> to vector<16xf32>
        %parallel_loop3A_337 = vector.shape_cast %parallel_loop3A_332 : vector<16xf32> to vector<1x16xf32>
        tpu.vector_store %arg15[%parallel_loop3A_333, %parallel_loop3A_334], %parallel_loop3A_337 {strides = array<i32>} : memref<40x128xf32, #tpu.memory_space<vmem>>, vector<1x16xf32>,
        %parallel_loop3A_338 = arith.index_cast %parallel_loop3A_309 : i32 to index
        %parallel_loop3A_339 = arith.constant 32 : index
        %parallel_loop3A_340 = tpu.vector_load %arg15[%parallel_loop3A_338, %parallel_loop3A_339] {strides = array<i32>} : memref<40x128xf32, #tpu.memory_space<vmem>>, vector<1x16xf32>,
        %parallel_loop3A_341 = vector.shape_cast %parallel_loop3A_340 : vector<1x16xf32> to vector<16xf32>
        %parallel_loop3A_342 = arith.index_cast %parallel_loop3A_309 : i32 to index
        %parallel_loop3A_343 = arith.constant 32 : index
        %parallel_loop3A_344 = tpu.vector_load %arg19[%parallel_loop3A_342, %parallel_loop3A_343] {strides = array<i32>} : memref<40x128xf32, #tpu.memory_space<vmem>>, vector<1x16xf32>,
        %parallel_loop3A_345 = vector.shape_cast %parallel_loop3A_344 : vector<1x16xf32> to vector<16xf32>
        %parallel_loop3A_346 = arith.mulf %parallel_loop3A_341, %parallel_loop3A_345 : vector<16xf32>
        %parallel_loop3A_347 = arith.index_cast %parallel_loop3A_309 : i32 to index
        %parallel_loop3A_348 = arith.constant 32 : index
        %parallel_loop3A_349 = tpu.vector_load %arg15[%parallel_loop3A_347, %parallel_loop3A_348] {strides = array<i32>} : memref<40x128xf32, #tpu.memory_space<vmem>>, vector<1x16xf32>,
        %parallel_loop3A_350 = vector.shape_cast %parallel_loop3A_349 : vector<1x16xf32> to vector<16xf32>
        %parallel_loop3A_351 = vector.shape_cast %parallel_loop3A_346 : vector<16xf32> to vector<1x16xf32>
        tpu.vector_store %arg15[%parallel_loop3A_347, %parallel_loop3A_348], %parallel_loop3A_351 {strides = array<i32>} : memref<40x128xf32, #tpu.memory_space<vmem>>, vector<1x16xf32>,
        %parallel_loop3A_352 = arith.index_cast %parallel_loop3A_309 : i32 to index
        %parallel_loop3A_353 = arith.constant 48 : index
        %parallel_loop3A_354 = tpu.vector_load %arg15[%parallel_loop3A_352, %parallel_loop3A_353] {strides = array<i32>} : memref<40x128xf32, #tpu.memory_space<vmem>>, vector<1x16xf32>,
        %parallel_loop3A_355 = vector.shape_cast %parallel_loop3A_354 : vector<1x16xf32> to vector<16xf32>
        %parallel_loop3A_356 = arith.index_cast %parallel_loop3A_309 : i32 to index
        %parallel_loop3A_357 = arith.constant 48 : index
        %parallel_loop3A_358 = tpu.vector_load %arg19[%parallel_loop3A_356, %parallel_loop3A_357] {strides = array<i32>} : memref<40x128xf32, #tpu.memory_space<vmem>>, vector<1x16xf32>,
        %parallel_loop3A_359 = vector.shape_cast %parallel_loop3A_358 : vector<1x16xf32> to vector<16xf32>
        %parallel_loop3A_360 = arith.mulf %parallel_loop3A_355, %parallel_loop3A_359 : vector<16xf32>
        %parallel_loop3A_361 = arith.index_cast %parallel_loop3A_309 : i32 to index
        %parallel_loop3A_362 = arith.constant 48 : index
        %parallel_loop3A_363 = tpu.vector_load %arg15[%parallel_loop3A_361, %parallel_loop3A_362] {strides = array<i32>} : memref<40x128xf32, #tpu.memory_space<vmem>>, vector<1x16xf32>,
        %parallel_loop3A_364 = vector.shape_cast %parallel_loop3A_363 : vector<1x16xf32> to vector<16xf32>
        %parallel_loop3A_365 = vector.shape_cast %parallel_loop3A_360 : vector<16xf32> to vector<1x16xf32>
        tpu.vector_store %arg15[%parallel_loop3A_361, %parallel_loop3A_362], %parallel_loop3A_365 {strides = array<i32>} : memref<40x128xf32, #tpu.memory_space<vmem>>, vector<1x16xf32>,
        %parallel_loop3A_366 = arith.index_cast %parallel_loop3A_309 : i32 to index
        %parallel_loop3A_367 = arith.constant 64 : index
        %parallel_loop3A_368 = tpu.vector_load %arg15[%parallel_loop3A_366, %parallel_loop3A_367] {strides = array<i32>} : memref<40x128xf32, #tpu.memory_space<vmem>>, vector<1x16xf32>,
        %parallel_loop3A_369 = vector.shape_cast %parallel_loop3A_368 : vector<1x16xf32> to vector<16xf32>
        %parallel_loop3A_370 = arith.index_cast %parallel_loop3A_309 : i32 to index
        %parallel_loop3A_371 = arith.constant 64 : index
        %parallel_loop3A_372 = tpu.vector_load %arg19[%parallel_loop3A_370, %parallel_loop3A_371] {strides = array<i32>} : memref<40x128xf32, #tpu.memory_space<vmem>>, vector<1x16xf32>,
        %parallel_loop3A_373 = vector.shape_cast %parallel_loop3A_372 : vector<1x16xf32> to vector<16xf32>
        %parallel_loop3A_374 = arith.mulf %parallel_loop3A_369, %parallel_loop3A_373 : vector<16xf32>
        %parallel_loop3A_375 = arith.index_cast %parallel_loop3A_309 : i32 to index
        %parallel_loop3A_376 = arith.constant 64 : index
        %parallel_loop3A_377 = tpu.vector_load %arg15[%parallel_loop3A_375, %parallel_loop3A_376] {strides = array<i32>} : memref<40x128xf32, #tpu.memory_space<vmem>>, vector<1x16xf32>,
        %parallel_loop3A_378 = vector.shape_cast %parallel_loop3A_377 : vector<1x16xf32> to vector<16xf32>
        %parallel_loop3A_379 = vector.shape_cast %parallel_loop3A_374 : vector<16xf32> to vector<1x16xf32>
        tpu.vector_store %arg15[%parallel_loop3A_375, %parallel_loop3A_376], %parallel_loop3A_379 {strides = array<i32>} : memref<40x128xf32, #tpu.memory_space<vmem>>, vector<1x16xf32>,
        %parallel_loop3A_380 = arith.index_cast %parallel_loop3A_309 : i32 to index
        %parallel_loop3A_381 = arith.constant 80 : index
        %parallel_loop3A_382 = tpu.vector_load %arg15[%parallel_loop3A_380, %parallel_loop3A_381] {strides = array<i32>} : memref<40x128xf32, #tpu.memory_space<vmem>>, vector<1x16xf32>,
        %parallel_loop3A_383 = vector.shape_cast %parallel_loop3A_382 : vector<1x16xf32> to vector<16xf32>
        %parallel_loop3A_384 = arith.index_cast %parallel_loop3A_309 : i32 to index
        %parallel_loop3A_385 = arith.constant 80 : index
        %parallel_loop3A_386 = tpu.vector_load %arg19[%parallel_loop3A_384, %parallel_loop3A_385] {strides = array<i32>} : memref<40x128xf32, #tpu.memory_space<vmem>>, vector<1x16xf32>,
        %parallel_loop3A_387 = vector.shape_cast %parallel_loop3A_386 : vector<1x16xf32> to vector<16xf32>
        %parallel_loop3A_388 = arith.mulf %parallel_loop3A_383, %parallel_loop3A_387 : vector<16xf32>
        %parallel_loop3A_389 = arith.index_cast %parallel_loop3A_309 : i32 to index
        %parallel_loop3A_390 = arith.constant 80 : index
        %parallel_loop3A_391 = tpu.vector_load %arg15[%parallel_loop3A_389, %parallel_loop3A_390] {strides = array<i32>} : memref<40x128xf32, #tpu.memory_space<vmem>>, vector<1x16xf32>,
        %parallel_loop3A_392 = vector.shape_cast %parallel_loop3A_391 : vector<1x16xf32> to vector<16xf32>
        %parallel_loop3A_393 = vector.shape_cast %parallel_loop3A_388 : vector<16xf32> to vector<1x16xf32>
        tpu.vector_store %arg15[%parallel_loop3A_389, %parallel_loop3A_390], %parallel_loop3A_393 {strides = array<i32>} : memref<40x128xf32, #tpu.memory_space<vmem>>, vector<1x16xf32>,
        %parallel_loop3A_394 = arith.index_cast %parallel_loop3A_309 : i32 to index
        %parallel_loop3A_395 = arith.constant 96 : index
        %parallel_loop3A_396 = tpu.vector_load %arg15[%parallel_loop3A_394, %parallel_loop3A_395] {strides = array<i32>} : memref<40x128xf32, #tpu.memory_space<vmem>>, vector<1x16xf32>,
        %parallel_loop3A_397 = vector.shape_cast %parallel_loop3A_396 : vector<1x16xf32> to vector<16xf32>
        %parallel_loop3A_398 = arith.index_cast %parallel_loop3A_309 : i32 to index
        %parallel_loop3A_399 = arith.constant 96 : index
        %parallel_loop3A_400 = tpu.vector_load %arg19[%parallel_loop3A_398, %parallel_loop3A_399] {strides = array<i32>} : memref<40x128xf32, #tpu.memory_space<vmem>>, vector<1x16xf32>,
        %parallel_loop3A_401 = vector.shape_cast %parallel_loop3A_400 : vector<1x16xf32> to vector<16xf32>
        %parallel_loop3A_402 = arith.mulf %parallel_loop3A_397, %parallel_loop3A_401 : vector<16xf32>
        %parallel_loop3A_403 = arith.index_cast %parallel_loop3A_309 : i32 to index
        %parallel_loop3A_404 = arith.constant 96 : index
        %parallel_loop3A_405 = tpu.vector_load %arg15[%parallel_loop3A_403, %parallel_loop3A_404] {strides = array<i32>} : memref<40x128xf32, #tpu.memory_space<vmem>>, vector<1x16xf32>,
        %parallel_loop3A_406 = vector.shape_cast %parallel_loop3A_405 : vector<1x16xf32> to vector<16xf32>
        %parallel_loop3A_407 = vector.shape_cast %parallel_loop3A_402 : vector<16xf32> to vector<1x16xf32>
        tpu.vector_store %arg15[%parallel_loop3A_403, %parallel_loop3A_404], %parallel_loop3A_407 {strides = array<i32>} : memref<40x128xf32, #tpu.memory_space<vmem>>, vector<1x16xf32>,
        %parallel_loop3A_408 = arith.index_cast %parallel_loop3A_309 : i32 to index
        %parallel_loop3A_409 = arith.constant 112 : index
        %parallel_loop3A_410 = tpu.vector_load %arg15[%parallel_loop3A_408, %parallel_loop3A_409] {strides = array<i32>} : memref<40x128xf32, #tpu.memory_space<vmem>>, vector<1x16xf32>,
        %parallel_loop3A_411 = vector.shape_cast %parallel_loop3A_410 : vector<1x16xf32> to vector<16xf32>
        %parallel_loop3A_412 = arith.index_cast %parallel_loop3A_309 : i32 to index
        %parallel_loop3A_413 = arith.constant 112 : index
        %parallel_loop3A_414 = tpu.vector_load %arg19[%parallel_loop3A_412, %parallel_loop3A_413] {strides = array<i32>} : memref<40x128xf32, #tpu.memory_space<vmem>>, vector<1x16xf32>,
        %parallel_loop3A_415 = vector.shape_cast %parallel_loop3A_414 : vector<1x16xf32> to vector<16xf32>
        %parallel_loop3A_416 = arith.mulf %parallel_loop3A_411, %parallel_loop3A_415 : vector<16xf32>
        %parallel_loop3A_417 = arith.index_cast %parallel_loop3A_309 : i32 to index
        %parallel_loop3A_418 = arith.constant 112 : index
        %parallel_loop3A_419 = tpu.vector_load %arg15[%parallel_loop3A_417, %parallel_loop3A_418] {strides = array<i32>} : memref<40x128xf32, #tpu.memory_space<vmem>>, vector<1x16xf32>,
        %parallel_loop3A_420 = vector.shape_cast %parallel_loop3A_419 : vector<1x16xf32> to vector<16xf32>
        %parallel_loop3A_421 = vector.shape_cast %parallel_loop3A_416 : vector<16xf32> to vector<1x16xf32>
        tpu.vector_store %arg15[%parallel_loop3A_417, %parallel_loop3A_418], %parallel_loop3A_421 {strides = array<i32>} : memref<40x128xf32, #tpu.memory_space<vmem>>, vector<1x16xf32>,
      } {sc.loop_unroll_factor = 4 : i64, sc.parallel_access}
      %dma_start3A_189 = arith.constant 0 : i32
      %dma_start3A_190 = arith.constant 0 : i32
      %dma_start3A_191 = tpu.memref_slice %arg23[%dma_start3A_189, %dma_start3A_190] : memref<10000x128xf32, #tpu.memory_space<vmem_shared>> -> memref<10000x128xf32, #tpu.memory_space<vmem_shared>>
      tpu.enqueue_indirect_dma source(%arg15 : memref<40x128xf32, #tpu.memory_space<vmem>>) target(%dma_start3A_191 : memref<10000x128xf32, #tpu.memory_space<vmem_shared>>) offsets(%arg11 : memref<40xi32, #tpu.memory_space<vmem>>) semaphore(%arg32 : memref<!tpu.dma_semaphore, #tpu.memory_space<semaphore_mem>>) {add = true}
      %add3A_192 = arith.constant 1 : i32
      %add3A_193 = arith.addi %mul3A_154, %add3A_192 : i32
      %add3A_194 = arith.constant 1 : i32
      %add3A_195 = arith.addi %add3A_193, %add3A_194 : i32
      %lt3A_196 = arith.constant 250 : i32
      %lt3A_197 = arith.cmpi slt, %add3A_195, %lt3A_196 : i32
      %convert_element_type3A_198 = arith.extui %lt3A_197 : i1 to i32
      %cond3A_199 = arith.constant 0 : i32
      %cond3A_200 = arith.cmpi ne, %convert_element_type3A_198, %cond3A_199 : i32
      scf.if %cond3A_200 {
        %dma_wait3A_309 = arith.constant 0 : i32
        %dma_wait3A_310 = tpu.memref_slice %arg4[%dma_wait3A_309] : memref<320000xi32, #tpu.memory_space<hbm>> -> memref<40xi32, #tpu.memory_space<hbm>>
        %dma_wait3A_311 = arith.constant 0 : i32
        %dma_wait3A_312 = tpu.memref_slice %arg4[%dma_wait3A_311] : memref<320000xi32, #tpu.memory_space<hbm>> -> memref<40xi32, #tpu.memory_space<hbm>>
        tpu.wait_dma2 semaphore(%arg26 : memref<!tpu.dma_semaphore, #tpu.memory_space<semaphore_mem>>) src(%dma_wait3A_312 : memref<40xi32, #tpu.memory_space<hbm>>) dst(%arg9 : memref<40xi32, #tpu.memory_space<vmem>>)
        %dma_wait3A_313 = arith.constant 0 : i32
        %dma_wait3A_314 = tpu.memref_slice %arg4[%dma_wait3A_313] : memref<320000xi32, #tpu.memory_space<hbm>> -> memref<40xi32, #tpu.memory_space<hbm>>
        %dma_wait3A_315 = arith.constant 0 : i32
        %dma_wait3A_316 = tpu.memref_slice %arg4[%dma_wait3A_315] : memref<320000xi32, #tpu.memory_space<hbm>> -> memref<40xi32, #tpu.memory_space<hbm>>
        tpu.wait_dma2 semaphore(%arg26 : memref<!tpu.dma_semaphore, #tpu.memory_space<semaphore_mem>>) src(%dma_wait3A_316 : memref<40xi32, #tpu.memory_space<hbm>>) dst(%arg13 : memref<40xi32, #tpu.memory_space<vmem>>)
        %dma_start3A_317 = arith.constant 0 : i32
        %dma_start3A_318 = arith.constant 0 : i32
        %dma_start3A_319 = tpu.memref_slice %arg3[%dma_start3A_317, %dma_start3A_318] : memref<10000x128xf32, #tpu.memory_space<hbm>> -> memref<10000x128xf32, #tpu.memory_space<hbm>>
        tpu.enqueue_indirect_dma source(%dma_start3A_319 : memref<10000x128xf32, #tpu.memory_space<hbm>>) target(%arg21 : memref<40x128xf32, #tpu.memory_space<vmem>>) offsets(%arg9 : memref<40xi32, #tpu.memory_space<vmem>>) semaphore(%arg30 : memref<!tpu.dma_semaphore, #tpu.memory_space<semaphore_mem>>)
      } else {
      }
      %ge3A_201 = arith.constant 2 : i32
      %ge3A_202 = arith.cmpi sge, %add3A_193, %ge3A_201 : i32
      %convert_element_type3A_203 = arith.extui %ge3A_202 : i1 to i32
      %cond3A_204 = arith.constant 0 : i32
      %cond3A_205 = arith.cmpi ne, %convert_element_type3A_203, %cond3A_204 : i32
      scf.if %cond3A_205 {
        %dma_wait3A_309 = arith.constant 0 : i32
        %dma_wait3A_310 = arith.constant 0 : i32
        %dma_wait3A_311 = tpu.memref_slice %arg2[%dma_wait3A_309, %dma_wait3A_310] : memref<320000x128xf32, #tpu.memory_space<hbm>> -> memref<40x128xf32, #tpu.memory_space<hbm>>
        %dma_wait3A_312 = arith.constant 0 : i32
        %dma_wait3A_313 = arith.constant 0 : i32
        %dma_wait3A_314 = tpu.memref_slice %arg2[%dma_wait3A_312, %dma_wait3A_313] : memref<320000x128xf32, #tpu.memory_space<hbm>> -> memref<40x128xf32, #tpu.memory_space<hbm>>
        tpu.wait_dma2 semaphore(%arg35 : memref<!tpu.dma_semaphore, #tpu.memory_space<semaphore_mem>>) src(%dma_wait3A_314 : memref<40x128xf32, #tpu.memory_space<hbm>>) dst(%arg18 : memref<40x128xf32, #tpu.memory_space<vmem>>)
      } else {
      }
      %add3A_206 = arith.constant 2 : i32
      %add3A_207 = arith.addi %add3A_193, %add3A_206 : i32
      %lt3A_208 = arith.constant 250 : i32
      %lt3A_209 = arith.cmpi slt, %add3A_207, %lt3A_208 : i32
      %convert_element_type3A_210 = arith.extui %lt3A_209 : i1 to i32
      %cond3A_211 = arith.constant 0 : i32
      %cond3A_212 = arith.cmpi ne, %convert_element_type3A_210, %cond3A_211 : i32
      scf.if %cond3A_212 {
        %add3A_309 = arith.constant 2 : i32
        %add3A_310 = arith.addi %add3A_193, %add3A_309 : i32
        %mul3A_311 = arith.constant 40 : i32
        %mul3A_312 = arith.muli %add3A_310, %mul3A_311 : i32
        %add3A_313 = arith.addi %mul3A_2, %mul3A_312 : i32
        %dma_start3A_314 = tpu.memref_slice %arg4[%add3A_313] : memref<320000xi32, #tpu.memory_space<hbm>> -> memref<40xi32, #tpu.memory_space<hbm>>
        %dma_start3A_315 = tpu.memref_slice %arg4[%add3A_313] : memref<320000xi32, #tpu.memory_space<hbm>> -> memref<40xi32, #tpu.memory_space<hbm>>
        tpu.enqueue_dma source(%dma_start3A_315 : memref<40xi32, #tpu.memory_space<hbm>>) target(%arg10 : memref<40xi32, #tpu.memory_space<vmem>>) target_semaphore(%arg27 : memref<!tpu.dma_semaphore, #tpu.memory_space<semaphore_mem>>)
        %dma_start3A_316 = tpu.memref_slice %arg5[%add3A_313] : memref<320000xi32, #tpu.memory_space<hbm>> -> memref<40xi32, #tpu.memory_space<hbm>>
        %dma_start3A_317 = tpu.memref_slice %arg5[%add3A_313] : memref<320000xi32, #tpu.memory_space<hbm>> -> memref<40xi32, #tpu.memory_space<hbm>>
        tpu.enqueue_dma source(%dma_start3A_317 : memref<40xi32, #tpu.memory_space<hbm>>) target(%arg14 : memref<40xi32, #tpu.memory_space<vmem>>) target_semaphore(%arg27 : memref<!tpu.dma_semaphore, #tpu.memory_space<semaphore_mem>>)
        %dma_start3A_318 = arith.constant 0 : i32
        %dma_start3A_319 = tpu.memref_slice %arg2[%add3A_313, %dma_start3A_318] : memref<320000x128xf32, #tpu.memory_space<hbm>> -> memref<40x128xf32, #tpu.memory_space<hbm>>
        %dma_start3A_320 = arith.constant 0 : i32
        %dma_start3A_321 = tpu.memref_slice %arg2[%add3A_313, %dma_start3A_320] : memref<320000x128xf32, #tpu.memory_space<hbm>> -> memref<40x128xf32, #tpu.memory_space<hbm>>
        tpu.enqueue_dma source(%dma_start3A_321 : memref<40x128xf32, #tpu.memory_space<hbm>>) target(%arg18 : memref<40x128xf32, #tpu.memory_space<vmem>>) target_semaphore(%arg31 : memref<!tpu.dma_semaphore, #tpu.memory_space<semaphore_mem>>)
      } else {
      }
      %dma_wait3A_213 = arith.constant 0 : i32
      %dma_wait3A_214 = arith.constant 0 : i32
      %dma_wait3A_215 = tpu.memref_slice %arg2[%dma_wait3A_213, %dma_wait3A_214] : memref<320000x128xf32, #tpu.memory_space<hbm>> -> memref<40x128xf32, #tpu.memory_space<hbm>>
      %dma_wait3A_216 = arith.constant 0 : i32
      %dma_wait3A_217 = arith.constant 0 : i32
      %dma_wait3A_218 = tpu.memref_slice %arg2[%dma_wait3A_216, %dma_wait3A_217] : memref<320000x128xf32, #tpu.memory_space<hbm>> -> memref<40x128xf32, #tpu.memory_space<hbm>>
      tpu.wait_dma2 semaphore(%arg29 : memref<!tpu.dma_semaphore, #tpu.memory_space<semaphore_mem>>) src(%dma_wait3A_218 : memref<40x128xf32, #tpu.memory_space<hbm>>) dst(%arg16 : memref<40x128xf32, #tpu.memory_space<vmem>>)
      %dma_wait3A_219 = arith.constant 0 : i32
      %dma_wait3A_220 = arith.constant 0 : i32
      %dma_wait3A_221 = tpu.memref_slice %arg2[%dma_wait3A_219, %dma_wait3A_220] : memref<320000x128xf32, #tpu.memory_space<hbm>> -> memref<40x128xf32, #tpu.memory_space<hbm>>
      %dma_wait3A_222 = arith.constant 0 : i32
      %dma_wait3A_223 = arith.constant 0 : i32
      %dma_wait3A_224 = tpu.memref_slice %arg2[%dma_wait3A_222, %dma_wait3A_223] : memref<320000x128xf32, #tpu.memory_space<hbm>> -> memref<40x128xf32, #tpu.memory_space<hbm>>
      tpu.wait_dma2 semaphore(%arg29 : memref<!tpu.dma_semaphore, #tpu.memory_space<semaphore_mem>>) src(%dma_wait3A_224 : memref<40x128xf32, #tpu.memory_space<hbm>>) dst(%arg20 : memref<40x128xf32, #tpu.memory_space<vmem>>)
      %parallel_loop3A_225 = arith.constant 0 : i32
      %parallel_loop3A_226 = arith.constant 40 : i32
      %parallel_loop3A_227 = arith.constant 1 : i32
      scf.for %parallel_loop3A_309 = %parallel_loop3A_225 to %parallel_loop3A_226 step %parallel_loop3A_227  : i32 {
        %parallel_loop3A_310 = arith.index_cast %parallel_loop3A_309 : i32 to index
        %parallel_loop3A_311 = arith.constant 0 : index
        %parallel_loop3A_312 = tpu.vector_load %arg16[%parallel_loop3A_310, %parallel_loop3A_311] {strides = array<i32>} : memref<40x128xf32, #tpu.memory_space<vmem>>, vector<1x16xf32>,
        %parallel_loop3A_313 = vector.shape_cast %parallel_loop3A_312 : vector<1x16xf32> to vector<16xf32>
        %parallel_loop3A_314 = arith.index_cast %parallel_loop3A_309 : i32 to index
        %parallel_loop3A_315 = arith.constant 0 : index
        %parallel_loop3A_316 = tpu.vector_load %arg20[%parallel_loop3A_314, %parallel_loop3A_315] {strides = array<i32>} : memref<40x128xf32, #tpu.memory_space<vmem>>, vector<1x16xf32>,
        %parallel_loop3A_317 = vector.shape_cast %parallel_loop3A_316 : vector<1x16xf32> to vector<16xf32>
        %parallel_loop3A_318 = arith.mulf %parallel_loop3A_313, %parallel_loop3A_317 : vector<16xf32>
        %parallel_loop3A_319 = arith.index_cast %parallel_loop3A_309 : i32 to index
        %parallel_loop3A_320 = arith.constant 0 : index
        %parallel_loop3A_321 = tpu.vector_load %arg16[%parallel_loop3A_319, %parallel_loop3A_320] {strides = array<i32>} : memref<40x128xf32, #tpu.memory_space<vmem>>, vector<1x16xf32>,
        %parallel_loop3A_322 = vector.shape_cast %parallel_loop3A_321 : vector<1x16xf32> to vector<16xf32>
        %parallel_loop3A_323 = vector.shape_cast %parallel_loop3A_318 : vector<16xf32> to vector<1x16xf32>
        tpu.vector_store %arg16[%parallel_loop3A_319, %parallel_loop3A_320], %parallel_loop3A_323 {strides = array<i32>} : memref<40x128xf32, #tpu.memory_space<vmem>>, vector<1x16xf32>,
        %parallel_loop3A_324 = arith.index_cast %parallel_loop3A_309 : i32 to index
        %parallel_loop3A_325 = arith.constant 16 : index
        %parallel_loop3A_326 = tpu.vector_load %arg16[%parallel_loop3A_324, %parallel_loop3A_325] {strides = array<i32>} : memref<40x128xf32, #tpu.memory_space<vmem>>, vector<1x16xf32>,
        %parallel_loop3A_327 = vector.shape_cast %parallel_loop3A_326 : vector<1x16xf32> to vector<16xf32>
        %parallel_loop3A_328 = arith.index_cast %parallel_loop3A_309 : i32 to index
        %parallel_loop3A_329 = arith.constant 16 : index
        %parallel_loop3A_330 = tpu.vector_load %arg20[%parallel_loop3A_328, %parallel_loop3A_329] {strides = array<i32>} : memref<40x128xf32, #tpu.memory_space<vmem>>, vector<1x16xf32>,
        %parallel_loop3A_331 = vector.shape_cast %parallel_loop3A_330 : vector<1x16xf32> to vector<16xf32>
        %parallel_loop3A_332 = arith.mulf %parallel_loop3A_327, %parallel_loop3A_331 : vector<16xf32>
        %parallel_loop3A_333 = arith.index_cast %parallel_loop3A_309 : i32 to index
        %parallel_loop3A_334 = arith.constant 16 : index
        %parallel_loop3A_335 = tpu.vector_load %arg16[%parallel_loop3A_333, %parallel_loop3A_334] {strides = array<i32>} : memref<40x128xf32, #tpu.memory_space<vmem>>, vector<1x16xf32>,
        %parallel_loop3A_336 = vector.shape_cast %parallel_loop3A_335 : vector<1x16xf32> to vector<16xf32>
        %parallel_loop3A_337 = vector.shape_cast %parallel_loop3A_332 : vector<16xf32> to vector<1x16xf32>
        tpu.vector_store %arg16[%parallel_loop3A_333, %parallel_loop3A_334], %parallel_loop3A_337 {strides = array<i32>} : memref<40x128xf32, #tpu.memory_space<vmem>>, vector<1x16xf32>,
        %parallel_loop3A_338 = arith.index_cast %parallel_loop3A_309 : i32 to index
        %parallel_loop3A_339 = arith.constant 32 : index
        %parallel_loop3A_340 = tpu.vector_load %arg16[%parallel_loop3A_338, %parallel_loop3A_339] {strides = array<i32>} : memref<40x128xf32, #tpu.memory_space<vmem>>, vector<1x16xf32>,
        %parallel_loop3A_341 = vector.shape_cast %parallel_loop3A_340 : vector<1x16xf32> to vector<16xf32>
        %parallel_loop3A_342 = arith.index_cast %parallel_loop3A_309 : i32 to index
        %parallel_loop3A_343 = arith.constant 32 : index
        %parallel_loop3A_344 = tpu.vector_load %arg20[%parallel_loop3A_342, %parallel_loop3A_343] {strides = array<i32>} : memref<40x128xf32, #tpu.memory_space<vmem>>, vector<1x16xf32>,
        %parallel_loop3A_345 = vector.shape_cast %parallel_loop3A_344 : vector<1x16xf32> to vector<16xf32>
        %parallel_loop3A_346 = arith.mulf %parallel_loop3A_341, %parallel_loop3A_345 : vector<16xf32>
        %parallel_loop3A_347 = arith.index_cast %parallel_loop3A_309 : i32 to index
        %parallel_loop3A_348 = arith.constant 32 : index
        %parallel_loop3A_349 = tpu.vector_load %arg16[%parallel_loop3A_347, %parallel_loop3A_348] {strides = array<i32>} : memref<40x128xf32, #tpu.memory_space<vmem>>, vector<1x16xf32>,
        %parallel_loop3A_350 = vector.shape_cast %parallel_loop3A_349 : vector<1x16xf32> to vector<16xf32>
        %parallel_loop3A_351 = vector.shape_cast %parallel_loop3A_346 : vector<16xf32> to vector<1x16xf32>
        tpu.vector_store %arg16[%parallel_loop3A_347, %parallel_loop3A_348], %parallel_loop3A_351 {strides = array<i32>} : memref<40x128xf32, #tpu.memory_space<vmem>>, vector<1x16xf32>,
        %parallel_loop3A_352 = arith.index_cast %parallel_loop3A_309 : i32 to index
        %parallel_loop3A_353 = arith.constant 48 : index
        %parallel_loop3A_354 = tpu.vector_load %arg16[%parallel_loop3A_352, %parallel_loop3A_353] {strides = array<i32>} : memref<40x128xf32, #tpu.memory_space<vmem>>, vector<1x16xf32>,
        %parallel_loop3A_355 = vector.shape_cast %parallel_loop3A_354 : vector<1x16xf32> to vector<16xf32>
        %parallel_loop3A_356 = arith.index_cast %parallel_loop3A_309 : i32 to index
        %parallel_loop3A_357 = arith.constant 48 : index
        %parallel_loop3A_358 = tpu.vector_load %arg20[%parallel_loop3A_356, %parallel_loop3A_357] {strides = array<i32>} : memref<40x128xf32, #tpu.memory_space<vmem>>, vector<1x16xf32>,
        %parallel_loop3A_359 = vector.shape_cast %parallel_loop3A_358 : vector<1x16xf32> to vector<16xf32>
        %parallel_loop3A_360 = arith.mulf %parallel_loop3A_355, %parallel_loop3A_359 : vector<16xf32>
        %parallel_loop3A_361 = arith.index_cast %parallel_loop3A_309 : i32 to index
        %parallel_loop3A_362 = arith.constant 48 : index
        %parallel_loop3A_363 = tpu.vector_load %arg16[%parallel_loop3A_361, %parallel_loop3A_362] {strides = array<i32>} : memref<40x128xf32, #tpu.memory_space<vmem>>, vector<1x16xf32>,
        %parallel_loop3A_364 = vector.shape_cast %parallel_loop3A_363 : vector<1x16xf32> to vector<16xf32>
        %parallel_loop3A_365 = vector.shape_cast %parallel_loop3A_360 : vector<16xf32> to vector<1x16xf32>
        tpu.vector_store %arg16[%parallel_loop3A_361, %parallel_loop3A_362], %parallel_loop3A_365 {strides = array<i32>} : memref<40x128xf32, #tpu.memory_space<vmem>>, vector<1x16xf32>,
        %parallel_loop3A_366 = arith.index_cast %parallel_loop3A_309 : i32 to index
        %parallel_loop3A_367 = arith.constant 64 : index
        %parallel_loop3A_368 = tpu.vector_load %arg16[%parallel_loop3A_366, %parallel_loop3A_367] {strides = array<i32>} : memref<40x128xf32, #tpu.memory_space<vmem>>, vector<1x16xf32>,
        %parallel_loop3A_369 = vector.shape_cast %parallel_loop3A_368 : vector<1x16xf32> to vector<16xf32>
        %parallel_loop3A_370 = arith.index_cast %parallel_loop3A_309 : i32 to index
        %parallel_loop3A_371 = arith.constant 64 : index
        %parallel_loop3A_372 = tpu.vector_load %arg20[%parallel_loop3A_370, %parallel_loop3A_371] {strides = array<i32>} : memref<40x128xf32, #tpu.memory_space<vmem>>, vector<1x16xf32>,
        %parallel_loop3A_373 = vector.shape_cast %parallel_loop3A_372 : vector<1x16xf32> to vector<16xf32>
        %parallel_loop3A_374 = arith.mulf %parallel_loop3A_369, %parallel_loop3A_373 : vector<16xf32>
        %parallel_loop3A_375 = arith.index_cast %parallel_loop3A_309 : i32 to index
        %parallel_loop3A_376 = arith.constant 64 : index
        %parallel_loop3A_377 = tpu.vector_load %arg16[%parallel_loop3A_375, %parallel_loop3A_376] {strides = array<i32>} : memref<40x128xf32, #tpu.memory_space<vmem>>, vector<1x16xf32>,
        %parallel_loop3A_378 = vector.shape_cast %parallel_loop3A_377 : vector<1x16xf32> to vector<16xf32>
        %parallel_loop3A_379 = vector.shape_cast %parallel_loop3A_374 : vector<16xf32> to vector<1x16xf32>
        tpu.vector_store %arg16[%parallel_loop3A_375, %parallel_loop3A_376], %parallel_loop3A_379 {strides = array<i32>} : memref<40x128xf32, #tpu.memory_space<vmem>>, vector<1x16xf32>,
        %parallel_loop3A_380 = arith.index_cast %parallel_loop3A_309 : i32 to index
        %parallel_loop3A_381 = arith.constant 80 : index
        %parallel_loop3A_382 = tpu.vector_load %arg16[%parallel_loop3A_380, %parallel_loop3A_381] {strides = array<i32>} : memref<40x128xf32, #tpu.memory_space<vmem>>, vector<1x16xf32>,
        %parallel_loop3A_383 = vector.shape_cast %parallel_loop3A_382 : vector<1x16xf32> to vector<16xf32>
        %parallel_loop3A_384 = arith.index_cast %parallel_loop3A_309 : i32 to index
        %parallel_loop3A_385 = arith.constant 80 : index
        %parallel_loop3A_386 = tpu.vector_load %arg20[%parallel_loop3A_384, %parallel_loop3A_385] {strides = array<i32>} : memref<40x128xf32, #tpu.memory_space<vmem>>, vector<1x16xf32>,
        %parallel_loop3A_387 = vector.shape_cast %parallel_loop3A_386 : vector<1x16xf32> to vector<16xf32>
        %parallel_loop3A_388 = arith.mulf %parallel_loop3A_383, %parallel_loop3A_387 : vector<16xf32>
        %parallel_loop3A_389 = arith.index_cast %parallel_loop3A_309 : i32 to index
        %parallel_loop3A_390 = arith.constant 80 : index
        %parallel_loop3A_391 = tpu.vector_load %arg16[%parallel_loop3A_389, %parallel_loop3A_390] {strides = array<i32>} : memref<40x128xf32, #tpu.memory_space<vmem>>, vector<1x16xf32>,
        %parallel_loop3A_392 = vector.shape_cast %parallel_loop3A_391 : vector<1x16xf32> to vector<16xf32>
        %parallel_loop3A_393 = vector.shape_cast %parallel_loop3A_388 : vector<16xf32> to vector<1x16xf32>
        tpu.vector_store %arg16[%parallel_loop3A_389, %parallel_loop3A_390], %parallel_loop3A_393 {strides = array<i32>} : memref<40x128xf32, #tpu.memory_space<vmem>>, vector<1x16xf32>,
        %parallel_loop3A_394 = arith.index_cast %parallel_loop3A_309 : i32 to index
        %parallel_loop3A_395 = arith.constant 96 : index
        %parallel_loop3A_396 = tpu.vector_load %arg16[%parallel_loop3A_394, %parallel_loop3A_395] {strides = array<i32>} : memref<40x128xf32, #tpu.memory_space<vmem>>, vector<1x16xf32>,
        %parallel_loop3A_397 = vector.shape_cast %parallel_loop3A_396 : vector<1x16xf32> to vector<16xf32>
        %parallel_loop3A_398 = arith.index_cast %parallel_loop3A_309 : i32 to index
        %parallel_loop3A_399 = arith.constant 96 : index
        %parallel_loop3A_400 = tpu.vector_load %arg20[%parallel_loop3A_398, %parallel_loop3A_399] {strides = array<i32>} : memref<40x128xf32, #tpu.memory_space<vmem>>, vector<1x16xf32>,
        %parallel_loop3A_401 = vector.shape_cast %parallel_loop3A_400 : vector<1x16xf32> to vector<16xf32>
        %parallel_loop3A_402 = arith.mulf %parallel_loop3A_397, %parallel_loop3A_401 : vector<16xf32>
        %parallel_loop3A_403 = arith.index_cast %parallel_loop3A_309 : i32 to index
        %parallel_loop3A_404 = arith.constant 96 : index
        %parallel_loop3A_405 = tpu.vector_load %arg16[%parallel_loop3A_403, %parallel_loop3A_404] {strides = array<i32>} : memref<40x128xf32, #tpu.memory_space<vmem>>, vector<1x16xf32>,
        %parallel_loop3A_406 = vector.shape_cast %parallel_loop3A_405 : vector<1x16xf32> to vector<16xf32>
        %parallel_loop3A_407 = vector.shape_cast %parallel_loop3A_402 : vector<16xf32> to vector<1x16xf32>
        tpu.vector_store %arg16[%parallel_loop3A_403, %parallel_loop3A_404], %parallel_loop3A_407 {strides = array<i32>} : memref<40x128xf32, #tpu.memory_space<vmem>>, vector<1x16xf32>,
        %parallel_loop3A_408 = arith.index_cast %parallel_loop3A_309 : i32 to index
        %parallel_loop3A_409 = arith.constant 112 : index
        %parallel_loop3A_410 = tpu.vector_load %arg16[%parallel_loop3A_408, %parallel_loop3A_409] {strides = array<i32>} : memref<40x128xf32, #tpu.memory_space<vmem>>, vector<1x16xf32>,
        %parallel_loop3A_411 = vector.shape_cast %parallel_loop3A_410 : vector<1x16xf32> to vector<16xf32>
        %parallel_loop3A_412 = arith.index_cast %parallel_loop3A_309 : i32 to index
        %parallel_loop3A_413 = arith.constant 112 : index
        %parallel_loop3A_414 = tpu.vector_load %arg20[%parallel_loop3A_412, %parallel_loop3A_413] {strides = array<i32>} : memref<40x128xf32, #tpu.memory_space<vmem>>, vector<1x16xf32>,
        %parallel_loop3A_415 = vector.shape_cast %parallel_loop3A_414 : vector<1x16xf32> to vector<16xf32>
        %parallel_loop3A_416 = arith.mulf %parallel_loop3A_411, %parallel_loop3A_415 : vector<16xf32>
        %parallel_loop3A_417 = arith.index_cast %parallel_loop3A_309 : i32 to index
        %parallel_loop3A_418 = arith.constant 112 : index
        %parallel_loop3A_419 = tpu.vector_load %arg16[%parallel_loop3A_417, %parallel_loop3A_418] {strides = array<i32>} : memref<40x128xf32, #tpu.memory_space<vmem>>, vector<1x16xf32>,
        %parallel_loop3A_420 = vector.shape_cast %parallel_loop3A_419 : vector<1x16xf32> to vector<16xf32>
        %parallel_loop3A_421 = vector.shape_cast %parallel_loop3A_416 : vector<16xf32> to vector<1x16xf32>
        tpu.vector_store %arg16[%parallel_loop3A_417, %parallel_loop3A_418], %parallel_loop3A_421 {strides = array<i32>} : memref<40x128xf32, #tpu.memory_space<vmem>>, vector<1x16xf32>,
      } {sc.loop_unroll_factor = 4 : i64, sc.parallel_access}
      %dma_start3A_228 = arith.constant 0 : i32
      %dma_start3A_229 = arith.constant 0 : i32
      %dma_start3A_230 = tpu.memref_slice %arg23[%dma_start3A_228, %dma_start3A_229] : memref<10000x128xf32, #tpu.memory_space<vmem_shared>> -> memref<10000x128xf32, #tpu.memory_space<vmem_shared>>
      tpu.enqueue_indirect_dma source(%arg16 : memref<40x128xf32, #tpu.memory_space<vmem>>) target(%dma_start3A_230 : memref<10000x128xf32, #tpu.memory_space<vmem_shared>>) offsets(%arg12 : memref<40xi32, #tpu.memory_space<vmem>>) semaphore(%arg33 : memref<!tpu.dma_semaphore, #tpu.memory_space<semaphore_mem>>) {add = true}
      %add3A_231 = arith.constant 2 : i32
      %add3A_232 = arith.addi %mul3A_154, %add3A_231 : i32
      %add3A_233 = arith.constant 1 : i32
      %add3A_234 = arith.addi %add3A_232, %add3A_233 : i32
      %lt3A_235 = arith.constant 250 : i32
      %lt3A_236 = arith.cmpi slt, %add3A_234, %lt3A_235 : i32
      %convert_element_type3A_237 = arith.extui %lt3A_236 : i1 to i32
      %cond3A_238 = arith.constant 0 : i32
      %cond3A_239 = arith.cmpi ne, %convert_element_type3A_237, %cond3A_238 : i32
      scf.if %cond3A_239 {
        %dma_wait3A_309 = arith.constant 0 : i32
        %dma_wait3A_310 = tpu.memref_slice %arg4[%dma_wait3A_309] : memref<320000xi32, #tpu.memory_space<hbm>> -> memref<40xi32, #tpu.memory_space<hbm>>
        %dma_wait3A_311 = arith.constant 0 : i32
        %dma_wait3A_312 = tpu.memref_slice %arg4[%dma_wait3A_311] : memref<320000xi32, #tpu.memory_space<hbm>> -> memref<40xi32, #tpu.memory_space<hbm>>
        tpu.wait_dma2 semaphore(%arg27 : memref<!tpu.dma_semaphore, #tpu.memory_space<semaphore_mem>>) src(%dma_wait3A_312 : memref<40xi32, #tpu.memory_space<hbm>>) dst(%arg10 : memref<40xi32, #tpu.memory_space<vmem>>)
        %dma_wait3A_313 = arith.constant 0 : i32
        %dma_wait3A_314 = tpu.memref_slice %arg4[%dma_wait3A_313] : memref<320000xi32, #tpu.memory_space<hbm>> -> memref<40xi32, #tpu.memory_space<hbm>>
        %dma_wait3A_315 = arith.constant 0 : i32
        %dma_wait3A_316 = tpu.memref_slice %arg4[%dma_wait3A_315] : memref<320000xi32, #tpu.memory_space<hbm>> -> memref<40xi32, #tpu.memory_space<hbm>>
        tpu.wait_dma2 semaphore(%arg27 : memref<!tpu.dma_semaphore, #tpu.memory_space<semaphore_mem>>) src(%dma_wait3A_316 : memref<40xi32, #tpu.memory_space<hbm>>) dst(%arg14 : memref<40xi32, #tpu.memory_space<vmem>>)
        %dma_start3A_317 = arith.constant 0 : i32
        %dma_start3A_318 = arith.constant 0 : i32
        %dma_start3A_319 = tpu.memref_slice %arg3[%dma_start3A_317, %dma_start3A_318] : memref<10000x128xf32, #tpu.memory_space<hbm>> -> memref<10000x128xf32, #tpu.memory_space<hbm>>
        tpu.enqueue_indirect_dma source(%dma_start3A_319 : memref<10000x128xf32, #tpu.memory_space<hbm>>) target(%arg22 : memref<40x128xf32, #tpu.memory_space<vmem>>) offsets(%arg10 : memref<40xi32, #tpu.memory_space<vmem>>) semaphore(%arg31 : memref<!tpu.dma_semaphore, #tpu.memory_space<semaphore_mem>>)
      } else {
      }
      %ge3A_240 = arith.constant 2 : i32
      %ge3A_241 = arith.cmpi sge, %add3A_232, %ge3A_240 : i32
      %convert_element_type3A_242 = arith.extui %ge3A_241 : i1 to i32
      %cond3A_243 = arith.constant 0 : i32
      %cond3A_244 = arith.cmpi ne, %convert_element_type3A_242, %cond3A_243 : i32
      scf.if %cond3A_244 {
        %dma_wait3A_309 = arith.constant 0 : i32
        %dma_wait3A_310 = arith.constant 0 : i32
        %dma_wait3A_311 = tpu.memref_slice %arg2[%dma_wait3A_309, %dma_wait3A_310] : memref<320000x128xf32, #tpu.memory_space<hbm>> -> memref<40x128xf32, #tpu.memory_space<hbm>>
        %dma_wait3A_312 = arith.constant 0 : i32
        %dma_wait3A_313 = arith.constant 0 : i32
        %dma_wait3A_314 = tpu.memref_slice %arg2[%dma_wait3A_312, %dma_wait3A_313] : memref<320000x128xf32, #tpu.memory_space<hbm>> -> memref<40x128xf32, #tpu.memory_space<hbm>>
        tpu.wait_dma2 semaphore(%arg32 : memref<!tpu.dma_semaphore, #tpu.memory_space<semaphore_mem>>) src(%dma_wait3A_314 : memref<40x128xf32, #tpu.memory_space<hbm>>) dst(%arg15 : memref<40x128xf32, #tpu.memory_space<vmem>>)
      } else {
      }
      %add3A_245 = arith.constant 2 : i32
      %add3A_246 = arith.addi %add3A_232, %add3A_245 : i32
      %lt3A_247 = arith.constant 250 : i32
      %lt3A_248 = arith.cmpi slt, %add3A_246, %lt3A_247 : i32
      %convert_element_type3A_249 = arith.extui %lt3A_248 : i1 to i32
      %cond3A_250 = arith.constant 0 : i32
      %cond3A_251 = arith.cmpi ne, %convert_element_type3A_249, %cond3A_250 : i32
      scf.if %cond3A_251 {
        %add3A_309 = arith.constant 2 : i32
        %add3A_310 = arith.addi %add3A_232, %add3A_309 : i32
        %mul3A_311 = arith.constant 40 : i32
        %mul3A_312 = arith.muli %add3A_310, %mul3A_311 : i32
        %add3A_313 = arith.addi %mul3A_2, %mul3A_312 : i32
        %dma_start3A_314 = tpu.memref_slice %arg4[%add3A_313] : memref<320000xi32, #tpu.memory_space<hbm>> -> memref<40xi32, #tpu.memory_space<hbm>>
        %dma_start3A_315 = tpu.memref_slice %arg4[%add3A_313] : memref<320000xi32, #tpu.memory_space<hbm>> -> memref<40xi32, #tpu.memory_space<hbm>>
        tpu.enqueue_dma source(%dma_start3A_315 : memref<40xi32, #tpu.memory_space<hbm>>) target(%arg7 : memref<40xi32, #tpu.memory_space<vmem>>) target_semaphore(%arg24 : memref<!tpu.dma_semaphore, #tpu.memory_space<semaphore_mem>>)
        %dma_start3A_316 = tpu.memref_slice %arg5[%add3A_313] : memref<320000xi32, #tpu.memory_space<hbm>> -> memref<40xi32, #tpu.memory_space<hbm>>
        %dma_start3A_317 = tpu.memref_slice %arg5[%add3A_313] : memref<320000xi32, #tpu.memory_space<hbm>> -> memref<40xi32, #tpu.memory_space<hbm>>
        tpu.enqueue_dma source(%dma_start3A_317 : memref<40xi32, #tpu.memory_space<hbm>>) target(%arg11 : memref<40xi32, #tpu.memory_space<vmem>>) target_semaphore(%arg24 : memref<!tpu.dma_semaphore, #tpu.memory_space<semaphore_mem>>)
        %dma_start3A_318 = arith.constant 0 : i32
        %dma_start3A_319 = tpu.memref_slice %arg2[%add3A_313, %dma_start3A_318] : memref<320000x128xf32, #tpu.memory_space<hbm>> -> memref<40x128xf32, #tpu.memory_space<hbm>>
        %dma_start3A_320 = arith.constant 0 : i32
        %dma_start3A_321 = tpu.memref_slice %arg2[%add3A_313, %dma_start3A_320] : memref<320000x128xf32, #tpu.memory_space<hbm>> -> memref<40x128xf32, #tpu.memory_space<hbm>>
        tpu.enqueue_dma source(%dma_start3A_321 : memref<40x128xf32, #tpu.memory_space<hbm>>) target(%arg15 : memref<40x128xf32, #tpu.memory_space<vmem>>) target_semaphore(%arg28 : memref<!tpu.dma_semaphore, #tpu.memory_space<semaphore_mem>>)
      } else {
      }
      %dma_wait3A_252 = arith.constant 0 : i32
      %dma_wait3A_253 = arith.constant 0 : i32
      %dma_wait3A_254 = tpu.memref_slice %arg2[%dma_wait3A_252, %dma_wait3A_253] : memref<320000x128xf32, #tpu.memory_space<hbm>> -> memref<40x128xf32, #tpu.memory_space<hbm>>
      %dma_wait3A_255 = arith.constant 0 : i32
      %dma_wait3A_256 = arith.constant 0 : i32
      %dma_wait3A_257 = tpu.memref_slice %arg2[%dma_wait3A_255, %dma_wait3A_256] : memref<320000x128xf32, #tpu.memory_space<hbm>> -> memref<40x128xf32, #tpu.memory_space<hbm>>
      tpu.wait_dma2 semaphore(%arg30 : memref<!tpu.dma_semaphore, #tpu.memory_space<semaphore_mem>>) src(%dma_wait3A_257 : memref<40x128xf32, #tpu.memory_space<hbm>>) dst(%arg17 : memref<40x128xf32, #tpu.memory_space<vmem>>)
      %dma_wait3A_258 = arith.constant 0 : i32
      %dma_wait3A_259 = arith.constant 0 : i32
      %dma_wait3A_260 = tpu.memref_slice %arg2[%dma_wait3A_258, %dma_wait3A_259] : memref<320000x128xf32, #tpu.memory_space<hbm>> -> memref<40x128xf32, #tpu.memory_space<hbm>>
      %dma_wait3A_261 = arith.constant 0 : i32
      %dma_wait3A_262 = arith.constant 0 : i32
      %dma_wait3A_263 = tpu.memref_slice %arg2[%dma_wait3A_261, %dma_wait3A_262] : memref<320000x128xf32, #tpu.memory_space<hbm>> -> memref<40x128xf32, #tpu.memory_space<hbm>>
      tpu.wait_dma2 semaphore(%arg30 : memref<!tpu.dma_semaphore, #tpu.memory_space<semaphore_mem>>) src(%dma_wait3A_263 : memref<40x128xf32, #tpu.memory_space<hbm>>) dst(%arg21 : memref<40x128xf32, #tpu.memory_space<vmem>>)
      %parallel_loop3A_264 = arith.constant 0 : i32
      %parallel_loop3A_265 = arith.constant 40 : i32
      %parallel_loop3A_266 = arith.constant 1 : i32
      scf.for %parallel_loop3A_309 = %parallel_loop3A_264 to %parallel_loop3A_265 step %parallel_loop3A_266  : i32 {
        %parallel_loop3A_310 = arith.index_cast %parallel_loop3A_309 : i32 to index
        %parallel_loop3A_311 = arith.constant 0 : index
        %parallel_loop3A_312 = tpu.vector_load %arg17[%parallel_loop3A_310, %parallel_loop3A_311] {strides = array<i32>} : memref<40x128xf32, #tpu.memory_space<vmem>>, vector<1x16xf32>,
        %parallel_loop3A_313 = vector.shape_cast %parallel_loop3A_312 : vector<1x16xf32> to vector<16xf32>
        %parallel_loop3A_314 = arith.index_cast %parallel_loop3A_309 : i32 to index
        %parallel_loop3A_315 = arith.constant 0 : index
        %parallel_loop3A_316 = tpu.vector_load %arg21[%parallel_loop3A_314, %parallel_loop3A_315] {strides = array<i32>} : memref<40x128xf32, #tpu.memory_space<vmem>>, vector<1x16xf32>,
        %parallel_loop3A_317 = vector.shape_cast %parallel_loop3A_316 : vector<1x16xf32> to vector<16xf32>
        %parallel_loop3A_318 = arith.mulf %parallel_loop3A_313, %parallel_loop3A_317 : vector<16xf32>
        %parallel_loop3A_319 = arith.index_cast %parallel_loop3A_309 : i32 to index
        %parallel_loop3A_320 = arith.constant 0 : index
        %parallel_loop3A_321 = tpu.vector_load %arg17[%parallel_loop3A_319, %parallel_loop3A_320] {strides = array<i32>} : memref<40x128xf32, #tpu.memory_space<vmem>>, vector<1x16xf32>,
        %parallel_loop3A_322 = vector.shape_cast %parallel_loop3A_321 : vector<1x16xf32> to vector<16xf32>
        %parallel_loop3A_323 = vector.shape_cast %parallel_loop3A_318 : vector<16xf32> to vector<1x16xf32>
        tpu.vector_store %arg17[%parallel_loop3A_319, %parallel_loop3A_320], %parallel_loop3A_323 {strides = array<i32>} : memref<40x128xf32, #tpu.memory_space<vmem>>, vector<1x16xf32>,
        %parallel_loop3A_324 = arith.index_cast %parallel_loop3A_309 : i32 to index
        %parallel_loop3A_325 = arith.constant 16 : index
        %parallel_loop3A_326 = tpu.vector_load %arg17[%parallel_loop3A_324, %parallel_loop3A_325] {strides = array<i32>} : memref<40x128xf32, #tpu.memory_space<vmem>>, vector<1x16xf32>,
        %parallel_loop3A_327 = vector.shape_cast %parallel_loop3A_326 : vector<1x16xf32> to vector<16xf32>
        %parallel_loop3A_328 = arith.index_cast %parallel_loop3A_309 : i32 to index
        %parallel_loop3A_329 = arith.constant 16 : index
        %parallel_loop3A_330 = tpu.vector_load %arg21[%parallel_loop3A_328, %parallel_loop3A_329] {strides = array<i32>} : memref<40x128xf32, #tpu.memory_space<vmem>>, vector<1x16xf32>,
        %parallel_loop3A_331 = vector.shape_cast %parallel_loop3A_330 : vector<1x16xf32> to vector<16xf32>
        %parallel_loop3A_332 = arith.mulf %parallel_loop3A_327, %parallel_loop3A_331 : vector<16xf32>
        %parallel_loop3A_333 = arith.index_cast %parallel_loop3A_309 : i32 to index
        %parallel_loop3A_334 = arith.constant 16 : index
        %parallel_loop3A_335 = tpu.vector_load %arg17[%parallel_loop3A_333, %parallel_loop3A_334] {strides = array<i32>} : memref<40x128xf32, #tpu.memory_space<vmem>>, vector<1x16xf32>,
        %parallel_loop3A_336 = vector.shape_cast %parallel_loop3A_335 : vector<1x16xf32> to vector<16xf32>
        %parallel_loop3A_337 = vector.shape_cast %parallel_loop3A_332 : vector<16xf32> to vector<1x16xf32>
        tpu.vector_store %arg17[%parallel_loop3A_333, %parallel_loop3A_334], %parallel_loop3A_337 {strides = array<i32>} : memref<40x128xf32, #tpu.memory_space<vmem>>, vector<1x16xf32>,
        %parallel_loop3A_338 = arith.index_cast %parallel_loop3A_309 : i32 to index
        %parallel_loop3A_339 = arith.constant 32 : index
        %parallel_loop3A_340 = tpu.vector_load %arg17[%parallel_loop3A_338, %parallel_loop3A_339] {strides = array<i32>} : memref<40x128xf32, #tpu.memory_space<vmem>>, vector<1x16xf32>,
        %parallel_loop3A_341 = vector.shape_cast %parallel_loop3A_340 : vector<1x16xf32> to vector<16xf32>
        %parallel_loop3A_342 = arith.index_cast %parallel_loop3A_309 : i32 to index
        %parallel_loop3A_343 = arith.constant 32 : index
        %parallel_loop3A_344 = tpu.vector_load %arg21[%parallel_loop3A_342, %parallel_loop3A_343] {strides = array<i32>} : memref<40x128xf32, #tpu.memory_space<vmem>>, vector<1x16xf32>,
        %parallel_loop3A_345 = vector.shape_cast %parallel_loop3A_344 : vector<1x16xf32> to vector<16xf32>
        %parallel_loop3A_346 = arith.mulf %parallel_loop3A_341, %parallel_loop3A_345 : vector<16xf32>
        %parallel_loop3A_347 = arith.index_cast %parallel_loop3A_309 : i32 to index
        %parallel_loop3A_348 = arith.constant 32 : index
        %parallel_loop3A_349 = tpu.vector_load %arg17[%parallel_loop3A_347, %parallel_loop3A_348] {strides = array<i32>} : memref<40x128xf32, #tpu.memory_space<vmem>>, vector<1x16xf32>,
        %parallel_loop3A_350 = vector.shape_cast %parallel_loop3A_349 : vector<1x16xf32> to vector<16xf32>
        %parallel_loop3A_351 = vector.shape_cast %parallel_loop3A_346 : vector<16xf32> to vector<1x16xf32>
        tpu.vector_store %arg17[%parallel_loop3A_347, %parallel_loop3A_348], %parallel_loop3A_351 {strides = array<i32>} : memref<40x128xf32, #tpu.memory_space<vmem>>, vector<1x16xf32>,
        %parallel_loop3A_352 = arith.index_cast %parallel_loop3A_309 : i32 to index
        %parallel_loop3A_353 = arith.constant 48 : index
        %parallel_loop3A_354 = tpu.vector_load %arg17[%parallel_loop3A_352, %parallel_loop3A_353] {strides = array<i32>} : memref<40x128xf32, #tpu.memory_space<vmem>>, vector<1x16xf32>,
        %parallel_loop3A_355 = vector.shape_cast %parallel_loop3A_354 : vector<1x16xf32> to vector<16xf32>
        %parallel_loop3A_356 = arith.index_cast %parallel_loop3A_309 : i32 to index
        %parallel_loop3A_357 = arith.constant 48 : index
        %parallel_loop3A_358 = tpu.vector_load %arg21[%parallel_loop3A_356, %parallel_loop3A_357] {strides = array<i32>} : memref<40x128xf32, #tpu.memory_space<vmem>>, vector<1x16xf32>,
        %parallel_loop3A_359 = vector.shape_cast %parallel_loop3A_358 : vector<1x16xf32> to vector<16xf32>
        %parallel_loop3A_360 = arith.mulf %parallel_loop3A_355, %parallel_loop3A_359 : vector<16xf32>
        %parallel_loop3A_361 = arith.index_cast %parallel_loop3A_309 : i32 to index
        %parallel_loop3A_362 = arith.constant 48 : index
        %parallel_loop3A_363 = tpu.vector_load %arg17[%parallel_loop3A_361, %parallel_loop3A_362] {strides = array<i32>} : memref<40x128xf32, #tpu.memory_space<vmem>>, vector<1x16xf32>,
        %parallel_loop3A_364 = vector.shape_cast %parallel_loop3A_363 : vector<1x16xf32> to vector<16xf32>
        %parallel_loop3A_365 = vector.shape_cast %parallel_loop3A_360 : vector<16xf32> to vector<1x16xf32>
        tpu.vector_store %arg17[%parallel_loop3A_361, %parallel_loop3A_362], %parallel_loop3A_365 {strides = array<i32>} : memref<40x128xf32, #tpu.memory_space<vmem>>, vector<1x16xf32>,
        %parallel_loop3A_366 = arith.index_cast %parallel_loop3A_309 : i32 to index
        %parallel_loop3A_367 = arith.constant 64 : index
        %parallel_loop3A_368 = tpu.vector_load %arg17[%parallel_loop3A_366, %parallel_loop3A_367] {strides = array<i32>} : memref<40x128xf32, #tpu.memory_space<vmem>>, vector<1x16xf32>,
        %parallel_loop3A_369 = vector.shape_cast %parallel_loop3A_368 : vector<1x16xf32> to vector<16xf32>
        %parallel_loop3A_370 = arith.index_cast %parallel_loop3A_309 : i32 to index
        %parallel_loop3A_371 = arith.constant 64 : index
        %parallel_loop3A_372 = tpu.vector_load %arg21[%parallel_loop3A_370, %parallel_loop3A_371] {strides = array<i32>} : memref<40x128xf32, #tpu.memory_space<vmem>>, vector<1x16xf32>,
        %parallel_loop3A_373 = vector.shape_cast %parallel_loop3A_372 : vector<1x16xf32> to vector<16xf32>
        %parallel_loop3A_374 = arith.mulf %parallel_loop3A_369, %parallel_loop3A_373 : vector<16xf32>
        %parallel_loop3A_375 = arith.index_cast %parallel_loop3A_309 : i32 to index
        %parallel_loop3A_376 = arith.constant 64 : index
        %parallel_loop3A_377 = tpu.vector_load %arg17[%parallel_loop3A_375, %parallel_loop3A_376] {strides = array<i32>} : memref<40x128xf32, #tpu.memory_space<vmem>>, vector<1x16xf32>,
        %parallel_loop3A_378 = vector.shape_cast %parallel_loop3A_377 : vector<1x16xf32> to vector<16xf32>
        %parallel_loop3A_379 = vector.shape_cast %parallel_loop3A_374 : vector<16xf32> to vector<1x16xf32>
        tpu.vector_store %arg17[%parallel_loop3A_375, %parallel_loop3A_376], %parallel_loop3A_379 {strides = array<i32>} : memref<40x128xf32, #tpu.memory_space<vmem>>, vector<1x16xf32>,
        %parallel_loop3A_380 = arith.index_cast %parallel_loop3A_309 : i32 to index
        %parallel_loop3A_381 = arith.constant 80 : index
        %parallel_loop3A_382 = tpu.vector_load %arg17[%parallel_loop3A_380, %parallel_loop3A_381] {strides = array<i32>} : memref<40x128xf32, #tpu.memory_space<vmem>>, vector<1x16xf32>,
        %parallel_loop3A_383 = vector.shape_cast %parallel_loop3A_382 : vector<1x16xf32> to vector<16xf32>
        %parallel_loop3A_384 = arith.index_cast %parallel_loop3A_309 : i32 to index
        %parallel_loop3A_385 = arith.constant 80 : index
        %parallel_loop3A_386 = tpu.vector_load %arg21[%parallel_loop3A_384, %parallel_loop3A_385] {strides = array<i32>} : memref<40x128xf32, #tpu.memory_space<vmem>>, vector<1x16xf32>,
        %parallel_loop3A_387 = vector.shape_cast %parallel_loop3A_386 : vector<1x16xf32> to vector<16xf32>
        %parallel_loop3A_388 = arith.mulf %parallel_loop3A_383, %parallel_loop3A_387 : vector<16xf32>
        %parallel_loop3A_389 = arith.index_cast %parallel_loop3A_309 : i32 to index
        %parallel_loop3A_390 = arith.constant 80 : index
        %parallel_loop3A_391 = tpu.vector_load %arg17[%parallel_loop3A_389, %parallel_loop3A_390] {strides = array<i32>} : memref<40x128xf32, #tpu.memory_space<vmem>>, vector<1x16xf32>,
        %parallel_loop3A_392 = vector.shape_cast %parallel_loop3A_391 : vector<1x16xf32> to vector<16xf32>
        %parallel_loop3A_393 = vector.shape_cast %parallel_loop3A_388 : vector<16xf32> to vector<1x16xf32>
        tpu.vector_store %arg17[%parallel_loop3A_389, %parallel_loop3A_390], %parallel_loop3A_393 {strides = array<i32>} : memref<40x128xf32, #tpu.memory_space<vmem>>, vector<1x16xf32>,
        %parallel_loop3A_394 = arith.index_cast %parallel_loop3A_309 : i32 to index
        %parallel_loop3A_395 = arith.constant 96 : index
        %parallel_loop3A_396 = tpu.vector_load %arg17[%parallel_loop3A_394, %parallel_loop3A_395] {strides = array<i32>} : memref<40x128xf32, #tpu.memory_space<vmem>>, vector<1x16xf32>,
        %parallel_loop3A_397 = vector.shape_cast %parallel_loop3A_396 : vector<1x16xf32> to vector<16xf32>
        %parallel_loop3A_398 = arith.index_cast %parallel_loop3A_309 : i32 to index
        %parallel_loop3A_399 = arith.constant 96 : index
        %parallel_loop3A_400 = tpu.vector_load %arg21[%parallel_loop3A_398, %parallel_loop3A_399] {strides = array<i32>} : memref<40x128xf32, #tpu.memory_space<vmem>>, vector<1x16xf32>,
        %parallel_loop3A_401 = vector.shape_cast %parallel_loop3A_400 : vector<1x16xf32> to vector<16xf32>
        %parallel_loop3A_402 = arith.mulf %parallel_loop3A_397, %parallel_loop3A_401 : vector<16xf32>
        %parallel_loop3A_403 = arith.index_cast %parallel_loop3A_309 : i32 to index
        %parallel_loop3A_404 = arith.constant 96 : index
        %parallel_loop3A_405 = tpu.vector_load %arg17[%parallel_loop3A_403, %parallel_loop3A_404] {strides = array<i32>} : memref<40x128xf32, #tpu.memory_space<vmem>>, vector<1x16xf32>,
        %parallel_loop3A_406 = vector.shape_cast %parallel_loop3A_405 : vector<1x16xf32> to vector<16xf32>
        %parallel_loop3A_407 = vector.shape_cast %parallel_loop3A_402 : vector<16xf32> to vector<1x16xf32>
        tpu.vector_store %arg17[%parallel_loop3A_403, %parallel_loop3A_404], %parallel_loop3A_407 {strides = array<i32>} : memref<40x128xf32, #tpu.memory_space<vmem>>, vector<1x16xf32>,
        %parallel_loop3A_408 = arith.index_cast %parallel_loop3A_309 : i32 to index
        %parallel_loop3A_409 = arith.constant 112 : index
        %parallel_loop3A_410 = tpu.vector_load %arg17[%parallel_loop3A_408, %parallel_loop3A_409] {strides = array<i32>} : memref<40x128xf32, #tpu.memory_space<vmem>>, vector<1x16xf32>,
        %parallel_loop3A_411 = vector.shape_cast %parallel_loop3A_410 : vector<1x16xf32> to vector<16xf32>
        %parallel_loop3A_412 = arith.index_cast %parallel_loop3A_309 : i32 to index
        %parallel_loop3A_413 = arith.constant 112 : index
        %parallel_loop3A_414 = tpu.vector_load %arg21[%parallel_loop3A_412, %parallel_loop3A_413] {strides = array<i32>} : memref<40x128xf32, #tpu.memory_space<vmem>>, vector<1x16xf32>,
        %parallel_loop3A_415 = vector.shape_cast %parallel_loop3A_414 : vector<1x16xf32> to vector<16xf32>
        %parallel_loop3A_416 = arith.mulf %parallel_loop3A_411, %parallel_loop3A_415 : vector<16xf32>
        %parallel_loop3A_417 = arith.index_cast %parallel_loop3A_309 : i32 to index
        %parallel_loop3A_418 = arith.constant 112 : index
        %parallel_loop3A_419 = tpu.vector_load %arg17[%parallel_loop3A_417, %parallel_loop3A_418] {strides = array<i32>} : memref<40x128xf32, #tpu.memory_space<vmem>>, vector<1x16xf32>,
        %parallel_loop3A_420 = vector.shape_cast %parallel_loop3A_419 : vector<1x16xf32> to vector<16xf32>
        %parallel_loop3A_421 = vector.shape_cast %parallel_loop3A_416 : vector<16xf32> to vector<1x16xf32>
        tpu.vector_store %arg17[%parallel_loop3A_417, %parallel_loop3A_418], %parallel_loop3A_421 {strides = array<i32>} : memref<40x128xf32, #tpu.memory_space<vmem>>, vector<1x16xf32>,
      } {sc.loop_unroll_factor = 4 : i64, sc.parallel_access}
      %dma_start3A_267 = arith.constant 0 : i32
      %dma_start3A_268 = arith.constant 0 : i32
      %dma_start3A_269 = tpu.memref_slice %arg23[%dma_start3A_267, %dma_start3A_268] : memref<10000x128xf32, #tpu.memory_space<vmem_shared>> -> memref<10000x128xf32, #tpu.memory_space<vmem_shared>>
      tpu.enqueue_indirect_dma source(%arg17 : memref<40x128xf32, #tpu.memory_space<vmem>>) target(%dma_start3A_269 : memref<10000x128xf32, #tpu.memory_space<vmem_shared>>) offsets(%arg13 : memref<40xi32, #tpu.memory_space<vmem>>) semaphore(%arg34 : memref<!tpu.dma_semaphore, #tpu.memory_space<semaphore_mem>>) {add = true}
      %add3A_270 = arith.constant 3 : i32
      %add3A_271 = arith.addi %mul3A_154, %add3A_270 : i32
      %add3A_272 = arith.constant 1 : i32
      %add3A_273 = arith.addi %add3A_271, %add3A_272 : i32
      %lt3A_274 = arith.constant 250 : i32
      %lt3A_275 = arith.cmpi slt, %add3A_273, %lt3A_274 : i32
      %convert_element_type3A_276 = arith.extui %lt3A_275 : i1 to i32
      %cond3A_277 = arith.constant 0 : i32
      %cond3A_278 = arith.cmpi ne, %convert_element_type3A_276, %cond3A_277 : i32
      scf.if %cond3A_278 {
        %dma_wait3A_309 = arith.constant 0 : i32
        %dma_wait3A_310 = tpu.memref_slice %arg4[%dma_wait3A_309] : memref<320000xi32, #tpu.memory_space<hbm>> -> memref<40xi32, #tpu.memory_space<hbm>>
        %dma_wait3A_311 = arith.constant 0 : i32
        %dma_wait3A_312 = tpu.memref_slice %arg4[%dma_wait3A_311] : memref<320000xi32, #tpu.memory_space<hbm>> -> memref<40xi32, #tpu.memory_space<hbm>>
        tpu.wait_dma2 semaphore(%arg24 : memref<!tpu.dma_semaphore, #tpu.memory_space<semaphore_mem>>) src(%dma_wait3A_312 : memref<40xi32, #tpu.memory_space<hbm>>) dst(%arg7 : memref<40xi32, #tpu.memory_space<vmem>>)
        %dma_wait3A_313 = arith.constant 0 : i32
        %dma_wait3A_314 = tpu.memref_slice %arg4[%dma_wait3A_313] : memref<320000xi32, #tpu.memory_space<hbm>> -> memref<40xi32, #tpu.memory_space<hbm>>
        %dma_wait3A_315 = arith.constant 0 : i32
        %dma_wait3A_316 = tpu.memref_slice %arg4[%dma_wait3A_315] : memref<320000xi32, #tpu.memory_space<hbm>> -> memref<40xi32, #tpu.memory_space<hbm>>
        tpu.wait_dma2 semaphore(%arg24 : memref<!tpu.dma_semaphore, #tpu.memory_space<semaphore_mem>>) src(%dma_wait3A_316 : memref<40xi32, #tpu.memory_space<hbm>>) dst(%arg11 : memref<40xi32, #tpu.memory_space<vmem>>)
        %dma_start3A_317 = arith.constant 0 : i32
        %dma_start3A_318 = arith.constant 0 : i32
        %dma_start3A_319 = tpu.memref_slice %arg3[%dma_start3A_317, %dma_start3A_318] : memref<10000x128xf32, #tpu.memory_space<hbm>> -> memref<10000x128xf32, #tpu.memory_space<hbm>>
        tpu.enqueue_indirect_dma source(%dma_start3A_319 : memref<10000x128xf32, #tpu.memory_space<hbm>>) target(%arg19 : memref<40x128xf32, #tpu.memory_space<vmem>>) offsets(%arg7 : memref<40xi32, #tpu.memory_space<vmem>>) semaphore(%arg28 : memref<!tpu.dma_semaphore, #tpu.memory_space<semaphore_mem>>)
      } else {
      }
      %ge3A_279 = arith.constant 2 : i32
      %ge3A_280 = arith.cmpi sge, %add3A_271, %ge3A_279 : i32
      %convert_element_type3A_281 = arith.extui %ge3A_280 : i1 to i32
      %cond3A_282 = arith.constant 0 : i32
      %cond3A_283 = arith.cmpi ne, %convert_element_type3A_281, %cond3A_282 : i32
      scf.if %cond3A_283 {
        %dma_wait3A_309 = arith.constant 0 : i32
        %dma_wait3A_310 = arith.constant 0 : i32
        %dma_wait3A_311 = tpu.memref_slice %arg2[%dma_wait3A_309, %dma_wait3A_310] : memref<320000x128xf32, #tpu.memory_space<hbm>> -> memref<40x128xf32, #tpu.memory_space<hbm>>
        %dma_wait3A_312 = arith.constant 0 : i32
        %dma_wait3A_313 = arith.constant 0 : i32
        %dma_wait3A_314 = tpu.memref_slice %arg2[%dma_wait3A_312, %dma_wait3A_313] : memref<320000x128xf32, #tpu.memory_space<hbm>> -> memref<40x128xf32, #tpu.memory_space<hbm>>
        tpu.wait_dma2 semaphore(%arg33 : memref<!tpu.dma_semaphore, #tpu.memory_space<semaphore_mem>>) src(%dma_wait3A_314 : memref<40x128xf32, #tpu.memory_space<hbm>>) dst(%arg16 : memref<40x128xf32, #tpu.memory_space<vmem>>)
      } else {
      }
      %add3A_284 = arith.constant 2 : i32
      %add3A_285 = arith.addi %add3A_271, %add3A_284 : i32
      %lt3A_286 = arith.constant 250 : i32
      %lt3A_287 = arith.cmpi slt, %add3A_285, %lt3A_286 : i32
      %convert_element_type3A_288 = arith.extui %lt3A_287 : i1 to i32
      %cond3A_289 = arith.constant 0 : i32
      %cond3A_290 = arith.cmpi ne, %convert_element_type3A_288, %cond3A_289 : i32
      scf.if %cond3A_290 {
        %add3A_309 = arith.constant 2 : i32
        %add3A_310 = arith.addi %add3A_271, %add3A_309 : i32
        %mul3A_311 = arith.constant 40 : i32
        %mul3A_312 = arith.muli %add3A_310, %mul3A_311 : i32
        %add3A_313 = arith.addi %mul3A_2, %mul3A_312 : i32
        %dma_start3A_314 = tpu.memref_slice %arg4[%add3A_313] : memref<320000xi32, #tpu.memory_space<hbm>> -> memref<40xi32, #tpu.memory_space<hbm>>
        %dma_start3A_315 = tpu.memref_slice %arg4[%add3A_313] : memref<320000xi32, #tpu.memory_space<hbm>> -> memref<40xi32, #tpu.memory_space<hbm>>
        tpu.enqueue_dma source(%dma_start3A_315 : memref<40xi32, #tpu.memory_space<hbm>>) target(%arg8 : memref<40xi32, #tpu.memory_space<vmem>>) target_semaphore(%arg25 : memref<!tpu.dma_semaphore, #tpu.memory_space<semaphore_mem>>)
        %dma_start3A_316 = tpu.memref_slice %arg5[%add3A_313] : memref<320000xi32, #tpu.memory_space<hbm>> -> memref<40xi32, #tpu.memory_space<hbm>>
        %dma_start3A_317 = tpu.memref_slice %arg5[%add3A_313] : memref<320000xi32, #tpu.memory_space<hbm>> -> memref<40xi32, #tpu.memory_space<hbm>>
        tpu.enqueue_dma source(%dma_start3A_317 : memref<40xi32, #tpu.memory_space<hbm>>) target(%arg12 : memref<40xi32, #tpu.memory_space<vmem>>) target_semaphore(%arg25 : memref<!tpu.dma_semaphore, #tpu.memory_space<semaphore_mem>>)
        %dma_start3A_318 = arith.constant 0 : i32
        %dma_start3A_319 = tpu.memref_slice %arg2[%add3A_313, %dma_start3A_318] : memref<320000x128xf32, #tpu.memory_space<hbm>> -> memref<40x128xf32, #tpu.memory_space<hbm>>
        %dma_start3A_320 = arith.constant 0 : i32
        %dma_start3A_321 = tpu.memref_slice %arg2[%add3A_313, %dma_start3A_320] : memref<320000x128xf32, #tpu.memory_space<hbm>> -> memref<40x128xf32, #tpu.memory_space<hbm>>
        tpu.enqueue_dma source(%dma_start3A_321 : memref<40x128xf32, #tpu.memory_space<hbm>>) target(%arg16 : memref<40x128xf32, #tpu.memory_space<vmem>>) target_semaphore(%arg29 : memref<!tpu.dma_semaphore, #tpu.memory_space<semaphore_mem>>)
      } else {
      }
      %dma_wait3A_291 = arith.constant 0 : i32
      %dma_wait3A_292 = arith.constant 0 : i32
      %dma_wait3A_293 = tpu.memref_slice %arg2[%dma_wait3A_291, %dma_wait3A_292] : memref<320000x128xf32, #tpu.memory_space<hbm>> -> memref<40x128xf32, #tpu.memory_space<hbm>>
      %dma_wait3A_294 = arith.constant 0 : i32
      %dma_wait3A_295 = arith.constant 0 : i32
      %dma_wait3A_296 = tpu.memref_slice %arg2[%dma_wait3A_294, %dma_wait3A_295] : memref<320000x128xf32, #tpu.memory_space<hbm>> -> memref<40x128xf32, #tpu.memory_space<hbm>>
      tpu.wait_dma2 semaphore(%arg31 : memref<!tpu.dma_semaphore, #tpu.memory_space<semaphore_mem>>) src(%dma_wait3A_296 : memref<40x128xf32, #tpu.memory_space<hbm>>) dst(%arg18 : memref<40x128xf32, #tpu.memory_space<vmem>>)
      %dma_wait3A_297 = arith.constant 0 : i32
      %dma_wait3A_298 = arith.constant 0 : i32
      %dma_wait3A_299 = tpu.memref_slice %arg2[%dma_wait3A_297, %dma_wait3A_298] : memref<320000x128xf32, #tpu.memory_space<hbm>> -> memref<40x128xf32, #tpu.memory_space<hbm>>
      %dma_wait3A_300 = arith.constant 0 : i32
      %dma_wait3A_301 = arith.constant 0 : i32
      %dma_wait3A_302 = tpu.memref_slice %arg2[%dma_wait3A_300, %dma_wait3A_301] : memref<320000x128xf32, #tpu.memory_space<hbm>> -> memref<40x128xf32, #tpu.memory_space<hbm>>
      tpu.wait_dma2 semaphore(%arg31 : memref<!tpu.dma_semaphore, #tpu.memory_space<semaphore_mem>>) src(%dma_wait3A_302 : memref<40x128xf32, #tpu.memory_space<hbm>>) dst(%arg22 : memref<40x128xf32, #tpu.memory_space<vmem>>)
      %parallel_loop3A_303 = arith.constant 0 : i32
      %parallel_loop3A_304 = arith.constant 40 : i32
      %parallel_loop3A_305 = arith.constant 1 : i32
      scf.for %parallel_loop3A_309 = %parallel_loop3A_303 to %parallel_loop3A_304 step %parallel_loop3A_305  : i32 {
        %parallel_loop3A_310 = arith.index_cast %parallel_loop3A_309 : i32 to index
        %parallel_loop3A_311 = arith.constant 0 : index
        %parallel_loop3A_312 = tpu.vector_load %arg18[%parallel_loop3A_310, %parallel_loop3A_311] {strides = array<i32>} : memref<40x128xf32, #tpu.memory_space<vmem>>, vector<1x16xf32>,
        %parallel_loop3A_313 = vector.shape_cast %parallel_loop3A_312 : vector<1x16xf32> to vector<16xf32>
        %parallel_loop3A_314 = arith.index_cast %parallel_loop3A_309 : i32 to index
        %parallel_loop3A_315 = arith.constant 0 : index
        %parallel_loop3A_316 = tpu.vector_load %arg22[%parallel_loop3A_314, %parallel_loop3A_315] {strides = array<i32>} : memref<40x128xf32, #tpu.memory_space<vmem>>, vector<1x16xf32>,
        %parallel_loop3A_317 = vector.shape_cast %parallel_loop3A_316 : vector<1x16xf32> to vector<16xf32>
        %parallel_loop3A_318 = arith.mulf %parallel_loop3A_313, %parallel_loop3A_317 : vector<16xf32>
        %parallel_loop3A_319 = arith.index_cast %parallel_loop3A_309 : i32 to index
        %parallel_loop3A_320 = arith.constant 0 : index
        %parallel_loop3A_321 = tpu.vector_load %arg18[%parallel_loop3A_319, %parallel_loop3A_320] {strides = array<i32>} : memref<40x128xf32, #tpu.memory_space<vmem>>, vector<1x16xf32>,
        %parallel_loop3A_322 = vector.shape_cast %parallel_loop3A_321 : vector<1x16xf32> to vector<16xf32>
        %parallel_loop3A_323 = vector.shape_cast %parallel_loop3A_318 : vector<16xf32> to vector<1x16xf32>
        tpu.vector_store %arg18[%parallel_loop3A_319, %parallel_loop3A_320], %parallel_loop3A_323 {strides = array<i32>} : memref<40x128xf32, #tpu.memory_space<vmem>>, vector<1x16xf32>,
        %parallel_loop3A_324 = arith.index_cast %parallel_loop3A_309 : i32 to index
        %parallel_loop3A_325 = arith.constant 16 : index
        %parallel_loop3A_326 = tpu.vector_load %arg18[%parallel_loop3A_324, %parallel_loop3A_325] {strides = array<i32>} : memref<40x128xf32, #tpu.memory_space<vmem>>, vector<1x16xf32>,
        %parallel_loop3A_327 = vector.shape_cast %parallel_loop3A_326 : vector<1x16xf32> to vector<16xf32>
        %parallel_loop3A_328 = arith.index_cast %parallel_loop3A_309 : i32 to index
        %parallel_loop3A_329 = arith.constant 16 : index
        %parallel_loop3A_330 = tpu.vector_load %arg22[%parallel_loop3A_328, %parallel_loop3A_329] {strides = array<i32>} : memref<40x128xf32, #tpu.memory_space<vmem>>, vector<1x16xf32>,
        %parallel_loop3A_331 = vector.shape_cast %parallel_loop3A_330 : vector<1x16xf32> to vector<16xf32>
        %parallel_loop3A_332 = arith.mulf %parallel_loop3A_327, %parallel_loop3A_331 : vector<16xf32>
        %parallel_loop3A_333 = arith.index_cast %parallel_loop3A_309 : i32 to index
        %parallel_loop3A_334 = arith.constant 16 : index
        %parallel_loop3A_335 = tpu.vector_load %arg18[%parallel_loop3A_333, %parallel_loop3A_334] {strides = array<i32>} : memref<40x128xf32, #tpu.memory_space<vmem>>, vector<1x16xf32>,
        %parallel_loop3A_336 = vector.shape_cast %parallel_loop3A_335 : vector<1x16xf32> to vector<16xf32>
        %parallel_loop3A_337 = vector.shape_cast %parallel_loop3A_332 : vector<16xf32> to vector<1x16xf32>
        tpu.vector_store %arg18[%parallel_loop3A_333, %parallel_loop3A_334], %parallel_loop3A_337 {strides = array<i32>} : memref<40x128xf32, #tpu.memory_space<vmem>>, vector<1x16xf32>,
        %parallel_loop3A_338 = arith.index_cast %parallel_loop3A_309 : i32 to index
        %parallel_loop3A_339 = arith.constant 32 : index
        %parallel_loop3A_340 = tpu.vector_load %arg18[%parallel_loop3A_338, %parallel_loop3A_339] {strides = array<i32>} : memref<40x128xf32, #tpu.memory_space<vmem>>, vector<1x16xf32>,
        %parallel_loop3A_341 = vector.shape_cast %parallel_loop3A_340 : vector<1x16xf32> to vector<16xf32>
        %parallel_loop3A_342 = arith.index_cast %parallel_loop3A_309 : i32 to index
        %parallel_loop3A_343 = arith.constant 32 : index
        %parallel_loop3A_344 = tpu.vector_load %arg22[%parallel_loop3A_342, %parallel_loop3A_343] {strides = array<i32>} : memref<40x128xf32, #tpu.memory_space<vmem>>, vector<1x16xf32>,
        %parallel_loop3A_345 = vector.shape_cast %parallel_loop3A_344 : vector<1x16xf32> to vector<16xf32>
        %parallel_loop3A_346 = arith.mulf %parallel_loop3A_341, %parallel_loop3A_345 : vector<16xf32>
        %parallel_loop3A_347 = arith.index_cast %parallel_loop3A_309 : i32 to index
        %parallel_loop3A_348 = arith.constant 32 : index
        %parallel_loop3A_349 = tpu.vector_load %arg18[%parallel_loop3A_347, %parallel_loop3A_348] {strides = array<i32>} : memref<40x128xf32, #tpu.memory_space<vmem>>, vector<1x16xf32>,
        %parallel_loop3A_350 = vector.shape_cast %parallel_loop3A_349 : vector<1x16xf32> to vector<16xf32>
        %parallel_loop3A_351 = vector.shape_cast %parallel_loop3A_346 : vector<16xf32> to vector<1x16xf32>
        tpu.vector_store %arg18[%parallel_loop3A_347, %parallel_loop3A_348], %parallel_loop3A_351 {strides = array<i32>} : memref<40x128xf32, #tpu.memory_space<vmem>>, vector<1x16xf32>,
        %parallel_loop3A_352 = arith.index_cast %parallel_loop3A_309 : i32 to index
        %parallel_loop3A_353 = arith.constant 48 : index
        %parallel_loop3A_354 = tpu.vector_load %arg18[%parallel_loop3A_352, %parallel_loop3A_353] {strides = array<i32>} : memref<40x128xf32, #tpu.memory_space<vmem>>, vector<1x16xf32>,
        %parallel_loop3A_355 = vector.shape_cast %parallel_loop3A_354 : vector<1x16xf32> to vector<16xf32>
        %parallel_loop3A_356 = arith.index_cast %parallel_loop3A_309 : i32 to index
        %parallel_loop3A_357 = arith.constant 48 : index
        %parallel_loop3A_358 = tpu.vector_load %arg22[%parallel_loop3A_356, %parallel_loop3A_357] {strides = array<i32>} : memref<40x128xf32, #tpu.memory_space<vmem>>, vector<1x16xf32>,
        %parallel_loop3A_359 = vector.shape_cast %parallel_loop3A_358 : vector<1x16xf32> to vector<16xf32>
        %parallel_loop3A_360 = arith.mulf %parallel_loop3A_355, %parallel_loop3A_359 : vector<16xf32>
        %parallel_loop3A_361 = arith.index_cast %parallel_loop3A_309 : i32 to index
        %parallel_loop3A_362 = arith.constant 48 : index
        %parallel_loop3A_363 = tpu.vector_load %arg18[%parallel_loop3A_361, %parallel_loop3A_362] {strides = array<i32>} : memref<40x128xf32, #tpu.memory_space<vmem>>, vector<1x16xf32>,
        %parallel_loop3A_364 = vector.shape_cast %parallel_loop3A_363 : vector<1x16xf32> to vector<16xf32>
        %parallel_loop3A_365 = vector.shape_cast %parallel_loop3A_360 : vector<16xf32> to vector<1x16xf32>
        tpu.vector_store %arg18[%parallel_loop3A_361, %parallel_loop3A_362], %parallel_loop3A_365 {strides = array<i32>} : memref<40x128xf32, #tpu.memory_space<vmem>>, vector<1x16xf32>,
        %parallel_loop3A_366 = arith.index_cast %parallel_loop3A_309 : i32 to index
        %parallel_loop3A_367 = arith.constant 64 : index
        %parallel_loop3A_368 = tpu.vector_load %arg18[%parallel_loop3A_366, %parallel_loop3A_367] {strides = array<i32>} : memref<40x128xf32, #tpu.memory_space<vmem>>, vector<1x16xf32>,
        %parallel_loop3A_369 = vector.shape_cast %parallel_loop3A_368 : vector<1x16xf32> to vector<16xf32>
        %parallel_loop3A_370 = arith.index_cast %parallel_loop3A_309 : i32 to index
        %parallel_loop3A_371 = arith.constant 64 : index
        %parallel_loop3A_372 = tpu.vector_load %arg22[%parallel_loop3A_370, %parallel_loop3A_371] {strides = array<i32>} : memref<40x128xf32, #tpu.memory_space<vmem>>, vector<1x16xf32>,
        %parallel_loop3A_373 = vector.shape_cast %parallel_loop3A_372 : vector<1x16xf32> to vector<16xf32>
        %parallel_loop3A_374 = arith.mulf %parallel_loop3A_369, %parallel_loop3A_373 : vector<16xf32>
        %parallel_loop3A_375 = arith.index_cast %parallel_loop3A_309 : i32 to index
        %parallel_loop3A_376 = arith.constant 64 : index
        %parallel_loop3A_377 = tpu.vector_load %arg18[%parallel_loop3A_375, %parallel_loop3A_376] {strides = array<i32>} : memref<40x128xf32, #tpu.memory_space<vmem>>, vector<1x16xf32>,
        %parallel_loop3A_378 = vector.shape_cast %parallel_loop3A_377 : vector<1x16xf32> to vector<16xf32>
        %parallel_loop3A_379 = vector.shape_cast %parallel_loop3A_374 : vector<16xf32> to vector<1x16xf32>
        tpu.vector_store %arg18[%parallel_loop3A_375, %parallel_loop3A_376], %parallel_loop3A_379 {strides = array<i32>} : memref<40x128xf32, #tpu.memory_space<vmem>>, vector<1x16xf32>,
        %parallel_loop3A_380 = arith.index_cast %parallel_loop3A_309 : i32 to index
        %parallel_loop3A_381 = arith.constant 80 : index
        %parallel_loop3A_382 = tpu.vector_load %arg18[%parallel_loop3A_380, %parallel_loop3A_381] {strides = array<i32>} : memref<40x128xf32, #tpu.memory_space<vmem>>, vector<1x16xf32>,
        %parallel_loop3A_383 = vector.shape_cast %parallel_loop3A_382 : vector<1x16xf32> to vector<16xf32>
        %parallel_loop3A_384 = arith.index_cast %parallel_loop3A_309 : i32 to index
        %parallel_loop3A_385 = arith.constant 80 : index
        %parallel_loop3A_386 = tpu.vector_load %arg22[%parallel_loop3A_384, %parallel_loop3A_385] {strides = array<i32>} : memref<40x128xf32, #tpu.memory_space<vmem>>, vector<1x16xf32>,
        %parallel_loop3A_387 = vector.shape_cast %parallel_loop3A_386 : vector<1x16xf32> to vector<16xf32>
        %parallel_loop3A_388 = arith.mulf %parallel_loop3A_383, %parallel_loop3A_387 : vector<16xf32>
        %parallel_loop3A_389 = arith.index_cast %parallel_loop3A_309 : i32 to index
        %parallel_loop3A_390 = arith.constant 80 : index
        %parallel_loop3A_391 = tpu.vector_load %arg18[%parallel_loop3A_389, %parallel_loop3A_390] {strides = array<i32>} : memref<40x128xf32, #tpu.memory_space<vmem>>, vector<1x16xf32>,
        %parallel_loop3A_392 = vector.shape_cast %parallel_loop3A_391 : vector<1x16xf32> to vector<16xf32>
        %parallel_loop3A_393 = vector.shape_cast %parallel_loop3A_388 : vector<16xf32> to vector<1x16xf32>
        tpu.vector_store %arg18[%parallel_loop3A_389, %parallel_loop3A_390], %parallel_loop3A_393 {strides = array<i32>} : memref<40x128xf32, #tpu.memory_space<vmem>>, vector<1x16xf32>,
        %parallel_loop3A_394 = arith.index_cast %parallel_loop3A_309 : i32 to index
        %parallel_loop3A_395 = arith.constant 96 : index
        %parallel_loop3A_396 = tpu.vector_load %arg18[%parallel_loop3A_394, %parallel_loop3A_395] {strides = array<i32>} : memref<40x128xf32, #tpu.memory_space<vmem>>, vector<1x16xf32>,
        %parallel_loop3A_397 = vector.shape_cast %parallel_loop3A_396 : vector<1x16xf32> to vector<16xf32>
        %parallel_loop3A_398 = arith.index_cast %parallel_loop3A_309 : i32 to index
        %parallel_loop3A_399 = arith.constant 96 : index
        %parallel_loop3A_400 = tpu.vector_load %arg22[%parallel_loop3A_398, %parallel_loop3A_399] {strides = array<i32>} : memref<40x128xf32, #tpu.memory_space<vmem>>, vector<1x16xf32>,
        %parallel_loop3A_401 = vector.shape_cast %parallel_loop3A_400 : vector<1x16xf32> to vector<16xf32>
        %parallel_loop3A_402 = arith.mulf %parallel_loop3A_397, %parallel_loop3A_401 : vector<16xf32>
        %parallel_loop3A_403 = arith.index_cast %parallel_loop3A_309 : i32 to index
        %parallel_loop3A_404 = arith.constant 96 : index
        %parallel_loop3A_405 = tpu.vector_load %arg18[%parallel_loop3A_403, %parallel_loop3A_404] {strides = array<i32>} : memref<40x128xf32, #tpu.memory_space<vmem>>, vector<1x16xf32>,
        %parallel_loop3A_406 = vector.shape_cast %parallel_loop3A_405 : vector<1x16xf32> to vector<16xf32>
        %parallel_loop3A_407 = vector.shape_cast %parallel_loop3A_402 : vector<16xf32> to vector<1x16xf32>
        tpu.vector_store %arg18[%parallel_loop3A_403, %parallel_loop3A_404], %parallel_loop3A_407 {strides = array<i32>} : memref<40x128xf32, #tpu.memory_space<vmem>>, vector<1x16xf32>,
        %parallel_loop3A_408 = arith.index_cast %parallel_loop3A_309 : i32 to index
        %parallel_loop3A_409 = arith.constant 112 : index
        %parallel_loop3A_410 = tpu.vector_load %arg18[%parallel_loop3A_408, %parallel_loop3A_409] {strides = array<i32>} : memref<40x128xf32, #tpu.memory_space<vmem>>, vector<1x16xf32>,
        %parallel_loop3A_411 = vector.shape_cast %parallel_loop3A_410 : vector<1x16xf32> to vector<16xf32>
        %parallel_loop3A_412 = arith.index_cast %parallel_loop3A_309 : i32 to index
        %parallel_loop3A_413 = arith.constant 112 : index
        %parallel_loop3A_414 = tpu.vector_load %arg22[%parallel_loop3A_412, %parallel_loop3A_413] {strides = array<i32>} : memref<40x128xf32, #tpu.memory_space<vmem>>, vector<1x16xf32>,
        %parallel_loop3A_415 = vector.shape_cast %parallel_loop3A_414 : vector<1x16xf32> to vector<16xf32>
        %parallel_loop3A_416 = arith.mulf %parallel_loop3A_411, %parallel_loop3A_415 : vector<16xf32>
        %parallel_loop3A_417 = arith.index_cast %parallel_loop3A_309 : i32 to index
        %parallel_loop3A_418 = arith.constant 112 : index
        %parallel_loop3A_419 = tpu.vector_load %arg18[%parallel_loop3A_417, %parallel_loop3A_418] {strides = array<i32>} : memref<40x128xf32, #tpu.memory_space<vmem>>, vector<1x16xf32>,
        %parallel_loop3A_420 = vector.shape_cast %parallel_loop3A_419 : vector<1x16xf32> to vector<16xf32>
        %parallel_loop3A_421 = vector.shape_cast %parallel_loop3A_416 : vector<16xf32> to vector<1x16xf32>
        tpu.vector_store %arg18[%parallel_loop3A_417, %parallel_loop3A_418], %parallel_loop3A_421 {strides = array<i32>} : memref<40x128xf32, #tpu.memory_space<vmem>>, vector<1x16xf32>,
      } {sc.loop_unroll_factor = 4 : i64, sc.parallel_access}
      %dma_start3A_306 = arith.constant 0 : i32
      %dma_start3A_307 = arith.constant 0 : i32
      %dma_start3A_308 = tpu.memref_slice %arg23[%dma_start3A_306, %dma_start3A_307] : memref<10000x128xf32, #tpu.memory_space<vmem_shared>> -> memref<10000x128xf32, #tpu.memory_space<vmem_shared>>
      tpu.enqueue_indirect_dma source(%arg18 : memref<40x128xf32, #tpu.memory_space<vmem>>) target(%dma_start3A_308 : memref<10000x128xf32, #tpu.memory_space<vmem_shared>>) offsets(%arg14 : memref<40xi32, #tpu.memory_space<vmem>>) semaphore(%arg35 : memref<!tpu.dma_semaphore, #tpu.memory_space<semaphore_mem>>) {add = true}
    }
    %scan3A_74 = arith.constant 62 : i32
    %dma_wait3A_75 = arith.constant 0 : i32
    %dma_wait3A_76 = tpu.memref_slice %arg4[%dma_wait3A_75] : memref<320000xi32, #tpu.memory_space<hbm>> -> memref<40xi32, #tpu.memory_space<hbm>>
    %dma_wait3A_77 = arith.constant 0 : i32
    %dma_wait3A_78 = tpu.memref_slice %arg4[%dma_wait3A_77] : memref<320000xi32, #tpu.memory_space<hbm>> -> memref<40xi32, #tpu.memory_space<hbm>>
    tpu.wait_dma2 semaphore(%arg25 : memref<!tpu.dma_semaphore, #tpu.memory_space<semaphore_mem>>) src(%dma_wait3A_78 : memref<40xi32, #tpu.memory_space<hbm>>) dst(%arg8 : memref<40xi32, #tpu.memory_space<vmem>>)
    %dma_wait3A_79 = arith.constant 0 : i32
    %dma_wait3A_80 = tpu.memref_slice %arg4[%dma_wait3A_79] : memref<320000xi32, #tpu.memory_space<hbm>> -> memref<40xi32, #tpu.memory_space<hbm>>
    %dma_wait3A_81 = arith.constant 0 : i32
    %dma_wait3A_82 = tpu.memref_slice %arg4[%dma_wait3A_81] : memref<320000xi32, #tpu.memory_space<hbm>> -> memref<40xi32, #tpu.memory_space<hbm>>
    tpu.wait_dma2 semaphore(%arg25 : memref<!tpu.dma_semaphore, #tpu.memory_space<semaphore_mem>>) src(%dma_wait3A_82 : memref<40xi32, #tpu.memory_space<hbm>>) dst(%arg12 : memref<40xi32, #tpu.memory_space<vmem>>)
    %dma_start3A_83 = arith.constant 0 : i32
    %dma_start3A_84 = arith.constant 0 : i32
    %dma_start3A_85 = tpu.memref_slice %arg3[%dma_start3A_83, %dma_start3A_84] : memref<10000x128xf32, #tpu.memory_space<hbm>> -> memref<10000x128xf32, #tpu.memory_space<hbm>>
    tpu.enqueue_indirect_dma source(%dma_start3A_85 : memref<10000x128xf32, #tpu.memory_space<hbm>>) target(%arg20 : memref<40x128xf32, #tpu.memory_space<vmem>>) offsets(%arg8 : memref<40xi32, #tpu.memory_space<vmem>>) semaphore(%arg29 : memref<!tpu.dma_semaphore, #tpu.memory_space<semaphore_mem>>)
    %dma_wait3A_86 = arith.constant 0 : i32
    %dma_wait3A_87 = arith.constant 0 : i32
    %dma_wait3A_88 = tpu.memref_slice %arg2[%dma_wait3A_86, %dma_wait3A_87] : memref<320000x128xf32, #tpu.memory_space<hbm>> -> memref<40x128xf32, #tpu.memory_space<hbm>>
    %dma_wait3A_89 = arith.constant 0 : i32
    %dma_wait3A_90 = arith.constant 0 : i32
    %dma_wait3A_91 = tpu.memref_slice %arg2[%dma_wait3A_89, %dma_wait3A_90] : memref<320000x128xf32, #tpu.memory_space<hbm>> -> memref<40x128xf32, #tpu.memory_space<hbm>>
    tpu.wait_dma2 semaphore(%arg34 : memref<!tpu.dma_semaphore, #tpu.memory_space<semaphore_mem>>) src(%dma_wait3A_91 : memref<40x128xf32, #tpu.memory_space<hbm>>) dst(%arg17 : memref<40x128xf32, #tpu.memory_space<vmem>>)
    %dma_wait3A_92 = arith.constant 0 : i32
    %dma_wait3A_93 = arith.constant 0 : i32
    %dma_wait3A_94 = tpu.memref_slice %arg2[%dma_wait3A_92, %dma_wait3A_93] : memref<320000x128xf32, #tpu.memory_space<hbm>> -> memref<40x128xf32, #tpu.memory_space<hbm>>
    %dma_wait3A_95 = arith.constant 0 : i32
    %dma_wait3A_96 = arith.constant 0 : i32
    %dma_wait3A_97 = tpu.memref_slice %arg2[%dma_wait3A_95, %dma_wait3A_96] : memref<320000x128xf32, #tpu.memory_space<hbm>> -> memref<40x128xf32, #tpu.memory_space<hbm>>
    tpu.wait_dma2 semaphore(%arg28 : memref<!tpu.dma_semaphore, #tpu.memory_space<semaphore_mem>>) src(%dma_wait3A_97 : memref<40x128xf32, #tpu.memory_space<hbm>>) dst(%arg15 : memref<40x128xf32, #tpu.memory_space<vmem>>)
    %dma_wait3A_98 = arith.constant 0 : i32
    %dma_wait3A_99 = arith.constant 0 : i32
    %dma_wait3A_100 = tpu.memref_slice %arg2[%dma_wait3A_98, %dma_wait3A_99] : memref<320000x128xf32, #tpu.memory_space<hbm>> -> memref<40x128xf32, #tpu.memory_space<hbm>>
    %dma_wait3A_101 = arith.constant 0 : i32
    %dma_wait3A_102 = arith.constant 0 : i32
    %dma_wait3A_103 = tpu.memref_slice %arg2[%dma_wait3A_101, %dma_wait3A_102] : memref<320000x128xf32, #tpu.memory_space<hbm>> -> memref<40x128xf32, #tpu.memory_space<hbm>>
    tpu.wait_dma2 semaphore(%arg28 : memref<!tpu.dma_semaphore, #tpu.memory_space<semaphore_mem>>) src(%dma_wait3A_103 : memref<40x128xf32, #tpu.memory_space<hbm>>) dst(%arg19 : memref<40x128xf32, #tpu.memory_space<vmem>>)
    %parallel_loop3A_104 = arith.constant 0 : i32
    %parallel_loop3A_105 = arith.constant 40 : i32
    %parallel_loop3A_106 = arith.constant 1 : i32
    scf.for %parallel_loop3A_152 = %parallel_loop3A_104 to %parallel_loop3A_105 step %parallel_loop3A_106  : i32 {
      %parallel_loop3A_153 = arith.index_cast %parallel_loop3A_152 : i32 to index
      %parallel_loop3A_154 = arith.constant 0 : index
      %parallel_loop3A_155 = tpu.vector_load %arg15[%parallel_loop3A_153, %parallel_loop3A_154] {strides = array<i32>} : memref<40x128xf32, #tpu.memory_space<vmem>>, vector<1x16xf32>,
      %parallel_loop3A_156 = vector.shape_cast %parallel_loop3A_155 : vector<1x16xf32> to vector<16xf32>
      %parallel_loop3A_157 = arith.index_cast %parallel_loop3A_152 : i32 to index
      %parallel_loop3A_158 = arith.constant 0 : index
      %parallel_loop3A_159 = tpu.vector_load %arg19[%parallel_loop3A_157, %parallel_loop3A_158] {strides = array<i32>} : memref<40x128xf32, #tpu.memory_space<vmem>>, vector<1x16xf32>,
      %parallel_loop3A_160 = vector.shape_cast %parallel_loop3A_159 : vector<1x16xf32> to vector<16xf32>
      %parallel_loop3A_161 = arith.mulf %parallel_loop3A_156, %parallel_loop3A_160 : vector<16xf32>
      %parallel_loop3A_162 = arith.index_cast %parallel_loop3A_152 : i32 to index
      %parallel_loop3A_163 = arith.constant 0 : index
      %parallel_loop3A_164 = tpu.vector_load %arg15[%parallel_loop3A_162, %parallel_loop3A_163] {strides = array<i32>} : memref<40x128xf32, #tpu.memory_space<vmem>>, vector<1x16xf32>,
      %parallel_loop3A_165 = vector.shape_cast %parallel_loop3A_164 : vector<1x16xf32> to vector<16xf32>
      %parallel_loop3A_166 = vector.shape_cast %parallel_loop3A_161 : vector<16xf32> to vector<1x16xf32>
      tpu.vector_store %arg15[%parallel_loop3A_162, %parallel_loop3A_163], %parallel_loop3A_166 {strides = array<i32>} : memref<40x128xf32, #tpu.memory_space<vmem>>, vector<1x16xf32>,
      %parallel_loop3A_167 = arith.index_cast %parallel_loop3A_152 : i32 to index
      %parallel_loop3A_168 = arith.constant 16 : index
      %parallel_loop3A_169 = tpu.vector_load %arg15[%parallel_loop3A_167, %parallel_loop3A_168] {strides = array<i32>} : memref<40x128xf32, #tpu.memory_space<vmem>>, vector<1x16xf32>,
      %parallel_loop3A_170 = vector.shape_cast %parallel_loop3A_169 : vector<1x16xf32> to vector<16xf32>
      %parallel_loop3A_171 = arith.index_cast %parallel_loop3A_152 : i32 to index
      %parallel_loop3A_172 = arith.constant 16 : index
      %parallel_loop3A_173 = tpu.vector_load %arg19[%parallel_loop3A_171, %parallel_loop3A_172] {strides = array<i32>} : memref<40x128xf32, #tpu.memory_space<vmem>>, vector<1x16xf32>,
      %parallel_loop3A_174 = vector.shape_cast %parallel_loop3A_173 : vector<1x16xf32> to vector<16xf32>
      %parallel_loop3A_175 = arith.mulf %parallel_loop3A_170, %parallel_loop3A_174 : vector<16xf32>
      %parallel_loop3A_176 = arith.index_cast %parallel_loop3A_152 : i32 to index
      %parallel_loop3A_177 = arith.constant 16 : index
      %parallel_loop3A_178 = tpu.vector_load %arg15[%parallel_loop3A_176, %parallel_loop3A_177] {strides = array<i32>} : memref<40x128xf32, #tpu.memory_space<vmem>>, vector<1x16xf32>,
      %parallel_loop3A_179 = vector.shape_cast %parallel_loop3A_178 : vector<1x16xf32> to vector<16xf32>
      %parallel_loop3A_180 = vector.shape_cast %parallel_loop3A_175 : vector<16xf32> to vector<1x16xf32>
      tpu.vector_store %arg15[%parallel_loop3A_176, %parallel_loop3A_177], %parallel_loop3A_180 {strides = array<i32>} : memref<40x128xf32, #tpu.memory_space<vmem>>, vector<1x16xf32>,
      %parallel_loop3A_181 = arith.index_cast %parallel_loop3A_152 : i32 to index
      %parallel_loop3A_182 = arith.constant 32 : index
      %parallel_loop3A_183 = tpu.vector_load %arg15[%parallel_loop3A_181, %parallel_loop3A_182] {strides = array<i32>} : memref<40x128xf32, #tpu.memory_space<vmem>>, vector<1x16xf32>,
      %parallel_loop3A_184 = vector.shape_cast %parallel_loop3A_183 : vector<1x16xf32> to vector<16xf32>
      %parallel_loop3A_185 = arith.index_cast %parallel_loop3A_152 : i32 to index
      %parallel_loop3A_186 = arith.constant 32 : index
      %parallel_loop3A_187 = tpu.vector_load %arg19[%parallel_loop3A_185, %parallel_loop3A_186] {strides = array<i32>} : memref<40x128xf32, #tpu.memory_space<vmem>>, vector<1x16xf32>,
      %parallel_loop3A_188 = vector.shape_cast %parallel_loop3A_187 : vector<1x16xf32> to vector<16xf32>
      %parallel_loop3A_189 = arith.mulf %parallel_loop3A_184, %parallel_loop3A_188 : vector<16xf32>
      %parallel_loop3A_190 = arith.index_cast %parallel_loop3A_152 : i32 to index
      %parallel_loop3A_191 = arith.constant 32 : index
      %parallel_loop3A_192 = tpu.vector_load %arg15[%parallel_loop3A_190, %parallel_loop3A_191] {strides = array<i32>} : memref<40x128xf32, #tpu.memory_space<vmem>>, vector<1x16xf32>,
      %parallel_loop3A_193 = vector.shape_cast %parallel_loop3A_192 : vector<1x16xf32> to vector<16xf32>
      %parallel_loop3A_194 = vector.shape_cast %parallel_loop3A_189 : vector<16xf32> to vector<1x16xf32>
      tpu.vector_store %arg15[%parallel_loop3A_190, %parallel_loop3A_191], %parallel_loop3A_194 {strides = array<i32>} : memref<40x128xf32, #tpu.memory_space<vmem>>, vector<1x16xf32>,
      %parallel_loop3A_195 = arith.index_cast %parallel_loop3A_152 : i32 to index
      %parallel_loop3A_196 = arith.constant 48 : index
      %parallel_loop3A_197 = tpu.vector_load %arg15[%parallel_loop3A_195, %parallel_loop3A_196] {strides = array<i32>} : memref<40x128xf32, #tpu.memory_space<vmem>>, vector<1x16xf32>,
      %parallel_loop3A_198 = vector.shape_cast %parallel_loop3A_197 : vector<1x16xf32> to vector<16xf32>
      %parallel_loop3A_199 = arith.index_cast %parallel_loop3A_152 : i32 to index
      %parallel_loop3A_200 = arith.constant 48 : index
      %parallel_loop3A_201 = tpu.vector_load %arg19[%parallel_loop3A_199, %parallel_loop3A_200] {strides = array<i32>} : memref<40x128xf32, #tpu.memory_space<vmem>>, vector<1x16xf32>,
      %parallel_loop3A_202 = vector.shape_cast %parallel_loop3A_201 : vector<1x16xf32> to vector<16xf32>
      %parallel_loop3A_203 = arith.mulf %parallel_loop3A_198, %parallel_loop3A_202 : vector<16xf32>
      %parallel_loop3A_204 = arith.index_cast %parallel_loop3A_152 : i32 to index
      %parallel_loop3A_205 = arith.constant 48 : index
      %parallel_loop3A_206 = tpu.vector_load %arg15[%parallel_loop3A_204, %parallel_loop3A_205] {strides = array<i32>} : memref<40x128xf32, #tpu.memory_space<vmem>>, vector<1x16xf32>,
      %parallel_loop3A_207 = vector.shape_cast %parallel_loop3A_206 : vector<1x16xf32> to vector<16xf32>
      %parallel_loop3A_208 = vector.shape_cast %parallel_loop3A_203 : vector<16xf32> to vector<1x16xf32>
      tpu.vector_store %arg15[%parallel_loop3A_204, %parallel_loop3A_205], %parallel_loop3A_208 {strides = array<i32>} : memref<40x128xf32, #tpu.memory_space<vmem>>, vector<1x16xf32>,
      %parallel_loop3A_209 = arith.index_cast %parallel_loop3A_152 : i32 to index
      %parallel_loop3A_210 = arith.constant 64 : index
      %parallel_loop3A_211 = tpu.vector_load %arg15[%parallel_loop3A_209, %parallel_loop3A_210] {strides = array<i32>} : memref<40x128xf32, #tpu.memory_space<vmem>>, vector<1x16xf32>,
      %parallel_loop3A_212 = vector.shape_cast %parallel_loop3A_211 : vector<1x16xf32> to vector<16xf32>
      %parallel_loop3A_213 = arith.index_cast %parallel_loop3A_152 : i32 to index
      %parallel_loop3A_214 = arith.constant 64 : index
      %parallel_loop3A_215 = tpu.vector_load %arg19[%parallel_loop3A_213, %parallel_loop3A_214] {strides = array<i32>} : memref<40x128xf32, #tpu.memory_space<vmem>>, vector<1x16xf32>,
      %parallel_loop3A_216 = vector.shape_cast %parallel_loop3A_215 : vector<1x16xf32> to vector<16xf32>
      %parallel_loop3A_217 = arith.mulf %parallel_loop3A_212, %parallel_loop3A_216 : vector<16xf32>
      %parallel_loop3A_218 = arith.index_cast %parallel_loop3A_152 : i32 to index
      %parallel_loop3A_219 = arith.constant 64 : index
      %parallel_loop3A_220 = tpu.vector_load %arg15[%parallel_loop3A_218, %parallel_loop3A_219] {strides = array<i32>} : memref<40x128xf32, #tpu.memory_space<vmem>>, vector<1x16xf32>,
      %parallel_loop3A_221 = vector.shape_cast %parallel_loop3A_220 : vector<1x16xf32> to vector<16xf32>
      %parallel_loop3A_222 = vector.shape_cast %parallel_loop3A_217 : vector<16xf32> to vector<1x16xf32>
      tpu.vector_store %arg15[%parallel_loop3A_218, %parallel_loop3A_219], %parallel_loop3A_222 {strides = array<i32>} : memref<40x128xf32, #tpu.memory_space<vmem>>, vector<1x16xf32>,
      %parallel_loop3A_223 = arith.index_cast %parallel_loop3A_152 : i32 to index
      %parallel_loop3A_224 = arith.constant 80 : index
      %parallel_loop3A_225 = tpu.vector_load %arg15[%parallel_loop3A_223, %parallel_loop3A_224] {strides = array<i32>} : memref<40x128xf32, #tpu.memory_space<vmem>>, vector<1x16xf32>,
      %parallel_loop3A_226 = vector.shape_cast %parallel_loop3A_225 : vector<1x16xf32> to vector<16xf32>
      %parallel_loop3A_227 = arith.index_cast %parallel_loop3A_152 : i32 to index
      %parallel_loop3A_228 = arith.constant 80 : index
      %parallel_loop3A_229 = tpu.vector_load %arg19[%parallel_loop3A_227, %parallel_loop3A_228] {strides = array<i32>} : memref<40x128xf32, #tpu.memory_space<vmem>>, vector<1x16xf32>,
      %parallel_loop3A_230 = vector.shape_cast %parallel_loop3A_229 : vector<1x16xf32> to vector<16xf32>
      %parallel_loop3A_231 = arith.mulf %parallel_loop3A_226, %parallel_loop3A_230 : vector<16xf32>
      %parallel_loop3A_232 = arith.index_cast %parallel_loop3A_152 : i32 to index
      %parallel_loop3A_233 = arith.constant 80 : index
      %parallel_loop3A_234 = tpu.vector_load %arg15[%parallel_loop3A_232, %parallel_loop3A_233] {strides = array<i32>} : memref<40x128xf32, #tpu.memory_space<vmem>>, vector<1x16xf32>,
      %parallel_loop3A_235 = vector.shape_cast %parallel_loop3A_234 : vector<1x16xf32> to vector<16xf32>
      %parallel_loop3A_236 = vector.shape_cast %parallel_loop3A_231 : vector<16xf32> to vector<1x16xf32>
      tpu.vector_store %arg15[%parallel_loop3A_232, %parallel_loop3A_233], %parallel_loop3A_236 {strides = array<i32>} : memref<40x128xf32, #tpu.memory_space<vmem>>, vector<1x16xf32>,
      %parallel_loop3A_237 = arith.index_cast %parallel_loop3A_152 : i32 to index
      %parallel_loop3A_238 = arith.constant 96 : index
      %parallel_loop3A_239 = tpu.vector_load %arg15[%parallel_loop3A_237, %parallel_loop3A_238] {strides = array<i32>} : memref<40x128xf32, #tpu.memory_space<vmem>>, vector<1x16xf32>,
      %parallel_loop3A_240 = vector.shape_cast %parallel_loop3A_239 : vector<1x16xf32> to vector<16xf32>
      %parallel_loop3A_241 = arith.index_cast %parallel_loop3A_152 : i32 to index
      %parallel_loop3A_242 = arith.constant 96 : index
      %parallel_loop3A_243 = tpu.vector_load %arg19[%parallel_loop3A_241, %parallel_loop3A_242] {strides = array<i32>} : memref<40x128xf32, #tpu.memory_space<vmem>>, vector<1x16xf32>,
      %parallel_loop3A_244 = vector.shape_cast %parallel_loop3A_243 : vector<1x16xf32> to vector<16xf32>
      %parallel_loop3A_245 = arith.mulf %parallel_loop3A_240, %parallel_loop3A_244 : vector<16xf32>
      %parallel_loop3A_246 = arith.index_cast %parallel_loop3A_152 : i32 to index
      %parallel_loop3A_247 = arith.constant 96 : index
      %parallel_loop3A_248 = tpu.vector_load %arg15[%parallel_loop3A_246, %parallel_loop3A_247] {strides = array<i32>} : memref<40x128xf32, #tpu.memory_space<vmem>>, vector<1x16xf32>,
      %parallel_loop3A_249 = vector.shape_cast %parallel_loop3A_248 : vector<1x16xf32> to vector<16xf32>
      %parallel_loop3A_250 = vector.shape_cast %parallel_loop3A_245 : vector<16xf32> to vector<1x16xf32>
      tpu.vector_store %arg15[%parallel_loop3A_246, %parallel_loop3A_247], %parallel_loop3A_250 {strides = array<i32>} : memref<40x128xf32, #tpu.memory_space<vmem>>, vector<1x16xf32>,
      %parallel_loop3A_251 = arith.index_cast %parallel_loop3A_152 : i32 to index
      %parallel_loop3A_252 = arith.constant 112 : index
      %parallel_loop3A_253 = tpu.vector_load %arg15[%parallel_loop3A_251, %parallel_loop3A_252] {strides = array<i32>} : memref<40x128xf32, #tpu.memory_space<vmem>>, vector<1x16xf32>,
      %parallel_loop3A_254 = vector.shape_cast %parallel_loop3A_253 : vector<1x16xf32> to vector<16xf32>
      %parallel_loop3A_255 = arith.index_cast %parallel_loop3A_152 : i32 to index
      %parallel_loop3A_256 = arith.constant 112 : index
      %parallel_loop3A_257 = tpu.vector_load %arg19[%parallel_loop3A_255, %parallel_loop3A_256] {strides = array<i32>} : memref<40x128xf32, #tpu.memory_space<vmem>>, vector<1x16xf32>,
      %parallel_loop3A_258 = vector.shape_cast %parallel_loop3A_257 : vector<1x16xf32> to vector<16xf32>
      %parallel_loop3A_259 = arith.mulf %parallel_loop3A_254, %parallel_loop3A_258 : vector<16xf32>
      %parallel_loop3A_260 = arith.index_cast %parallel_loop3A_152 : i32 to index
      %parallel_loop3A_261 = arith.constant 112 : index
      %parallel_loop3A_262 = tpu.vector_load %arg15[%parallel_loop3A_260, %parallel_loop3A_261] {strides = array<i32>} : memref<40x128xf32, #tpu.memory_space<vmem>>, vector<1x16xf32>,
      %parallel_loop3A_263 = vector.shape_cast %parallel_loop3A_262 : vector<1x16xf32> to vector<16xf32>
      %parallel_loop3A_264 = vector.shape_cast %parallel_loop3A_259 : vector<16xf32> to vector<1x16xf32>
      tpu.vector_store %arg15[%parallel_loop3A_260, %parallel_loop3A_261], %parallel_loop3A_264 {strides = array<i32>} : memref<40x128xf32, #tpu.memory_space<vmem>>, vector<1x16xf32>,
    } {sc.loop_unroll_factor = 4 : i64, sc.parallel_access}
    %dma_start3A_107 = arith.constant 0 : i32
    %dma_start3A_108 = arith.constant 0 : i32
    %dma_start3A_109 = tpu.memref_slice %arg23[%dma_start3A_107, %dma_start3A_108] : memref<10000x128xf32, #tpu.memory_space<vmem_shared>> -> memref<10000x128xf32, #tpu.memory_space<vmem_shared>>
    tpu.enqueue_indirect_dma source(%arg15 : memref<40x128xf32, #tpu.memory_space<vmem>>) target(%dma_start3A_109 : memref<10000x128xf32, #tpu.memory_space<vmem_shared>>) offsets(%arg11 : memref<40xi32, #tpu.memory_space<vmem>>) semaphore(%arg32 : memref<!tpu.dma_semaphore, #tpu.memory_space<semaphore_mem>>) {add = true}
    %dma_wait3A_110 = arith.constant 0 : i32
    %dma_wait3A_111 = arith.constant 0 : i32
    %dma_wait3A_112 = tpu.memref_slice %arg2[%dma_wait3A_110, %dma_wait3A_111] : memref<320000x128xf32, #tpu.memory_space<hbm>> -> memref<40x128xf32, #tpu.memory_space<hbm>>
    %dma_wait3A_113 = arith.constant 0 : i32
    %dma_wait3A_114 = arith.constant 0 : i32
    %dma_wait3A_115 = tpu.memref_slice %arg2[%dma_wait3A_113, %dma_wait3A_114] : memref<320000x128xf32, #tpu.memory_space<hbm>> -> memref<40x128xf32, #tpu.memory_space<hbm>>
    tpu.wait_dma2 semaphore(%arg35 : memref<!tpu.dma_semaphore, #tpu.memory_space<semaphore_mem>>) src(%dma_wait3A_115 : memref<40x128xf32, #tpu.memory_space<hbm>>) dst(%arg18 : memref<40x128xf32, #tpu.memory_space<vmem>>)
    %dma_wait3A_116 = arith.constant 0 : i32
    %dma_wait3A_117 = arith.constant 0 : i32
    %dma_wait3A_118 = tpu.memref_slice %arg2[%dma_wait3A_116, %dma_wait3A_117] : memref<320000x128xf32, #tpu.memory_space<hbm>> -> memref<40x128xf32, #tpu.memory_space<hbm>>
    %dma_wait3A_119 = arith.constant 0 : i32
    %dma_wait3A_120 = arith.constant 0 : i32
    %dma_wait3A_121 = tpu.memref_slice %arg2[%dma_wait3A_119, %dma_wait3A_120] : memref<320000x128xf32, #tpu.memory_space<hbm>> -> memref<40x128xf32, #tpu.memory_space<hbm>>
    tpu.wait_dma2 semaphore(%arg29 : memref<!tpu.dma_semaphore, #tpu.memory_space<semaphore_mem>>) src(%dma_wait3A_121 : memref<40x128xf32, #tpu.memory_space<hbm>>) dst(%arg16 : memref<40x128xf32, #tpu.memory_space<vmem>>)
    %dma_wait3A_122 = arith.constant 0 : i32
    %dma_wait3A_123 = arith.constant 0 : i32
    %dma_wait3A_124 = tpu.memref_slice %arg2[%dma_wait3A_122, %dma_wait3A_123] : memref<320000x128xf32, #tpu.memory_space<hbm>> -> memref<40x128xf32, #tpu.memory_space<hbm>>
    %dma_wait3A_125 = arith.constant 0 : i32
    %dma_wait3A_126 = arith.constant 0 : i32
    %dma_wait3A_127 = tpu.memref_slice %arg2[%dma_wait3A_125, %dma_wait3A_126] : memref<320000x128xf32, #tpu.memory_space<hbm>> -> memref<40x128xf32, #tpu.memory_space<hbm>>
    tpu.wait_dma2 semaphore(%arg29 : memref<!tpu.dma_semaphore, #tpu.memory_space<semaphore_mem>>) src(%dma_wait3A_127 : memref<40x128xf32, #tpu.memory_space<hbm>>) dst(%arg20 : memref<40x128xf32, #tpu.memory_space<vmem>>)
    %parallel_loop3A_128 = arith.constant 0 : i32
    %parallel_loop3A_129 = arith.constant 40 : i32
    %parallel_loop3A_130 = arith.constant 1 : i32
    scf.for %parallel_loop3A_152 = %parallel_loop3A_128 to %parallel_loop3A_129 step %parallel_loop3A_130  : i32 {
      %parallel_loop3A_153 = arith.index_cast %parallel_loop3A_152 : i32 to index
      %parallel_loop3A_154 = arith.constant 0 : index
      %parallel_loop3A_155 = tpu.vector_load %arg16[%parallel_loop3A_153, %parallel_loop3A_154] {strides = array<i32>} : memref<40x128xf32, #tpu.memory_space<vmem>>, vector<1x16xf32>,
      %parallel_loop3A_156 = vector.shape_cast %parallel_loop3A_155 : vector<1x16xf32> to vector<16xf32>
      %parallel_loop3A_157 = arith.index_cast %parallel_loop3A_152 : i32 to index
      %parallel_loop3A_158 = arith.constant 0 : index
      %parallel_loop3A_159 = tpu.vector_load %arg20[%parallel_loop3A_157, %parallel_loop3A_158] {strides = array<i32>} : memref<40x128xf32, #tpu.memory_space<vmem>>, vector<1x16xf32>,
      %parallel_loop3A_160 = vector.shape_cast %parallel_loop3A_159 : vector<1x16xf32> to vector<16xf32>
      %parallel_loop3A_161 = arith.mulf %parallel_loop3A_156, %parallel_loop3A_160 : vector<16xf32>
      %parallel_loop3A_162 = arith.index_cast %parallel_loop3A_152 : i32 to index
      %parallel_loop3A_163 = arith.constant 0 : index
      %parallel_loop3A_164 = tpu.vector_load %arg16[%parallel_loop3A_162, %parallel_loop3A_163] {strides = array<i32>} : memref<40x128xf32, #tpu.memory_space<vmem>>, vector<1x16xf32>,
      %parallel_loop3A_165 = vector.shape_cast %parallel_loop3A_164 : vector<1x16xf32> to vector<16xf32>
      %parallel_loop3A_166 = vector.shape_cast %parallel_loop3A_161 : vector<16xf32> to vector<1x16xf32>
      tpu.vector_store %arg16[%parallel_loop3A_162, %parallel_loop3A_163], %parallel_loop3A_166 {strides = array<i32>} : memref<40x128xf32, #tpu.memory_space<vmem>>, vector<1x16xf32>,
      %parallel_loop3A_167 = arith.index_cast %parallel_loop3A_152 : i32 to index
      %parallel_loop3A_168 = arith.constant 16 : index
      %parallel_loop3A_169 = tpu.vector_load %arg16[%parallel_loop3A_167, %parallel_loop3A_168] {strides = array<i32>} : memref<40x128xf32, #tpu.memory_space<vmem>>, vector<1x16xf32>,
      %parallel_loop3A_170 = vector.shape_cast %parallel_loop3A_169 : vector<1x16xf32> to vector<16xf32>
      %parallel_loop3A_171 = arith.index_cast %parallel_loop3A_152 : i32 to index
      %parallel_loop3A_172 = arith.constant 16 : index
      %parallel_loop3A_173 = tpu.vector_load %arg20[%parallel_loop3A_171, %parallel_loop3A_172] {strides = array<i32>} : memref<40x128xf32, #tpu.memory_space<vmem>>, vector<1x16xf32>,
      %parallel_loop3A_174 = vector.shape_cast %parallel_loop3A_173 : vector<1x16xf32> to vector<16xf32>
      %parallel_loop3A_175 = arith.mulf %parallel_loop3A_170, %parallel_loop3A_174 : vector<16xf32>
      %parallel_loop3A_176 = arith.index_cast %parallel_loop3A_152 : i32 to index
      %parallel_loop3A_177 = arith.constant 16 : index
      %parallel_loop3A_178 = tpu.vector_load %arg16[%parallel_loop3A_176, %parallel_loop3A_177] {strides = array<i32>} : memref<40x128xf32, #tpu.memory_space<vmem>>, vector<1x16xf32>,
      %parallel_loop3A_179 = vector.shape_cast %parallel_loop3A_178 : vector<1x16xf32> to vector<16xf32>
      %parallel_loop3A_180 = vector.shape_cast %parallel_loop3A_175 : vector<16xf32> to vector<1x16xf32>
      tpu.vector_store %arg16[%parallel_loop3A_176, %parallel_loop3A_177], %parallel_loop3A_180 {strides = array<i32>} : memref<40x128xf32, #tpu.memory_space<vmem>>, vector<1x16xf32>,
      %parallel_loop3A_181 = arith.index_cast %parallel_loop3A_152 : i32 to index
      %parallel_loop3A_182 = arith.constant 32 : index
      %parallel_loop3A_183 = tpu.vector_load %arg16[%parallel_loop3A_181, %parallel_loop3A_182] {strides = array<i32>} : memref<40x128xf32, #tpu.memory_space<vmem>>, vector<1x16xf32>,
      %parallel_loop3A_184 = vector.shape_cast %parallel_loop3A_183 : vector<1x16xf32> to vector<16xf32>
      %parallel_loop3A_185 = arith.index_cast %parallel_loop3A_152 : i32 to index
      %parallel_loop3A_186 = arith.constant 32 : index
      %parallel_loop3A_187 = tpu.vector_load %arg20[%parallel_loop3A_185, %parallel_loop3A_186] {strides = array<i32>} : memref<40x128xf32, #tpu.memory_space<vmem>>, vector<1x16xf32>,
      %parallel_loop3A_188 = vector.shape_cast %parallel_loop3A_187 : vector<1x16xf32> to vector<16xf32>
      %parallel_loop3A_189 = arith.mulf %parallel_loop3A_184, %parallel_loop3A_188 : vector<16xf32>
      %parallel_loop3A_190 = arith.index_cast %parallel_loop3A_152 : i32 to index
      %parallel_loop3A_191 = arith.constant 32 : index
      %parallel_loop3A_192 = tpu.vector_load %arg16[%parallel_loop3A_190, %parallel_loop3A_191] {strides = array<i32>} : memref<40x128xf32, #tpu.memory_space<vmem>>, vector<1x16xf32>,
      %parallel_loop3A_193 = vector.shape_cast %parallel_loop3A_192 : vector<1x16xf32> to vector<16xf32>
      %parallel_loop3A_194 = vector.shape_cast %parallel_loop3A_189 : vector<16xf32> to vector<1x16xf32>
      tpu.vector_store %arg16[%parallel_loop3A_190, %parallel_loop3A_191], %parallel_loop3A_194 {strides = array<i32>} : memref<40x128xf32, #tpu.memory_space<vmem>>, vector<1x16xf32>,
      %parallel_loop3A_195 = arith.index_cast %parallel_loop3A_152 : i32 to index
      %parallel_loop3A_196 = arith.constant 48 : index
      %parallel_loop3A_197 = tpu.vector_load %arg16[%parallel_loop3A_195, %parallel_loop3A_196] {strides = array<i32>} : memref<40x128xf32, #tpu.memory_space<vmem>>, vector<1x16xf32>,
      %parallel_loop3A_198 = vector.shape_cast %parallel_loop3A_197 : vector<1x16xf32> to vector<16xf32>
      %parallel_loop3A_199 = arith.index_cast %parallel_loop3A_152 : i32 to index
      %parallel_loop3A_200 = arith.constant 48 : index
      %parallel_loop3A_201 = tpu.vector_load %arg20[%parallel_loop3A_199, %parallel_loop3A_200] {strides = array<i32>} : memref<40x128xf32, #tpu.memory_space<vmem>>, vector<1x16xf32>,
      %parallel_loop3A_202 = vector.shape_cast %parallel_loop3A_201 : vector<1x16xf32> to vector<16xf32>
      %parallel_loop3A_203 = arith.mulf %parallel_loop3A_198, %parallel_loop3A_202 : vector<16xf32>
      %parallel_loop3A_204 = arith.index_cast %parallel_loop3A_152 : i32 to index
      %parallel_loop3A_205 = arith.constant 48 : index
      %parallel_loop3A_206 = tpu.vector_load %arg16[%parallel_loop3A_204, %parallel_loop3A_205] {strides = array<i32>} : memref<40x128xf32, #tpu.memory_space<vmem>>, vector<1x16xf32>,
      %parallel_loop3A_207 = vector.shape_cast %parallel_loop3A_206 : vector<1x16xf32> to vector<16xf32>
      %parallel_loop3A_208 = vector.shape_cast %parallel_loop3A_203 : vector<16xf32> to vector<1x16xf32>
      tpu.vector_store %arg16[%parallel_loop3A_204, %parallel_loop3A_205], %parallel_loop3A_208 {strides = array<i32>} : memref<40x128xf32, #tpu.memory_space<vmem>>, vector<1x16xf32>,
      %parallel_loop3A_209 = arith.index_cast %parallel_loop3A_152 : i32 to index
      %parallel_loop3A_210 = arith.constant 64 : index
      %parallel_loop3A_211 = tpu.vector_load %arg16[%parallel_loop3A_209, %parallel_loop3A_210] {strides = array<i32>} : memref<40x128xf32, #tpu.memory_space<vmem>>, vector<1x16xf32>,
      %parallel_loop3A_212 = vector.shape_cast %parallel_loop3A_211 : vector<1x16xf32> to vector<16xf32>
      %parallel_loop3A_213 = arith.index_cast %parallel_loop3A_152 : i32 to index
      %parallel_loop3A_214 = arith.constant 64 : index
      %parallel_loop3A_215 = tpu.vector_load %arg20[%parallel_loop3A_213, %parallel_loop3A_214] {strides = array<i32>} : memref<40x128xf32, #tpu.memory_space<vmem>>, vector<1x16xf32>,
      %parallel_loop3A_216 = vector.shape_cast %parallel_loop3A_215 : vector<1x16xf32> to vector<16xf32>
      %parallel_loop3A_217 = arith.mulf %parallel_loop3A_212, %parallel_loop3A_216 : vector<16xf32>
      %parallel_loop3A_218 = arith.index_cast %parallel_loop3A_152 : i32 to index
      %parallel_loop3A_219 = arith.constant 64 : index
      %parallel_loop3A_220 = tpu.vector_load %arg16[%parallel_loop3A_218, %parallel_loop3A_219] {strides = array<i32>} : memref<40x128xf32, #tpu.memory_space<vmem>>, vector<1x16xf32>,
      %parallel_loop3A_221 = vector.shape_cast %parallel_loop3A_220 : vector<1x16xf32> to vector<16xf32>
      %parallel_loop3A_222 = vector.shape_cast %parallel_loop3A_217 : vector<16xf32> to vector<1x16xf32>
      tpu.vector_store %arg16[%parallel_loop3A_218, %parallel_loop3A_219], %parallel_loop3A_222 {strides = array<i32>} : memref<40x128xf32, #tpu.memory_space<vmem>>, vector<1x16xf32>,
      %parallel_loop3A_223 = arith.index_cast %parallel_loop3A_152 : i32 to index
      %parallel_loop3A_224 = arith.constant 80 : index
      %parallel_loop3A_225 = tpu.vector_load %arg16[%parallel_loop3A_223, %parallel_loop3A_224] {strides = array<i32>} : memref<40x128xf32, #tpu.memory_space<vmem>>, vector<1x16xf32>,
      %parallel_loop3A_226 = vector.shape_cast %parallel_loop3A_225 : vector<1x16xf32> to vector<16xf32>
      %parallel_loop3A_227 = arith.index_cast %parallel_loop3A_152 : i32 to index
      %parallel_loop3A_228 = arith.constant 80 : index
      %parallel_loop3A_229 = tpu.vector_load %arg20[%parallel_loop3A_227, %parallel_loop3A_228] {strides = array<i32>} : memref<40x128xf32, #tpu.memory_space<vmem>>, vector<1x16xf32>,
      %parallel_loop3A_230 = vector.shape_cast %parallel_loop3A_229 : vector<1x16xf32> to vector<16xf32>
      %parallel_loop3A_231 = arith.mulf %parallel_loop3A_226, %parallel_loop3A_230 : vector<16xf32>
      %parallel_loop3A_232 = arith.index_cast %parallel_loop3A_152 : i32 to index
      %parallel_loop3A_233 = arith.constant 80 : index
      %parallel_loop3A_234 = tpu.vector_load %arg16[%parallel_loop3A_232, %parallel_loop3A_233] {strides = array<i32>} : memref<40x128xf32, #tpu.memory_space<vmem>>, vector<1x16xf32>,
      %parallel_loop3A_235 = vector.shape_cast %parallel_loop3A_234 : vector<1x16xf32> to vector<16xf32>
      %parallel_loop3A_236 = vector.shape_cast %parallel_loop3A_231 : vector<16xf32> to vector<1x16xf32>
      tpu.vector_store %arg16[%parallel_loop3A_232, %parallel_loop3A_233], %parallel_loop3A_236 {strides = array<i32>} : memref<40x128xf32, #tpu.memory_space<vmem>>, vector<1x16xf32>,
      %parallel_loop3A_237 = arith.index_cast %parallel_loop3A_152 : i32 to index
      %parallel_loop3A_238 = arith.constant 96 : index
      %parallel_loop3A_239 = tpu.vector_load %arg16[%parallel_loop3A_237, %parallel_loop3A_238] {strides = array<i32>} : memref<40x128xf32, #tpu.memory_space<vmem>>, vector<1x16xf32>,
      %parallel_loop3A_240 = vector.shape_cast %parallel_loop3A_239 : vector<1x16xf32> to vector<16xf32>
      %parallel_loop3A_241 = arith.index_cast %parallel_loop3A_152 : i32 to index
      %parallel_loop3A_242 = arith.constant 96 : index
      %parallel_loop3A_243 = tpu.vector_load %arg20[%parallel_loop3A_241, %parallel_loop3A_242] {strides = array<i32>} : memref<40x128xf32, #tpu.memory_space<vmem>>, vector<1x16xf32>,
      %parallel_loop3A_244 = vector.shape_cast %parallel_loop3A_243 : vector<1x16xf32> to vector<16xf32>
      %parallel_loop3A_245 = arith.mulf %parallel_loop3A_240, %parallel_loop3A_244 : vector<16xf32>
      %parallel_loop3A_246 = arith.index_cast %parallel_loop3A_152 : i32 to index
      %parallel_loop3A_247 = arith.constant 96 : index
      %parallel_loop3A_248 = tpu.vector_load %arg16[%parallel_loop3A_246, %parallel_loop3A_247] {strides = array<i32>} : memref<40x128xf32, #tpu.memory_space<vmem>>, vector<1x16xf32>,
      %parallel_loop3A_249 = vector.shape_cast %parallel_loop3A_248 : vector<1x16xf32> to vector<16xf32>
      %parallel_loop3A_250 = vector.shape_cast %parallel_loop3A_245 : vector<16xf32> to vector<1x16xf32>
      tpu.vector_store %arg16[%parallel_loop3A_246, %parallel_loop3A_247], %parallel_loop3A_250 {strides = array<i32>} : memref<40x128xf32, #tpu.memory_space<vmem>>, vector<1x16xf32>,
      %parallel_loop3A_251 = arith.index_cast %parallel_loop3A_152 : i32 to index
      %parallel_loop3A_252 = arith.constant 112 : index
      %parallel_loop3A_253 = tpu.vector_load %arg16[%parallel_loop3A_251, %parallel_loop3A_252] {strides = array<i32>} : memref<40x128xf32, #tpu.memory_space<vmem>>, vector<1x16xf32>,
      %parallel_loop3A_254 = vector.shape_cast %parallel_loop3A_253 : vector<1x16xf32> to vector<16xf32>
      %parallel_loop3A_255 = arith.index_cast %parallel_loop3A_152 : i32 to index
      %parallel_loop3A_256 = arith.constant 112 : index
      %parallel_loop3A_257 = tpu.vector_load %arg20[%parallel_loop3A_255, %parallel_loop3A_256] {strides = array<i32>} : memref<40x128xf32, #tpu.memory_space<vmem>>, vector<1x16xf32>,
      %parallel_loop3A_258 = vector.shape_cast %parallel_loop3A_257 : vector<1x16xf32> to vector<16xf32>
      %parallel_loop3A_259 = arith.mulf %parallel_loop3A_254, %parallel_loop3A_258 : vector<16xf32>
      %parallel_loop3A_260 = arith.index_cast %parallel_loop3A_152 : i32 to index
      %parallel_loop3A_261 = arith.constant 112 : index
      %parallel_loop3A_262 = tpu.vector_load %arg16[%parallel_loop3A_260, %parallel_loop3A_261] {strides = array<i32>} : memref<40x128xf32, #tpu.memory_space<vmem>>, vector<1x16xf32>,
      %parallel_loop3A_263 = vector.shape_cast %parallel_loop3A_262 : vector<1x16xf32> to vector<16xf32>
      %parallel_loop3A_264 = vector.shape_cast %parallel_loop3A_259 : vector<16xf32> to vector<1x16xf32>
      tpu.vector_store %arg16[%parallel_loop3A_260, %parallel_loop3A_261], %parallel_loop3A_264 {strides = array<i32>} : memref<40x128xf32, #tpu.memory_space<vmem>>, vector<1x16xf32>,
    } {sc.loop_unroll_factor = 4 : i64, sc.parallel_access}
    %dma_start3A_131 = arith.constant 0 : i32
    %dma_start3A_132 = arith.constant 0 : i32
    %dma_start3A_133 = tpu.memref_slice %arg23[%dma_start3A_131, %dma_start3A_132] : memref<10000x128xf32, #tpu.memory_space<vmem_shared>> -> memref<10000x128xf32, #tpu.memory_space<vmem_shared>>
    tpu.enqueue_indirect_dma source(%arg16 : memref<40x128xf32, #tpu.memory_space<vmem>>) target(%dma_start3A_133 : memref<10000x128xf32, #tpu.memory_space<vmem_shared>>) offsets(%arg12 : memref<40xi32, #tpu.memory_space<vmem>>) semaphore(%arg33 : memref<!tpu.dma_semaphore, #tpu.memory_space<semaphore_mem>>) {add = true}
    %dma_wait3A_134 = arith.constant 0 : i32
    %dma_wait3A_135 = arith.constant 0 : i32
    %dma_wait3A_136 = tpu.memref_slice %arg2[%dma_wait3A_134, %dma_wait3A_135] : memref<320000x128xf32, #tpu.memory_space<hbm>> -> memref<40x128xf32, #tpu.memory_space<hbm>>
    %dma_wait3A_137 = arith.constant 0 : i32
    %dma_wait3A_138 = arith.constant 0 : i32
    %dma_wait3A_139 = tpu.memref_slice %arg2[%dma_wait3A_137, %dma_wait3A_138] : memref<320000x128xf32, #tpu.memory_space<hbm>> -> memref<40x128xf32, #tpu.memory_space<hbm>>
    tpu.wait_dma2 semaphore(%arg32 : memref<!tpu.dma_semaphore, #tpu.memory_space<semaphore_mem>>) src(%dma_wait3A_139 : memref<40x128xf32, #tpu.memory_space<hbm>>) dst(%arg15 : memref<40x128xf32, #tpu.memory_space<vmem>>)
    %dma_wait3A_140 = arith.constant 0 : i32
    %dma_wait3A_141 = arith.constant 0 : i32
    %dma_wait3A_142 = tpu.memref_slice %arg2[%dma_wait3A_140, %dma_wait3A_141] : memref<320000x128xf32, #tpu.memory_space<hbm>> -> memref<40x128xf32, #tpu.memory_space<hbm>>
    %dma_wait3A_143 = arith.constant 0 : i32
    %dma_wait3A_144 = arith.constant 0 : i32
    %dma_wait3A_145 = tpu.memref_slice %arg2[%dma_wait3A_143, %dma_wait3A_144] : memref<320000x128xf32, #tpu.memory_space<hbm>> -> memref<40x128xf32, #tpu.memory_space<hbm>>
    tpu.wait_dma2 semaphore(%arg33 : memref<!tpu.dma_semaphore, #tpu.memory_space<semaphore_mem>>) src(%dma_wait3A_145 : memref<40x128xf32, #tpu.memory_space<hbm>>) dst(%arg16 : memref<40x128xf32, #tpu.memory_space<vmem>>)
    %barrier3A_146 = arith.constant 0 : index
    tpu.barrier barrier_id(%barrier3A_146)
    "tpu.region"() ({
      %run_scoped3A = tpu.sem_alloc : memref<!tpu.dma_semaphore, #tpu.memory_space<semaphore_mem>>
      %dma_start3A_152 = arith.constant 0 : i32
      %dma_start3A_153 = tpu.memref_slice %arg6[%arg0, %mul3A_6, %dma_start3A_152] : memref<2x10000x128xf32, #tpu.memory_space<hbm>> -> memref<1x624x128xf32, #tpu.memory_space<hbm>>
      %dma_start3A_154 = tpu.memref_squeeze %dma_start3A_153 : memref<1x624x128xf32, #tpu.memory_space<hbm>> -> memref<624x128xf32, #tpu.memory_space<hbm>>
      %dma_start3A_155 = arith.constant 0 : i32
      %dma_start3A_156 = tpu.memref_slice %arg23[%mul3A_6, %dma_start3A_155] : memref<10000x128xf32, #tpu.memory_space<vmem_shared>> -> memref<624x128xf32, #tpu.memory_space<vmem_shared>>
      tpu.enqueue_dma source(%dma_start3A_156 : memref<624x128xf32, #tpu.memory_space<vmem_shared>>) target(%dma_start3A_154 : memref<624x128xf32, #tpu.memory_space<hbm>>) target_semaphore(%run_scoped3A : memref<!tpu.dma_semaphore, #tpu.memory_space<semaphore_mem>>)
      %dma_wait3A_157 = arith.constant 0 : i32
      %dma_wait3A_158 = tpu.memref_slice %arg6[%arg0, %mul3A_6, %dma_wait3A_157] : memref<2x10000x128xf32, #tpu.memory_space<hbm>> -> memref<1x624x128xf32, #tpu.memory_space<hbm>>
      %dma_wait3A_159 = tpu.memref_squeeze %dma_wait3A_158 : memref<1x624x128xf32, #tpu.memory_space<hbm>> -> memref<624x128xf32, #tpu.memory_space<hbm>>
      %dma_wait3A_160 = arith.constant 0 : i32
      %dma_wait3A_161 = tpu.memref_slice %arg23[%mul3A_6, %dma_wait3A_160] : memref<10000x128xf32, #tpu.memory_space<vmem_shared>> -> memref<624x128xf32, #tpu.memory_space<vmem_shared>>
      tpu.wait_dma2 semaphore(%run_scoped3A : memref<!tpu.dma_semaphore, #tpu.memory_space<semaphore_mem>>) src(%dma_wait3A_161 : memref<624x128xf32, #tpu.memory_space<vmem_shared>>) dst(%dma_wait3A_159 : memref<624x128xf32, #tpu.memory_space<hbm>>)
      tpu.yield
    }) : () -> ()
    %eq3A_147 = arith.constant 15 : i32
    %eq3A_148 = arith.cmpi eq, %arg1, %eq3A_147 : i32
    %convert_element_type3A_149 = arith.extui %eq3A_148 : i1 to i32
    %cond3A_150 = arith.constant 0 : i32
    %cond3A_151 = arith.cmpi ne, %convert_element_type3A_149, %cond3A_150 : i32
    scf.if %cond3A_151 {
      "tpu.region"() ({
        %run_scoped3A = tpu.sem_alloc : memref<!tpu.dma_semaphore, #tpu.memory_space<semaphore_mem>>
        %dma_start3A_152 = arith.constant 9984 : i32
        %dma_start3A_153 = arith.constant 0 : i32
        %dma_start3A_154 = tpu.memref_slice %arg6[%arg0, %dma_start3A_152, %dma_start3A_153] : memref<2x10000x128xf32, #tpu.memory_space<hbm>> -> memref<1x16x128xf32, #tpu.memory_space<hbm>>
        %dma_start3A_155 = tpu.memref_squeeze %dma_start3A_154 : memref<1x16x128xf32, #tpu.memory_space<hbm>> -> memref<16x128xf32, #tpu.memory_space<hbm>>
        %dma_start3A_156 = arith.constant 9984 : i32
        %dma_start3A_157 = arith.constant 0 : i32
        %dma_start3A_158 = tpu.memref_slice %arg23[%dma_start3A_156, %dma_start3A_157] : memref<10000x128xf32, #tpu.memory_space<vmem_shared>> -> memref<16x128xf32, #tpu.memory_space<vmem_shared>>
        tpu.enqueue_dma source(%dma_start3A_158 : memref<16x128xf32, #tpu.memory_space<vmem_shared>>) target(%dma_start3A_155 : memref<16x128xf32, #tpu.memory_space<hbm>>) target_semaphore(%run_scoped3A : memref<!tpu.dma_semaphore, #tpu.memory_space<semaphore_mem>>)
        %dma_wait3A_159 = arith.constant 9984 : i32
        %dma_wait3A_160 = arith.constant 0 : i32
        %dma_wait3A_161 = tpu.memref_slice %arg6[%arg0, %dma_wait3A_159, %dma_wait3A_160] : memref<2x10000x128xf32, #tpu.memory_space<hbm>> -> memref<1x16x128xf32, #tpu.memory_space<hbm>>
        %dma_wait3A_162 = tpu.memref_squeeze %dma_wait3A_161 : memref<1x16x128xf32, #tpu.memory_space<hbm>> -> memref<16x128xf32, #tpu.memory_space<hbm>>
        %dma_wait3A_163 = arith.constant 9984 : i32
        %dma_wait3A_164 = arith.constant 0 : i32
        %dma_wait3A_165 = tpu.memref_slice %arg23[%dma_wait3A_163, %dma_wait3A_164] : memref<10000x128xf32, #tpu.memory_space<vmem_shared>> -> memref<16x128xf32, #tpu.memory_space<vmem_shared>>
        tpu.wait_dma2 semaphore(%run_scoped3A : memref<!tpu.dma_semaphore, #tpu.memory_space<semaphore_mem>>) src(%dma_wait3A_165 : memref<16x128xf32, #tpu.memory_space<vmem_shared>>) dst(%dma_wait3A_162 : memref<16x128xf32, #tpu.memory_space<hbm>>)
        tpu.yield
      }) : () -> ()
    } else {
    }
    return
  }
}

module attributes {stable_mosaic.version = 14 : i64} {
  func.func @body(%arg0: i32, %arg1: memref<16000x128xf32, #tpu.memory_space<vmem>>, %arg2: memref<128x256xf32, #tpu.memory_space<vmem>>, %arg3: memref<1x256xf32, #tpu.memory_space<vmem>>, %arg4: memref<256x128xf32, #tpu.memory_space<vmem>>, %arg5: memref<1x128xf32, #tpu.memory_space<vmem>>, %arg6: memref<16000x128xf32, #tpu.memory_space<vmem>>) attributes {dimension_semantics = [#tpu.dimension_semantics<arbitrary>], iteration_bounds = array<i64: 20>, scalar_prefetch = 0 : i64, scratch_operands = 0 : i64, tpu.core_type = #tpu.core_type<tc>, window_params = [{transform_indices = @transform_0, window_bounds = array<i64: 16000, 128>}, {pipeline_mode = #tpu.pipeline_mode<synchronous>, transform_indices = @transform_1, window_bounds = array<i64: 128, 256>}, {pipeline_mode = #tpu.pipeline_mode<synchronous>, transform_indices = @transform_2, window_bounds = array<i64: 1, 256>}, {pipeline_mode = #tpu.pipeline_mode<synchronous>, transform_indices = @transform_3, window_bounds = array<i64: 256, 128>}, {pipeline_mode = #tpu.pipeline_mode<synchronous>, transform_indices = @transform_4, window_bounds = array<i64: 1, 128>}, {transform_indices = @transform_5, window_bounds = array<i64: 16000, 128>}]} {
    %get3A = arith.constant 0 : index
    %get3A_0 = arith.constant 0 : index
    %get3A_1 = vector.load %arg1[%get3A, %get3A_0] : memref<16000x128xf32, #tpu.memory_space<vmem>>, vector<16000x128xf32>
    %convert_element_type3A = arith.truncf %get3A_1 : vector<16000x128xf32> to vector<16000x128xbf16>
    %get3A_2 = arith.constant 0 : index
    %get3A_3 = arith.constant 0 : index
    %get3A_4 = vector.load %arg2[%get3A_2, %get3A_3] : memref<128x256xf32, #tpu.memory_space<vmem>>, vector<128x256xf32>
    %convert_element_type3A_5 = arith.truncf %get3A_4 : vector<128x256xf32> to vector<128x256xbf16>
    %dot_general3A = arith.constant dense<0.000000e+00> : vector<16000x256xf32>
    %dot_general3A_6 = tpu.matmul %convert_element_type3A, %convert_element_type3A_5, %dot_general3A {dimension_numbers = #tpu.dot_dimension_numbers<[1], [0], [0], [1], [0, 0, 1, 1], [], []>, transpose_lhs_hint = false} : vector<16000x128xbf16>, vector<128x256xbf16>, vector<16000x256xf32> -> vector<16000x256xf32>
    %get3A_7 = arith.constant 0 : index
    %get3A_8 = arith.constant 0 : index
    %get3A_9 = vector.load %arg3[%get3A_7, %get3A_8] : memref<1x256xf32, #tpu.memory_space<vmem>>, vector<1x256xf32>
    %add3A = vector.broadcast %get3A_9 : vector<1x256xf32> to vector<16000x256xf32>
    %add3A_10 = arith.addf %dot_general3A_6, %add3A : vector<16000x256xf32>
    %tanh3A = math.tanh %add3A_10 : vector<16000x256xf32>
    %convert_element_type3A_11 = arith.truncf %tanh3A : vector<16000x256xf32> to vector<16000x256xbf16>
    %get3A_12 = arith.constant 0 : index
    %get3A_13 = arith.constant 0 : index
    %get3A_14 = vector.load %arg4[%get3A_12, %get3A_13] : memref<256x128xf32, #tpu.memory_space<vmem>>, vector<256x128xf32>
    %convert_element_type3A_15 = arith.truncf %get3A_14 : vector<256x128xf32> to vector<256x128xbf16>
    %dot_general3A_16 = arith.constant dense<0.000000e+00> : vector<16000x128xf32>
    %dot_general3A_17 = tpu.matmul %convert_element_type3A_11, %convert_element_type3A_15, %dot_general3A_16 {dimension_numbers = #tpu.dot_dimension_numbers<[1], [0], [0], [1], [0, 0, 1, 1], [], []>, transpose_lhs_hint = false} : vector<16000x256xbf16>, vector<256x128xbf16>, vector<16000x128xf32> -> vector<16000x128xf32>
    %add3A_18 = arith.addf %get3A_1, %dot_general3A_17 : vector<16000x128xf32>
    %get3A_19 = arith.constant 0 : index
    %get3A_20 = arith.constant 0 : index
    %get3A_21 = vector.load %arg5[%get3A_19, %get3A_20] : memref<1x128xf32, #tpu.memory_space<vmem>>, vector<1x128xf32>
    %add3A_22 = vector.broadcast %get3A_21 : vector<1x128xf32> to vector<16000x128xf32>
    %add3A_23 = arith.addf %add3A_18, %add3A_22 : vector<16000x128xf32>
    %swap3A = arith.constant 0 : index
    %swap3A_24 = arith.constant 0 : index
    %swap3A_25 = vector.load %arg6[%swap3A, %swap3A_24] : memref<16000x128xf32, #tpu.memory_space<vmem>>, vector<16000x128xf32>
    tpu.vector_store %arg6[%swap3A, %swap3A_24], %add3A_23 {strides = array<i32>} : memref<16000x128xf32, #tpu.memory_space<vmem>>, vector<16000x128xf32>,
    return
  }
  func.func @transform_0(%arg0: i32) -> (i32, i32) {
    %c0_i32 = arith.constant 0 : i32
    %c0_i32_0 = arith.constant 0 : i32
    return %arg0, %c0_i32 : i32, i32
  }
  func.func @transform_1(%arg0: i32) -> (i32, i32) {
    %c0_i32 = arith.constant 0 : i32
    %c0_i32_0 = arith.constant 0 : i32
    %c0_i32_1 = arith.constant 0 : i32
    return %c0_i32, %c0_i32_0 : i32, i32
  }
  func.func @transform_2(%arg0: i32) -> (i32, i32) {
    %c0_i32 = arith.constant 0 : i32
    %c0_i32_0 = arith.constant 0 : i32
    %c0_i32_1 = arith.constant 0 : i32
    return %c0_i32, %c0_i32_0 : i32, i32
  }
  func.func @transform_3(%arg0: i32) -> (i32, i32) {
    %c0_i32 = arith.constant 0 : i32
    %c0_i32_0 = arith.constant 0 : i32
    %c0_i32_1 = arith.constant 0 : i32
    return %c0_i32, %c0_i32_0 : i32, i32
  }
  func.func @transform_4(%arg0: i32) -> (i32, i32) {
    %c0_i32 = arith.constant 0 : i32
    %c0_i32_0 = arith.constant 0 : i32
    %c0_i32_1 = arith.constant 0 : i32
    return %c0_i32, %c0_i32_0 : i32, i32
  }
  func.func @transform_5(%arg0: i32) -> (i32, i32) {
    %c0_i32 = arith.constant 0 : i32
    %c0_i32_0 = arith.constant 0 : i32
    return %arg0, %c0_i32 : i32, i32
  }
}

module attributes {stable_mosaic.version = 14 : i64} {
  func.func @body(%arg0: i32, %arg1: memref<2000x128xf32, #tpu.memory_space<vmem>>, %arg2: memref<2x2000x128xf32, #tpu.memory_space<vmem>>, %arg3: memref<128x256xf32, #tpu.memory_space<vmem>>, %arg4: memref<1x256xf32, #tpu.memory_space<vmem>>, %arg5: memref<256x128xf32, #tpu.memory_space<vmem>>, %arg6: memref<1x128xf32, #tpu.memory_space<vmem>>, %arg7: memref<2000x128xf32, #tpu.memory_space<vmem>>) attributes {dimension_semantics = [#tpu.dimension_semantics<arbitrary>], iteration_bounds = array<i64: 5>, scalar_prefetch = 0 : i64, scratch_operands = 0 : i64, tpu.core_type = #tpu.core_type<tc>, window_params = [{transform_indices = @transform_0, window_bounds = array<i64: 2000, 128>}, {transform_indices = @transform_1, window_bounds = array<i64: 2, 2000, 128>}, {pipeline_mode = #tpu.pipeline_mode<synchronous>, transform_indices = @transform_2, window_bounds = array<i64: 128, 256>}, {pipeline_mode = #tpu.pipeline_mode<synchronous>, transform_indices = @transform_3, window_bounds = array<i64: 1, 256>}, {pipeline_mode = #tpu.pipeline_mode<synchronous>, transform_indices = @transform_4, window_bounds = array<i64: 256, 128>}, {pipeline_mode = #tpu.pipeline_mode<synchronous>, transform_indices = @transform_5, window_bounds = array<i64: 1, 128>}, {transform_indices = @transform_6, window_bounds = array<i64: 2000, 128>}]} {
    %get3A = arith.constant 0 : index
    %get3A_0 = arith.constant 0 : index
    %get3A_1 = arith.constant 0 : index
    %get3A_2 = vector.load %arg2[%get3A, %get3A_0, %get3A_1] : memref<2x2000x128xf32, #tpu.memory_space<vmem>>, vector<1x2000x128xf32>
    %get3A_3 = vector.shape_cast %get3A_2 : vector<1x2000x128xf32> to vector<2000x128xf32>
    %get3A_4 = arith.constant 1 : index
    %get3A_5 = arith.constant 0 : index
    %get3A_6 = arith.constant 0 : index
    %get3A_7 = vector.load %arg2[%get3A_4, %get3A_5, %get3A_6] : memref<2x2000x128xf32, #tpu.memory_space<vmem>>, vector<1x2000x128xf32>
    %get3A_8 = vector.shape_cast %get3A_7 : vector<1x2000x128xf32> to vector<2000x128xf32>
    %add3A = arith.addf %get3A_3, %get3A_8 : vector<2000x128xf32>
    %convert_element_type3A = arith.truncf %add3A : vector<2000x128xf32> to vector<2000x128xbf16>
    %get3A_9 = arith.constant 0 : index
    %get3A_10 = arith.constant 0 : index
    %get3A_11 = vector.load %arg3[%get3A_9, %get3A_10] : memref<128x256xf32, #tpu.memory_space<vmem>>, vector<128x256xf32>
    %convert_element_type3A_12 = arith.truncf %get3A_11 : vector<128x256xf32> to vector<128x256xbf16>
    %dot_general3A = arith.constant dense<0.000000e+00> : vector<2000x256xf32>
    %dot_general3A_13 = tpu.matmul %convert_element_type3A, %convert_element_type3A_12, %dot_general3A {dimension_numbers = #tpu.dot_dimension_numbers<[1], [0], [0], [1], [0, 0, 1, 1], [], []>, transpose_lhs_hint = false} : vector<2000x128xbf16>, vector<128x256xbf16>, vector<2000x256xf32> -> vector<2000x256xf32>
    %get3A_14 = arith.constant 0 : index
    %get3A_15 = arith.constant 0 : index
    %get3A_16 = vector.load %arg4[%get3A_14, %get3A_15] : memref<1x256xf32, #tpu.memory_space<vmem>>, vector<1x256xf32>
    %add3A_17 = vector.broadcast %get3A_16 : vector<1x256xf32> to vector<2000x256xf32>
    %add3A_18 = arith.addf %dot_general3A_13, %add3A_17 : vector<2000x256xf32>
    %tanh3A = math.tanh %add3A_18 : vector<2000x256xf32>
    %get3A_19 = arith.constant 0 : index
    %get3A_20 = arith.constant 0 : index
    %get3A_21 = vector.load %arg1[%get3A_19, %get3A_20] : memref<2000x128xf32, #tpu.memory_space<vmem>>, vector<2000x128xf32>
    %convert_element_type3A_22 = arith.truncf %tanh3A : vector<2000x256xf32> to vector<2000x256xbf16>
    %get3A_23 = arith.constant 0 : index
    %get3A_24 = arith.constant 0 : index
    %get3A_25 = vector.load %arg5[%get3A_23, %get3A_24] : memref<256x128xf32, #tpu.memory_space<vmem>>, vector<256x128xf32>
    %convert_element_type3A_26 = arith.truncf %get3A_25 : vector<256x128xf32> to vector<256x128xbf16>
    %dot_general3A_27 = arith.constant dense<0.000000e+00> : vector<2000x128xf32>
    %dot_general3A_28 = tpu.matmul %convert_element_type3A_22, %convert_element_type3A_26, %dot_general3A_27 {dimension_numbers = #tpu.dot_dimension_numbers<[1], [0], [0], [1], [0, 0, 1, 1], [], []>, transpose_lhs_hint = false} : vector<2000x256xbf16>, vector<256x128xbf16>, vector<2000x128xf32> -> vector<2000x128xf32>
    %add3A_29 = arith.addf %get3A_21, %dot_general3A_28 : vector<2000x128xf32>
    %get3A_30 = arith.constant 0 : index
    %get3A_31 = arith.constant 0 : index
    %get3A_32 = vector.load %arg6[%get3A_30, %get3A_31] : memref<1x128xf32, #tpu.memory_space<vmem>>, vector<1x128xf32>
    %add3A_33 = vector.broadcast %get3A_32 : vector<1x128xf32> to vector<2000x128xf32>
    %add3A_34 = arith.addf %add3A_29, %add3A_33 : vector<2000x128xf32>
    %swap3A = arith.constant 0 : index
    %swap3A_35 = arith.constant 0 : index
    %swap3A_36 = vector.load %arg7[%swap3A, %swap3A_35] : memref<2000x128xf32, #tpu.memory_space<vmem>>, vector<2000x128xf32>
    tpu.vector_store %arg7[%swap3A, %swap3A_35], %add3A_34 {strides = array<i32>} : memref<2000x128xf32, #tpu.memory_space<vmem>>, vector<2000x128xf32>,
    return
  }
  func.func @transform_0(%arg0: i32) -> (i32, i32) {
    %c0_i32 = arith.constant 0 : i32
    %c0_i32_0 = arith.constant 0 : i32
    return %arg0, %c0_i32 : i32, i32
  }
  func.func @transform_1(%arg0: i32) -> (i32, i32, i32) {
    %c0_i32 = arith.constant 0 : i32
    %c0_i32_0 = arith.constant 0 : i32
    %c0_i32_1 = arith.constant 0 : i32
    return %c0_i32, %arg0, %c0_i32_0 : i32, i32, i32
  }
  func.func @transform_2(%arg0: i32) -> (i32, i32) {
    %c0_i32 = arith.constant 0 : i32
    %c0_i32_0 = arith.constant 0 : i32
    %c0_i32_1 = arith.constant 0 : i32
    return %c0_i32, %c0_i32_0 : i32, i32
  }
  func.func @transform_3(%arg0: i32) -> (i32, i32) {
    %c0_i32 = arith.constant 0 : i32
    %c0_i32_0 = arith.constant 0 : i32
    %c0_i32_1 = arith.constant 0 : i32
    return %c0_i32, %c0_i32_0 : i32, i32
  }
  func.func @transform_4(%arg0: i32) -> (i32, i32) {
    %c0_i32 = arith.constant 0 : i32
    %c0_i32_0 = arith.constant 0 : i32
    %c0_i32_1 = arith.constant 0 : i32
    return %c0_i32, %c0_i32_0 : i32, i32
  }
  func.func @transform_5(%arg0: i32) -> (i32, i32) {
    %c0_i32 = arith.constant 0 : i32
    %c0_i32_0 = arith.constant 0 : i32
    %c0_i32_1 = arith.constant 0 : i32
    return %c0_i32, %c0_i32_0 : i32, i32
  }
  func.func @transform_6(%arg0: i32) -> (i32, i32) {
    %c0_i32 = arith.constant 0 : i32
    %c0_i32_0 = arith.constant 0 : i32
    return %arg0, %c0_i32 : i32, i32
  }
}

</mosaic_0001>

<sc_bundles>
// kernel: kernel.5.cloned.1.call-start
scs
__scs_entry_jumppad:
0x0: {  	(pc) =	sbr.rel $0x88, $3  }
0x1: {  	(tag) =	ssettag $0x0;
	lr =	simm.s32 $0x1  }
0x2: {  	[smem:$0x3F96] =	sst lr;
	_ =	strace $0xD0000000  }
0x3: {  	_ = 	snop  }
0x4: {  	_ = 	snop  }
0x5: {  	_ = 	snop  }
0x6: {  	_ = 	snop  }
0x7: {  	_ = 	snop  }
__scs_overlays_trampoline_lowered:
0x8: {  	[smem:$0x3FA5] =	sst s0  }
0x9: {  	[smem:$0x3FA6] =	sst s1  }
0xa: {  	[smem:$0x3FA7] =	sst s2  }
0xb: {  	[smem:$0x3FA8] =	sst s3  }
0xc: {  	[smem:$0x3FA9] =	sst s4  }
0xd: {  	[smem:$0x3FAA] =	sst s5  }
0xe: {  	[smem:$0x3FAB] =	sst s6  }
0xf: {  	[smem:$0x3FAC] =	sst s7  }
0x10: {  	[smem:$0x3FAD] =	sst s8  }
0x11: {  	[smem:$0x3FAE] =	sst s9;
	s0 =	simm.s32 @!p0 $0x0  }
0x12: {  	s1 =	sld [smem:$0x3F94];
	s0 =	simm.s32 @p0 $0x1  }
0x13: {  	[smem:$0x3FAF] =	sst s0;
	s0 =	simm.s32 @!p1 $0x0  }
0x14: {  	s2 =	sld [smem:$0x3F93];
	s0 =	simm.s32 @p1 $0x1  }
0x15: {  	[smem:$0x3FB0] =	sst s0;
	s0 =	simm.s32 @!p2 $0x0  }
0x16: {  	s3 =	sld [smem:$0x3FDB];
	s0 =	simm.s32 @p2 $0x1  }
0x17: {  	s4 =	simm.s32 $0x1BF5;
	[smem:$0x3FB2] =	sst s0  }
0x18: {  	s0 =	sld [smem:$0x3F95];
	_ =	swait.ge [sflag:s4], $0x0  }
0x19: {  	s7 =	sld [smem:$0x3F96]  }
0x1a: {  	s8 =	sadd.s32 $0xFFFFE003, lr  }
0x1b: {  	s9 =	sadd.s32 $0xFFFFFEF7, lr;
	s5 =	simm.s32 $0xFFFFFFFF;
	p2 =	slt.u32 s8, $0xFFFFF086  }
0x1c: {  	p1 =	slt.u32 s9, $0xF7A;
	s5 =	simm.s32 @!p2 $0x0  }
0x1d: {  	s5 =	simm.s32 @p1 $0x1;
	p0 =	seq.s32 s7, s2  }
0x1e: {  	s7 =	smul.u32 @!p0 $0xF7A, s2;
	p2 =	seq.s32 @!p0 s5, $0x0  }
0x1f: {  	s9 =	smul.u32 $0xF7A, s1;
	s8 =	simm.s32 @!p0 $0x1BF5;
	p2 =	por !p2, p0  }
0x20: {  	[sflag:s8] =	ssyncset.s32 @!p0 $0xFFFFF086;
	s6 =	sadd.s32 @!p0 s3, s7;
	s7 =	simm.s32 @!p0 $0x108  }
0x21: {  	s3 =	sadd.s32 s3, s9;
	s6 =	sadd.s32 @!p0 $0x88, s6;
	s7 =	simm.s32 @p2 $0x1082  }
0x22: {  	[simem:s7], [sflag:s8] =	dma.local @!p0 [hbm:s6], $0xF7A  }
0x23: {  	s9 =	sor.u32 $0xD0000000, s2;
	s6 =	simm.s32 $0x108;
	_ =	swait.ge @!p0 [sflag:s8], $0x0  }
0x24: {  	s3 =	sadd.s32 $0x88, s3;
	s6 =	simm.s32 @!p1 $0x1082;
	[sflag:s4] =	ssyncset.s32 $0xFFFFF086  }
0x25: {  	[simem:s6], [sflag:s4] =	dma.local [hbm:s3], $0xF7A  }
0x26: {  	[smem:$0x3F96] =	sst s1;
	(tag) =	ssettag s2;
	_ =	strace s9  }
0x27: {  	s1 =	sld [smem:$0x3FA6]  }
0x28: {  	s2 =	sld [smem:$0x3FA7]  }
0x29: {  	s4 =	sld [smem:$0x3FA9]  }
0x2a: {  	p0 =	seq.s32 s5, $0x0;
	s5 =	sld [smem:$0x3FAA]  }
0x2b: {  	s6 =	sld [smem:$0x3FAB]  }
0x2c: {  	s7 =	sld [smem:$0x3FAC]  }
0x2d: {  	s3 =	simm.s32 $0x108;
	s8 =	sld [smem:$0x3FAD]  }
0x2e: {  	s3 =	simm.s32 @!p0 $0x1082;
	s9 =	sld [smem:$0x3FAE]  }
0x2f: {  	lr =	sadd.s32 s0, s3;
	s0 =	sld [smem:$0x3FA5]  }
0x30: {  	s3 =	sld [smem:$0x3FA8]  }
0x31: {  	[smem:$0x3FB1] =	sst s10  }
0x32: {  	s10 =	sld [smem:$0x3FAF];
	_ =	sdelay $0x3  }
0x33: {  	p0 =	seq.s32 s10, $0x1;
	s10 =	sld [smem:$0x3FB1];
	_ =	sdelay $0x3  }
0x34: {  	[smem:$0x3FB1] =	sst s10  }
0x35: {  	s10 =	sld [smem:$0x3FB0];
	_ =	sdelay $0x3  }
0x36: {  	p1 =	seq.s32 s10, $0x1;
	s10 =	sld [smem:$0x3FB1];
	_ =	sdelay $0x3  }
0x37: {  	[smem:$0x3FB1] =	sst s10  }
0x38: {  	s10 =	sld [smem:$0x3FB2]  }
0x39: {  	_ = 	snop;
	(pc) =	sbr.ind lr, $3  }
0x3a: {  	_ = 	snop  }
0x3b: {  	_ = 	snop  }
0x3c: {  	p2 =	seq.s32 s10, $0x1;
	s10 =	sld [smem:$0x3FB1]  }
0x3d: {  	_ =	shalt  }
0x3e: {  	_ =	shalt  }
0x3f: {  	_ =	shalt  }
0x40: {  	_ =	shalt  }
0x41: {  	_ =	shalt  }
0x42: {  	_ =	shalt  }
0x43: {  	_ =	shalt  }
0x44: {  	_ =	shalt  }
0x45: {  	_ =	shalt  }
0x46: {  	_ =	shalt  }
0x47: {  	_ =	shalt  }
0x48: {  	_ =	shalt  }
0x49: {  	_ =	shalt  }
0x4a: {  	_ =	shalt  }
0x4b: {  	_ =	shalt  }
0x4c: {  	_ =	shalt  }
0x4d: {  	_ =	shalt  }
0x4e: {  	_ =	shalt  }
0x4f: {  	_ =	shalt  }
0x50: {  	_ =	shalt  }
0x51: {  	_ =	shalt  }
0x52: {  	_ =	shalt  }
0x53: {  	_ =	shalt  }
0x54: {  	_ =	shalt  }
0x55: {  	_ =	shalt  }
0x56: {  	_ =	shalt  }
0x57: {  	_ =	shalt  }
0x58: {  	_ =	shalt  }
0x59: {  	_ =	shalt  }
0x5a: {  	_ =	shalt  }
0x5b: {  	_ =	shalt  }
0x5c: {  	_ =	shalt  }
0x5d: {  	_ =	shalt  }
0x5e: {  	_ =	shalt  }
0x5f: {  	_ =	shalt  }
0x60: {  	_ =	shalt  }
0x61: {  	_ =	shalt  }
0x62: {  	_ =	shalt  }
0x63: {  	_ =	shalt  }
0x64: {  	_ =	shalt  }
0x65: {  	_ =	shalt  }
0x66: {  	_ =	shalt  }
0x67: {  	_ =	shalt  }
0x68: {  	_ =	shalt  }
0x69: {  	_ =	shalt  }
0x6a: {  	_ =	shalt  }
0x6b: {  	_ =	shalt  }
0x6c: {  	_ =	shalt  }
0x6d: {  	_ =	shalt  }
0x6e: {  	_ =	shalt  }
0x6f: {  	_ =	shalt  }
0x70: {  	_ =	shalt  }
0x71: {  	_ =	shalt  }
0x72: {  	_ =	shalt  }
0x73: {  	_ =	shalt  }
0x74: {  	_ =	shalt  }
0x75: {  	_ =	shalt  }
0x76: {  	_ =	shalt  }
0x77: {  	_ =	shalt  }
0x78: {  	_ =	shalt  }
0x79: {  	_ =	shalt  }
0x7a: {  	_ =	shalt  }
0x7b: {  	_ =	shalt  }
0x7c: {  	_ =	shalt  }
0x7d: {  	_ =	shalt  }
0x7e: {  	_ =	shalt  }
0x7f: {  	_ =	shalt  }
0x80: {  	_ =	shalt  }
0x81: {  	_ =	shalt  }
0x82: {  	_ =	shalt  }
0x83: {  	_ =	shalt  }
0x84: {  	_ =	shalt  }
0x85: {  	_ =	shalt  }
0x86: {  	_ =	shalt  }
0x87: {  	_ =	shalt  }
.Lfunc_end0:
.L_simem_size_0:
called_computation_lowered:
.L_overlay_start_0:
0x88: {  	s2 =	sld [smem:$0x3FD9]  }
0x89: {  	s3 =	sld [smem:$0x3FFE];
	_ =	sdelay $0x1  }
0x8a: {  	s1 =	srdreg.scid  }
0x8b: {  	s0 =	sand.u32 $0x1, s1  }
0x8c: {  	s14 =	sshll.u32 s0, $0xA;
	s2 =	sadd.s32 s3, s2  }
0x8d: {  	s2 =	sadd.s32 s2, s14  }
0x8e: {  	[smem:$0x3FBD] =	sst s2  }
0x8f: {  	_ = 	snop  }
0x90: {  	s2 =	sld [smem:$0x3FD0];
	_ =	sdelay $0x2  }
0x91: {  	s4 =	simm.s32 $0xA;
	s5 =	simm.s32 $0x10;
	s15 =	sld [smem:$0x3FC9]  }
0x92: {  	[smem:s5], [sflag:s4] =	dma.local [hbm:s2], $0x1  }
0x93: {  	_ =	swait.eq [sflag:s4], $0x1  }
0x94: {  	[sflag:s4] =	ssyncset.done $0x0  }
0x95: {  	s16 =	sld [smem:$0x10];
	[sflag:s4] =	ssyncadd.s32 $0xFFFFFFFF  }
0x96: {  	s17 =	sld [smem:$0x11];
	(tm) =	ssettm $0x1  }
0x97: {  	s18 =	sld [smem:$0x3FFB];
	_ =	sdelay $0x3  }
0x98: {  	_ =	strace s18  }
0x99: {  	s5 =	sld [smem:$0x3FFC];
	_ =	sdelay $0x3  }
0x9a: {  	_ =	strace s5  }
0x9b: {  	s5 =	sld [smem:$0x3FFD];
	_ =	sdelay $0x3  }
0x9c: {  	_ =	strace s5  }
0x9d: {  	_ =	strace $0x8FFFFFFF  }
0x9e: {  	s19 =	sld [smem:$0x3FDB];
	_ =	sdelay $0x1  }
0x9f: {  	s6 =	simm.s32 $_scs_section_size  }
0xa0: {  	s7 =	simm.s32 $_size__tile_overlayer_lowered;
	s8 =	simm.s32 $_tile_overlayer_lowered  }
0xa1: {  	s22 =	simm.s32 $0x1BFF;
	s21 =	sshll.u32 s8, $0x1;
	s5 =	sadd.s32 s6, s19  }
0xa2: {  	s9 =	simm.s32 $0x0;
	s20 =	sshll.u32 s7, $0x1;
	s7 =	sadd.s32 s21, s5  }
0xa3: {  	[timem:s9], [sflag:s22] =	dma.local [hbm:s7], s20  }
0xa4: {  	_ =	swait.ge [sflag:s22], s20  }
0xa5: {  	s6 =	ssub.s32 $0x0, s20;
	[sflag:s22] =	ssyncset.done $0x0  }
0xa6: {  	[sflag:s22] =	ssyncadd.s32 s6;
	_ =	sdelay $0x1  }
0xa7: {  	s23 =	simm.s32 $0x1B8B  }
0xa8: {  	_ =	swait.ge [sflag:s23], $0x1  }
0xa9: {  	[sflag:s23] =	ssyncset.done $0x0  }
0xaa: {  	s25 =	simm.s32 $0x1B8E;
	s24 =	sld [smem:$0x3FFE];
	[sflag:s23] =	ssyncadd.s32 $0xFFFFFFFF  }
0xab: {  	s26 =	simm.s32 $execute0_lowered;
	[smem:$0x3FD2] =	sst s25  }
0xac: {  	s7 =	sshll.u32 s26, $0x1;
	_ =	strace $0x80000046;
	[dreg:$0x1] =	wrdreg $0xFFFFFFFF  }
0xad: {  	s28 =	simm.s32 $_size_execute0_lowered;
	s5 =	sadd.s32 s5, s7;
	[dreg:$0x0] =	wrdreg $0x0  }
0xae: {  	s7 =	sshll.u32 s28, $0x1;
	[dreg:$0x2] =	wrdreg s5  }
0xaf: {  	[dreg:$0x3] =	wrdreg s7  }
0xb0: {  	[dreg:$0x4] =	wrdreg $0xC0  }
0xb1: {  	_ =	task [dreg:s9], $0x5FFFF  }
0xb2: {  	[dreg:$0x1] =	wrdreg $0xFFFFFFFF  }
0xb3: {  	[dreg:$0x0] =	wrdreg $0x60  }
0xb4: {  	[dreg:$0x2] =	wrdreg s17  }
0xb5: {  	[dreg:$0x3] =	wrdreg s15  }
0xb6: {  	[dreg:$0x4] =	wrdreg s24  }
0xb7: {  	[dreg:$0x5] =	wrdreg s16  }
0xb8: {  	[dreg:$0x6] =	wrdreg $0xA4000  }
0xb9: {  	[dreg:$0x7] =	wrdreg $0x9  }
0xba: {  	_ =	task.clear_ibuf [dreg:s9], $0x8FFFF;
	_ =	strace $0x90000046  }
0xbb: {  	s29 =	simm.s32 $0x9;
	_ =	strace $0x80000048  }
0xbc: {  	_ =	swait.ge [sflag:s29], $0x1  }
0xbd: {  	[sflag:s29] =	ssyncadd.s32 $0xFFFFFFFF  }
0xbe: {  	_ =	strace $0x90000048  }
0xbf: {  	_ =	sfence  }
0xc0: {  	s30 =	sld [smem:$0x0];
	_ =	sdelay $0x2  }
0xc1: {  	s31 =	sshll.u32 s1, $0xD;
	s1 =	sshrl.u32 s1, $0x2  }
0xc2: {  	s3 =	sand.u32 $0x4000, s31;
	s1 =	sadd.s32 s1, s30  }
0xc3: {  	s0 =	sor.u32 s3, s0;
	s1 =	sshll.u32 s1, $0x11  }
0xc4: {  	s0 =	sor.u32 s1, s0  }
0xc5: {  	s0 =	sadd.s32 $0x8F2B, s0  }
0xc6: {  	[sflag:s0] =	ssyncadd.remote.s32 $0x1  }
0xc7: {  	_ =	sfence.sel $0xFFFF  }
0xc8: {  	[dreg:$0x0] =	wrdreg $0xFFFFFFFF;
	(pc) =	sbr.abs _section_cstart, $3  }
0xc9: {  	[dreg:$0x1] =	wrdreg $0xFFFFFFFF  }
0xca: {  	_ =	task.clear_ibuf [dreg:s9], $0x2FFFF;
	_ =	strace $0x9FFFFFFF  }
0xcb: {  	(tm) =	ssettm $0x7FFFFFFF  }
tec
execute0_lowered:
.L_overlay_start_1:
0x0: {  	(tag) =	ssettag $0x1  }
0x1: {  	s1 =	rddreg [dreg:$0x0]  }
0x2: {  	s2 =	rddreg [dreg:$0x1]  }
0x3: {  	s0 =	rddreg [dreg:$0x2]  }
0x4: {  	s3 =	rddreg [dreg:$0x3]  }
0x5: {  	s4 =	rddreg [dreg:$0x4];
	s6 =	simm.s32 $0x0;
	s5 =	srdreg.scid  }
0x6: {  	s13 =	stileid.u32;
	s28 =	simm.s32 $0xD;
	s29 =	simm.s32 $0x5  }
0x7: {  	s30 =	simm.s32 $0x3;
	s31 =	simm.s32 $0x9;
	[smem:$0x7FF] =	sst s6  }
0x8: {  	s7 =	sadd.s32 $0x1000, s0;
	s5 =	sand.u32 $0x1, s5;
	s8 =	smul.u32 $0x4E000, s13  }
0x9: {  	s0 =	sadd.s32 $0xAE00, s0;
	s10 =	sshll.u32 s13, $0x1;
	s19 =	smul.u32 $0x13800, s13  }
0xa: {  	p0 =	sne.s32 s13, $0xF;
	s13 =	simm.s32 $0x0;
	s12 =	sshrl.u32 s8, $0x2  }
0xb: {  	_ =	strace $0x80000047;
	s9 =	ssub.s32 $0x2, s5;
	s25 =	sadd.s32 s12, s4  }
0xc: {  	s10 =	sor.u32 s5, s10;
	s12 =	sadd.s32 $0x1400, s25;
	[dreg:$0x6] =	wrdreg s25  }
0xd: {  	s5 =	smul.u32 $0x138800, s5;
	s14 =	sadd.s32 $0x2800, s25;
	[dreg:$0x7] =	wrdreg s12  }
0xe: {  	s11 =	sshrl.u32 s9, $0x1;
	s15 =	sadd.s32 $0x3C00, s25;
	[dreg:$0x8] =	wrdreg s14  }
0xf: {  	s8 =	smul.u32 $0x2710, s10;
	s16 =	sadd.s32 $0x5000, s25;
	[dreg:$0x9] =	wrdreg s15  }
0x10: {  	s10 =	smul.u32 $0x27100, s10;
	s17 =	sadd.s32 $0x6400, s25;
	[dreg:$0xa] =	wrdreg s16  }
0x11: {  	s9 =	ssub.s32 s9, s11;
	s20 =	sadd.s32 $0x8C00, s25;
	[dreg:$0xb] =	wrdreg s17  }
0x12: {  	s22 =	sadd.s32 s19, s5;
	s10 =	sadd.s32 s1, s10;
	[dreg:$0xd] =	wrdreg s20  }
0x13: {  	s5 =	sshrl.u32 s5, $0x3;
	s19 =	sadd.s32 $0xF000, s25;
	[dreg:$0x10] =	wrdreg s10  }
0x14: {  	s18 =	sshrl.u32 s8, $0x3;
	s14 =	sadd.s32 $0x7800, s25;
	[dreg:$0x1b] =	wrdreg s19  }
0x15: {  	s23 =	sadd.s32 $0x28, s8;
	s21 =	sadd.s32 s7, s18;
	[dreg:$0xc] =	wrdreg s14  }
0x16: {  	s11 =	sadd.s32 s3, s18;
	s10 =	sshrl.u32 s22, $0x3;
	[dreg:$0xe] =	wrdreg s21  }
0x17: {  	s24 =	sshrl.u32 s23, $0x3;
	s15 =	sadd.s32 $0xA000, s25;
	[dreg:$0xf] =	wrdreg s11  }
0x18: {  	s12 =	sshll.u32 s23, $0x4;
	s16 =	sadd.s32 $0xB400, s25;
	[dreg:$0x17] =	wrdreg s15  }
0x19: {  	s17 =	sadd.s32 $0xC800, s25;
	s18 =	sadd.s32 $0xDC00, s25;
	[dreg:$0x18] =	wrdreg s16  }
0x1a: {  	s20 =	sadd.s32 $0x10400, s25;
	s22 =	sadd.s32 $0x12C00, s25;
	[dreg:$0x19] =	wrdreg s17  }
0x1b: {  	s23 =	sadd.s32 $0xA0, s8;
	s19 =	simm.s32 $0x1800;
	[dreg:$0x1a] =	wrdreg s18  }
0x1c: {  	s10 =	sadd.s32 s0, s10;
	s0 =	sadd.s32 s0, s5;
	[dreg:$0x1c] =	wrdreg s20  }
0x1d: {  	s26 =	sadd.s32 s7, s24;
	s5 =	sadd.s32 s1, s12;
	[dreg:$0x1e] =	wrdreg s22  }
0x1e: {  	s14 =	smax.u32 s9, $0x1;
	s21 =	sadd.s32 $0x11800, s25;
	[smem:$0x7FC] =	sst s23  }
0x1f: {  	s16 =	simm.s32 $0x200;
	s17 =	simm.s32 $0x80;
	[dreg:$0x11] =	wrdreg s10  }
0x20: {  	s18 =	simm.s32 $0x280;
	s20 =	simm.s32 $0x1;
	[dreg:$0x12] =	wrdreg s26  }
0x21: {  	s23 =	simm.s32 $0x2;
	s11 =	simm.s32 $0x6;
	[dreg:$0x14] =	wrdreg s5  }
0x22: {  	s9 =	simm.s32 $0x4;
	s22 =	simm.s32 $0x7;
	[dreg:$0x16] =	wrdreg s14  }
0x23: {  	s15 =	simm.s32 $0x8;
	s10 =	sadd.s32 s3, s24;
	[dreg:$0x1d] =	wrdreg s21  }
0x24: {  	s0 =	sadd.s32 $0x27000, s0;
	s26 =	sadd.s32 $0x138000, s4;
	[dreg:$0x13] =	wrdreg s10  }
0x25: {  	s24 =	sadd.s32 $0xC8, s8;
	s14 =	simm.s32 $0x400;
	[dreg:$0x15] =	wrdreg s0  }
0x26: {  	s21 =	simm.s32 $0x28;
	s5 =	simm.s32 $0x380;
	[smem:$0x7FD] =	sst s24  }
0x27: {  	v0 =	vimm.f32 $0.0e+00;
	s10 =	simm.s32 $0x4000;
	s24 =	simm.s32 $0xA;
	[dreg:$0x1f] =	wrdreg s26  }
.LBB2_1:
0x28: {  	[smem:$0x7FB] =	sst s13;
	s0 =	simm.s32 $0x480  }
0x29: {  	[tilespmem:s0+$0xFFFFFF80] =	vst v0  }
0x2a: {  	[tilespmem:s0+$0x70] =	vst v0  }
0x2b: {  	[tilespmem:s0+$0x60] =	vst v0  }
0x2c: {  	[tilespmem:s0+$0x50] =	vst v0  }
0x2d: {  	[tilespmem:s0+$0x40] =	vst v0  }
0x2e: {  	[tilespmem:s0+$0x30] =	vst v0  }
0x2f: {  	[tilespmem:s0+$0x20] =	vst v0  }
0x30: {  	[tilespmem:s0+$0x10] =	vst v0  }
0x31: {  	[tilespmem:s0+$0x0] =	vst v0  }
0x32: {  	[tilespmem:s0+$0xFFFFFFF0] =	vst v0  }
0x33: {  	[tilespmem:s0+$0xFFFFFFE0] =	vst v0  }
0x34: {  	[tilespmem:s0+$0xFFFFFFD0] =	vst v0  }
0x35: {  	[tilespmem:s0+$0xFFFFFFC0] =	vst v0  }
0x36: {  	[tilespmem:s0+$0xFFFFFFB0] =	vst v0  }
0x37: {  	s12 =	simm.s32 $0x0;
	[tilespmem:s0+$0xFFFFFFA0] =	vst v0  }
.LBB2_2:
0x38: {  	s12 =	sadd.s32 $0x2, s12;
	[tilespmem:s0+$0xFFFFFF90] =	vst v0;
	s0 =	sadd.s32 $0x100, s0  }
0x39: {  	[tilespmem:s0+$0xFFFFFF80] =	vst v0;
	p1 =	slt.u32 s12, $0x26  }
0x3a: {  	[tilespmem:s0+$0x70] =	vst v0  }
0x3b: {  	[tilespmem:s0+$0x60] =	vst v0  }
0x3c: {  	[tilespmem:s0+$0x50] =	vst v0  }
0x3d: {  	[tilespmem:s0+$0x40] =	vst v0  }
0x3e: {  	[tilespmem:s0+$0x30] =	vst v0  }
0x3f: {  	[tilespmem:s0+$0x20] =	vst v0  }
0x40: {  	[tilespmem:s0+$0x10] =	vst v0  }
0x41: {  	[tilespmem:s0+$0x0] =	vst v0  }
0x42: {  	[tilespmem:s0+$0xFFFFFFF0] =	vst v0  }
.Ltmp0:
0x43: {  	[tilespmem:s0+$0xFFFFFFE0] =	vst v0;
	(pc) =	sbr.rel @p1 .LBB2_2-.Ltmp0, $4  }
0x44: {  	[tilespmem:s0+$0xFFFFFFD0] =	vst v0  }
0x45: {  	[tilespmem:s0+$0xFFFFFFC0] =	vst v0  }
0x46: {  	[tilespmem:s0+$0xFFFFFFB0] =	vst v0  }
0x47: {  	[tilespmem:s0+$0xFFFFFFA0] =	vst v0  }
0x48: {  	[tilespmem:s0+$0xFFFFFF90] =	vst v0  }
0x49: {  	[spmem:s25] =	stream.linear.scatter [tilespmem:s14], [sflag:$0xD], $0x1400, $0x38;
	[tilespmem:$0x1DC80] =	vst v63  }
0x4a: {  	_ =	swait.ge [sflag:s28], $0x1400  }
0x4b: {  	[sflag:s28] =	ssyncset.done $0x0  }
0x4c: {  	s25 =	rddreg [dreg:$0x7];
	[sflag:s28] =	ssyncadd.s32 $0xFFFFEC00  }
0x4d: {  	[spmem:s25] =	stream.linear.scatter [tilespmem:s14], [sflag:$0xD], $0x1400, $0x38;
	[tilespmem:$0x1DC80] =	vst v63  }
0x4e: {  	_ =	swait.ge [sflag:s28], $0x1400  }
0x4f: {  	[sflag:s28] =	ssyncset.done $0x0  }
0x50: {  	s12 =	rddreg [dreg:$0x8];
	[sflag:s28] =	ssyncadd.s32 $0xFFFFEC00  }
0x51: {  	[spmem:s12] =	stream.linear.scatter [tilespmem:s14], [sflag:$0xD], $0x1400, $0x38;
	[tilespmem:$0x1DC80] =	vst v63  }
0x52: {  	_ =	swait.ge [sflag:s28], $0x1400  }
0x53: {  	[sflag:s28] =	ssyncset.done $0x0  }
0x54: {  	s13 =	rddreg [dreg:$0x9];
	[sflag:s28] =	ssyncadd.s32 $0xFFFFEC00  }
0x55: {  	[spmem:s13] =	stream.linear.scatter [tilespmem:s14], [sflag:$0xD], $0x1400, $0x38;
	[tilespmem:$0x1DC80] =	vst v63  }
0x56: {  	_ =	swait.ge [sflag:s28], $0x1400  }
0x57: {  	[sflag:s28] =	ssyncset.done $0x0  }
0x58: {  	s25 =	rddreg [dreg:$0xa];
	[sflag:s28] =	ssyncadd.s32 $0xFFFFEC00  }
0x59: {  	[spmem:s25] =	stream.linear.scatter [tilespmem:s14], [sflag:$0xD], $0x1400, $0x38;
	[tilespmem:$0x1DC80] =	vst v63  }
0x5a: {  	_ =	swait.ge [sflag:s28], $0x1400  }
0x5b: {  	[sflag:s28] =	ssyncset.done $0x0  }
0x5c: {  	s12 =	rddreg [dreg:$0xb];
	[sflag:s28] =	ssyncadd.s32 $0xFFFFEC00  }
0x5d: {  	[spmem:s12] =	stream.linear.scatter [tilespmem:s14], [sflag:$0xD], $0x1400, $0x38;
	[tilespmem:$0x1DC80] =	vst v63  }
0x5e: {  	_ =	swait.ge [sflag:s28], $0x1400  }
0x5f: {  	[sflag:s28] =	ssyncset.done $0x0  }
0x60: {  	s13 =	rddreg [dreg:$0xc];
	[sflag:s28] =	ssyncadd.s32 $0xFFFFEC00  }
0x61: {  	[spmem:s13] =	stream.linear.scatter [tilespmem:s14], [sflag:$0xD], $0x1400, $0x38;
	[tilespmem:$0x1DC80] =	vst v63  }
0x62: {  	_ =	swait.ge [sflag:s28], $0x1400  }
0x63: {  	[sflag:s28] =	ssyncset.done $0x0  }
0x64: {  	s25 =	rddreg [dreg:$0xd];
	[sflag:s28] =	ssyncadd.s32 $0xFFFFEC00  }
0x65: {  	[spmem:s25] =	stream.linear.scatter [tilespmem:s14], [sflag:$0xD], $0x1400, $0x38;
	[tilespmem:$0x1DC80] =	vst v63  }
0x66: {  	_ =	swait.ge [sflag:s28], $0x1400  }
0x67: {  	[sflag:s28] =	ssyncset.done $0x0  }
0x68: {  	s12 =	rddreg [dreg:$0x17];
	[sflag:s28] =	ssyncadd.s32 $0xFFFFEC00  }
0x69: {  	[spmem:s12] =	stream.linear.scatter [tilespmem:s14], [sflag:$0xD], $0x1400, $0x38;
	[tilespmem:$0x1DC80] =	vst v63  }
0x6a: {  	_ =	swait.ge [sflag:s28], $0x1400  }
0x6b: {  	[sflag:s28] =	ssyncset.done $0x0  }
0x6c: {  	s13 =	rddreg [dreg:$0x18];
	[sflag:s28] =	ssyncadd.s32 $0xFFFFEC00  }
0x6d: {  	[spmem:s13] =	stream.linear.scatter [tilespmem:s14], [sflag:$0xD], $0x1400, $0x38;
	[tilespmem:$0x1DC80] =	vst v63  }
0x6e: {  	_ =	swait.ge [sflag:s28], $0x1400  }
0x6f: {  	[sflag:s28] =	ssyncset.done $0x0  }
0x70: {  	s25 =	rddreg [dreg:$0x19];
	[sflag:s28] =	ssyncadd.s32 $0xFFFFEC00  }
0x71: {  	[spmem:s25] =	stream.linear.scatter [tilespmem:s14], [sflag:$0xD], $0x1400, $0x38;
	[tilespmem:$0x1DC80] =	vst v63  }
0x72: {  	_ =	swait.ge [sflag:s28], $0x1400  }
0x73: {  	[sflag:s28] =	ssyncset.done $0x0  }
0x74: {  	s12 =	rddreg [dreg:$0x1a];
	[sflag:s28] =	ssyncadd.s32 $0xFFFFEC00  }
0x75: {  	[spmem:s12] =	stream.linear.scatter [tilespmem:s14], [sflag:$0xD], $0x1400, $0x38;
	[tilespmem:$0x1DC80] =	vst v63  }
0x76: {  	_ =	swait.ge [sflag:s28], $0x1400  }
0x77: {  	[sflag:s28] =	ssyncset.done $0x0  }
0x78: {  	s13 =	rddreg [dreg:$0x1b];
	[sflag:s28] =	ssyncadd.s32 $0xFFFFEC00  }
0x79: {  	[spmem:s13] =	stream.linear.scatter [tilespmem:s14], [sflag:$0xD], $0x1400, $0x38;
	[tilespmem:$0x1DC80] =	vst v63  }
0x7a: {  	_ =	swait.ge [sflag:s28], $0x1400  }
0x7b: {  	[sflag:s28] =	ssyncset.done $0x0  }
0x7c: {  	s25 =	rddreg [dreg:$0x1c];
	[sflag:s28] =	ssyncadd.s32 $0xFFFFEC00  }
0x7d: {  	[spmem:s25] =	stream.linear.scatter [tilespmem:s14], [sflag:$0xD], $0x1400, $0x38;
	[tilespmem:$0x1DC80] =	vst v63  }
0x7e: {  	_ =	swait.ge [sflag:s28], $0x1400  }
0x7f: {  	[sflag:s28] =	ssyncset.done $0x0  }
0x80: {  	s12 =	rddreg [dreg:$0x1d];
	[sflag:s28] =	ssyncadd.s32 $0xFFFFEC00  }
0x81: {  	[spmem:s12] =	stream.linear.scatter [tilespmem:s14], [sflag:$0xD], $0x1400, $0x38;
	[tilespmem:$0x1DC80] =	vst v63  }
0x82: {  	_ =	swait.ge [sflag:s28], $0x1400  }
0x83: {  	[sflag:s28] =	ssyncset.done $0x0  }
0x84: {  	s13 =	rddreg [dreg:$0x1e];
	[sflag:s28] =	ssyncadd.s32 $0xFFFFEC00  }
0x85: {  	[spmem:s13] =	stream.linear.scatter [tilespmem:s14], [sflag:$0xD], $0xC00, $0x38;
	[tilespmem:$0x1DC80] =	vst v63  }
0x86: {  	_ =	swait.ge [sflag:s28], $0xC00  }
0x87: {  	[sflag:s28] =	ssyncset.done $0x0  }
0x88: {  	s0 =	simm.s32 @!p0 $0x400;
	[sflag:s28] =	ssyncadd.s32 $0xFFFFF400  }
0x89: {  	[spmem:s26] =	stream.linear.scatter @!p0 [tilespmem:s0], [sflag:$0xD], $0x800, $0x38;
	[tilespmem:$0x1DC80] =	vst v63  }
0x8a: {  	s0 =	simm.s32 @!p0 $0xD  }
0x8b: {  	_ =	swait.ge @!p0 [sflag:s0], $0x800  }
0x8c: {  	[sflag:s0] =	ssyncset.done @!p0 $0x0  }
0x8d: {  	[sflag:s0] =	ssyncadd.s32 @!p0 $0xFFFFF800  }
0x8e: {  	[bflag:$0x0] =	sbarrier.arrive $0xFFFF  }
0x8f: {  	s12 =	simm.s32 $0x0;
	s25 =	rddreg [dreg:$0xe]  }
0x90: {  	[tilespmem:s12], [sflag:$0x1] =	stream.linear.gather [hbm4b:s25+s12], $0x28, $0x38;
	[tilespmem:$0x1DC80] =	vst v63  }
0x91: {  	s26 =	rddreg [dreg:$0xf]  }
0x92: {  	[tilespmem:s16], [sflag:$0x1] =	stream.linear.gather [hbm4b:s26+s12], $0x28, $0x38;
	[tilespmem:$0x1DC80] =	vst v63  }
0x93: {  	s28 =	rddreg [dreg:$0x10]  }
0x94: {  	[tilespmem:s14], [sflag:$0x5] =	stream.linear.gather [hbm4b:s28+s12], $0x1400, $0x38;
	[tilespmem:$0x1DC80] =	vst v63  }
0x95: {  	s13 =	rddreg [dreg:$0x12]  }
0x96: {  	[tilespmem:s17], [sflag:$0x2] =	stream.linear.gather [hbm4b:s13+s12], $0x28, $0x38;
	[tilespmem:$0x1DC80] =	vst v63  }
0x97: {  	s25 =	rddreg [dreg:$0x13]  }
0x98: {  	[tilespmem:s18], [sflag:$0x2] =	stream.linear.gather [hbm4b:s25+s12], $0x28, $0x38;
	[tilespmem:$0x1DC80] =	vst v63  }
0x99: {  	s26 =	rddreg [dreg:$0x14]  }
0x9a: {  	[tilespmem:s19], [sflag:$0x6] =	stream.linear.gather [hbm4b:s26+s12], $0x1400, $0x38;
	[tilespmem:$0x1DC80] =	vst v63  }
0x9b: {  	_ =	swait.ge [sflag:s20], $0x28  }
0x9c: {  	[sflag:s20] =	ssyncset.done $0x0  }
0x9d: {  	[sflag:s20] =	ssyncadd.s32 $0xFFFFFFD8  }
0x9e: {  	_ =	swait.ge [sflag:s20], $0x28  }
0x9f: {  	[sflag:s20] =	ssyncset.done $0x0  }
0xa0: {  	s28 =	simm.s32 $0x5400;
	[sflag:s20] =	ssyncadd.s32 $0xFFFFFFD8  }
0xa1: {  	[tilespmem:s28], [sflag:$0x5] =	stream.indirect.gather [hbm4b:s2+s21], $0x80, s12, s21, $0xb8;
	[tilespmem:$0x1DC80] =	vst v63  }
.LBB2_4:
0xa2: {  	_ =	swait.ge [sflag:s23], $0x28  }
0xa3: {  	[sflag:s23] =	ssyncset.done $0x0  }
0xa4: {  	[sflag:s23] =	ssyncadd.s32 $0xFFFFFFD8  }
0xa5: {  	_ =	swait.ge [sflag:s23], $0x28  }
0xa6: {  	p1 =	seq.s32 s12, $0x0;
	[sflag:s23] =	ssyncset.done $0x0  }
0xa7: {  	s0 =	simm.s32 $0x6800;
	s13 =	smul.u32 @!p1 $0xA0, s12;
	[sflag:s23] =	ssyncadd.s32 $0xFFFFFFD8  }
0xa8: {  	[tilespmem:s0], [sflag:$0x6] =	stream.indirect.gather [hbm4b:s2+s21], $0x80, s17, s21, $0xb8;
	[tilespmem:$0x1DC80] =	vst v63  }
0xa9: {  	s0 =	sadd.s32 @!p1 $0x50, s13  }
0xaa: {  	s25 =	simm.s32 @!p1 $0xB;
	s0 =	simm.s32 @p1 $0x50  }
0xab: {  	_ =	swait.ge @!p1 [sflag:s25], $0x1400;
	s0 =	sadd.s32 s8, s0  }
0xac: {  	[sflag:s25] =	ssyncset.done @!p1 $0x0;
	s26 =	sshrl.u32 s0, $0x3  }
0xad: {  	s28 =	simm.s32 $0x100;
	[sflag:s25] =	ssyncadd.s32 @!p1 $0xFFFFEC00;
	s25 =	sadd.s32 s7, s26  }
0xae: {  	[tilespmem:s28], [sflag:$0x3] =	stream.linear.gather [hbm4b:s25+s6], $0x28, $0x38;
	[tilespmem:$0x1DC80] =	vst v63  }
0xaf: {  	s0 =	sshll.u32 s0, $0x4;
	s25 =	sadd.s32 s3, s26;
	s26 =	simm.s32 $0x300  }
0xb0: {  	[tilespmem:s26], [sflag:$0x3] =	stream.linear.gather [hbm4b:s25+s6], $0x28, $0x38;
	[tilespmem:$0x1DC80] =	vst v63  }
0xb1: {  	s0 =	sadd.s32 s1, s0;
	s26 =	simm.s32 $0x2C00  }
0xb2: {  	[tilespmem:s26], [sflag:$0x7] =	stream.linear.gather [hbm4b:s0+s6], $0x1400, $0x38;
	[tilespmem:$0x1DC80] =	vst v63  }
0xb3: {  	_ =	swait.ge [sflag:s29], $0x1400  }
0xb4: {  	[sflag:s29] =	ssyncset.done $0x0  }
0xb5: {  	[sflag:s29] =	ssyncadd.s32 $0xFFFFEC00  }
0xb6: {  	_ =	swait.ge [sflag:s29], $0x1400  }
0xb7: {  	[sflag:s29] =	ssyncset.done $0x0  }
0xb8: {  	s25 =	simm.s32 $0x500;
	[sflag:s29] =	ssyncadd.s32 $0xFFFFEC00  }
0xb9: {  	s26 =	simm.s32 $0x5500;
	v1 =	vld [tilespmem:s25+$0x80]  }
0xba: {  	v2 =	vld [tilespmem:s26+$0x80]  }
0xbb: {  	v3 =	vld [tilespmem:s25+$0xFFFFFF80]  }
0xbc: {  	v4 =	vld [tilespmem:s26+$0xFFFFFF80]  }
0xbd: {  	v5 =	vld [tilespmem:s25+$0x0]  }
0xbe: {  	v6 =	vld [tilespmem:s26+$0x0]  }
0xbf: {  	v7 =	vld [tilespmem:s25+$0xFFFFFF00];
	v1 =	vmul.f32 v2, v1  }
0xc0: {  	v2 =	vld [tilespmem:s26+$0xFFFFFF00]  }
0xc1: {  	[tilespmem:s25+$0x80] =	vst v1;
	v1 =	vld [tilespmem:s25+$0x90]  }
0xc2: {  	v3 =	vmul.f32 v4, v3;
	v4 =	vld [tilespmem:s26+$0x90]  }
0xc3: {  	v8 =	vld [tilespmem:s25+$0xFFFFFF10]  }
0xc4: {  	[tilespmem:s25+$0xFFFFFF80] =	vst v3;
	v3 =	vmul.f32 v6, v5;
	v5 =	vld [tilespmem:s25+$0xFFFFFF90]  }
0xc5: {  	v6 =	vld [tilespmem:s26+$0xFFFFFF90];
	v2 =	vmul.f32 v2, v7  }
0xc6: {  	[tilespmem:s25+$0x0] =	vst v3;
	v3 =	vld [tilespmem:s25+$0x10]  }
0xc7: {  	v7 =	vld [tilespmem:s26+$0x10];
	[tilespmem:s25+$0xFFFFFF00] =	vst v2;
	v1 =	vmul.f32 v4, v1  }
0xc8: {  	v2 =	vld [tilespmem:s26+$0xFFFFFF10]  }
0xc9: {  	[tilespmem:s25+$0x90] =	vst v1;
	v1 =	vld [tilespmem:s25+$0xA0]  }
0xca: {  	v4 =	vmul.f32 v6, v5;
	v5 =	vld [tilespmem:s26+$0xA0]  }
0xcb: {  	v6 =	vld [tilespmem:s25+$0xFFFFFF20]  }
0xcc: {  	[tilespmem:s25+$0xFFFFFF90] =	vst v4;
	v3 =	vmul.f32 v7, v3;
	v4 =	vld [tilespmem:s25+$0xFFFFFFA0]  }
0xcd: {  	v7 =	vld [tilespmem:s26+$0xFFFFFFA0];
	v2 =	vmul.f32 v2, v8  }
0xce: {  	[tilespmem:s25+$0x10] =	vst v3;
	v3 =	vld [tilespmem:s25+$0x20]  }
0xcf: {  	v8 =	vld [tilespmem:s26+$0x20];
	[tilespmem:s25+$0xFFFFFF10] =	vst v2;
	v1 =	vmul.f32 v5, v1  }
0xd0: {  	v2 =	vld [tilespmem:s26+$0xFFFFFF20]  }
0xd1: {  	[tilespmem:s25+$0xA0] =	vst v1;
	v1 =	vld [tilespmem:s25+$0xB0]  }
0xd2: {  	v4 =	vmul.f32 v7, v4;
	v5 =	vld [tilespmem:s26+$0xB0]  }
0xd3: {  	v7 =	vld [tilespmem:s25+$0xFFFFFF30]  }
0xd4: {  	[tilespmem:s25+$0xFFFFFFA0] =	vst v4;
	v3 =	vmul.f32 v8, v3;
	v4 =	vld [tilespmem:s25+$0xFFFFFFB0]  }
0xd5: {  	v8 =	vld [tilespmem:s26+$0xFFFFFFB0];
	v2 =	vmul.f32 v2, v6  }
0xd6: {  	[tilespmem:s25+$0x20] =	vst v3;
	v3 =	vld [tilespmem:s25+$0x30]  }
0xd7: {  	v6 =	vld [tilespmem:s26+$0x30];
	[tilespmem:s25+$0xFFFFFF20] =	vst v2;
	v1 =	vmul.f32 v5, v1  }
0xd8: {  	v2 =	vld [tilespmem:s26+$0xFFFFFF30]  }
0xd9: {  	[tilespmem:s25+$0xB0] =	vst v1;
	v1 =	vld [tilespmem:s25+$0xC0]  }
0xda: {  	v4 =	vmul.f32 v8, v4;
	v5 =	vld [tilespmem:s26+$0xC0]  }
0xdb: {  	v8 =	vld [tilespmem:s25+$0xFFFFFF40]  }
0xdc: {  	[tilespmem:s25+$0xFFFFFFB0] =	vst v4;
	v3 =	vmul.f32 v6, v3;
	v4 =	vld [tilespmem:s25+$0xFFFFFFC0]  }
0xdd: {  	v6 =	vld [tilespmem:s26+$0xFFFFFFC0];
	v2 =	vmul.f32 v2, v7  }
0xde: {  	[tilespmem:s25+$0x30] =	vst v3;
	v3 =	vld [tilespmem:s25+$0x40]  }
0xdf: {  	v7 =	vld [tilespmem:s26+$0x40];
	[tilespmem:s25+$0xFFFFFF30] =	vst v2;
	v1 =	vmul.f32 v5, v1  }
0xe0: {  	v2 =	vld [tilespmem:s26+$0xFFFFFF40]  }
0xe1: {  	[tilespmem:s25+$0xC0] =	vst v1;
	v1 =	vld [tilespmem:s25+$0xD0]  }
0xe2: {  	v4 =	vmul.f32 v6, v4;
	v5 =	vld [tilespmem:s26+$0xD0]  }
0xe3: {  	v6 =	vld [tilespmem:s25+$0xFFFFFF50]  }
0xe4: {  	[tilespmem:s25+$0xFFFFFFC0] =	vst v4;
	v3 =	vmul.f32 v7, v3;
	v4 =	vld [tilespmem:s25+$0xFFFFFFD0]  }
0xe5: {  	v7 =	vld [tilespmem:s26+$0xFFFFFFD0];
	v2 =	vmul.f32 v2, v8  }
0xe6: {  	[tilespmem:s25+$0x40] =	vst v3;
	v3 =	vld [tilespmem:s25+$0x50]  }
0xe7: {  	v8 =	vld [tilespmem:s26+$0x50];
	[tilespmem:s25+$0xFFFFFF40] =	vst v2;
	v1 =	vmul.f32 v5, v1  }
0xe8: {  	v2 =	vld [tilespmem:s26+$0xFFFFFF50]  }
0xe9: {  	[tilespmem:s25+$0xD0] =	vst v1;
	v1 =	vld [tilespmem:s25+$0xE0]  }
0xea: {  	v4 =	vmul.f32 v7, v4;
	v5 =	vld [tilespmem:s26+$0xE0]  }
0xeb: {  	v7 =	vld [tilespmem:s25+$0xFFFFFF60]  }
0xec: {  	[tilespmem:s25+$0xFFFFFFD0] =	vst v4;
	v3 =	vmul.f32 v8, v3;
	v4 =	vld [tilespmem:s25+$0xFFFFFFE0]  }
0xed: {  	v8 =	vld [tilespmem:s26+$0xFFFFFFE0];
	v2 =	vmul.f32 v2, v6  }
0xee: {  	[tilespmem:s25+$0x50] =	vst v3;
	v3 =	vld [tilespmem:s25+$0x60]  }
0xef: {  	v6 =	vld [tilespmem:s26+$0x60];
	[tilespmem:s25+$0xFFFFFF50] =	vst v2;
	v1 =	vmul.f32 v5, v1  }
0xf0: {  	v5 =	vld [tilespmem:s26+$0xFFFFFF60]  }
0xf1: {  	v9 =	vld [tilespmem:s25+$0xF0];
	[tilespmem:s25+$0xE0] =	vst v1  }
0xf2: {  	v2 =	vmul.f32 v8, v4;
	v8 =	vld [tilespmem:s26+$0xF0]  }
0xf3: {  	v1 =	vld [tilespmem:s25+$0xFFFFFF70]  }
0xf4: {  	[tilespmem:s25+$0xFFFFFFE0] =	vst v2;
	v3 =	vmul.f32 v6, v3;
	v2 =	vld [tilespmem:s25+$0xFFFFFFF0]  }
0xf5: {  	v4 =	vld [tilespmem:s26+$0xFFFFFFF0];
	v5 =	vmul.f32 v5, v7  }
0xf6: {  	[tilespmem:s25+$0x60] =	vst v3;
	v3 =	vld [tilespmem:s25+$0x70]  }
0xf7: {  	[tilespmem:s25+$0xFFFFFF60] =	vst v5;
	v5 =	vld [tilespmem:s26+$0x70];
	v7 =	vmul.f32 v8, v9  }
0xf8: {  	s28 =	simm.s32 $0x0;
	s0 =	simm.s32 $0x700;
	v6 =	vld [tilespmem:s26+$0xFFFFFF70]  }
.LBB2_5:
0xf9: {  	v8 =	vld [tilespmem:s0+$0x80];
	[tilespmem:s25+$0xF0] =	vst v7;
	s26 =	sadd.s32 $0x200, s26  }
0xfa: {  	s28 =	sadd.s32 $0x4, s28;
	v7 =	vld [tilespmem:s26+$0x80];
	v2 =	vmul.f32 v4, v2  }
0xfb: {  	p2 =	slt.u32 s28, $0x24;
	v4 =	vld [tilespmem:s26+$0xFFFFFF00]  }
0xfc: {  	v9 =	vld [tilespmem:s0+$0xFFFFFF80];
	[tilespmem:s25+$0xFFFFFFF0] =	vst v2;
	v2 =	vmul.f32 v5, v3  }
0xfd: {  	v3 =	vld [tilespmem:s26+$0xFFFFFF80];
	v1 =	vmul.f32 v6, v1  }
0xfe: {  	v5 =	vld [tilespmem:s0+$0x0];
	[tilespmem:s25+$0x70] =	vst v2  }
0xff: {  	v2 =	vld [tilespmem:s26+$0x0];
	v6 =	vmul.f32 v7, v8;
	[tilespmem:s25+$0xFFFFFF70] =	vst v1;
	s25 =	smov.u32 s0  }
0x100: {  	v1 =	vld [tilespmem:s0+$0xFFFFFF00]  }
0x101: {  	[tilespmem:s0+$0x80] =	vst v6;
	v6 =	vld [tilespmem:s0+$0x90]  }
0x102: {  	v3 =	vmul.f32 v3, v9;
	v7 =	vld [tilespmem:s26+$0x90]  }
0x103: {  	v8 =	vld [tilespmem:s0+$0xFFFFFF10]  }
0x104: {  	[tilespmem:s0+$0xFFFFFF80] =	vst v3;
	v3 =	vld [tilespmem:s0+$0xFFFFFF90];
	v2 =	vmul.f32 v2, v5  }
0x105: {  	v1 =	vmul.f32 v4, v1;
	v4 =	vld [tilespmem:s26+$0xFFFFFF90]  }
0x106: {  	[tilespmem:s0+$0x0] =	vst v2;
	v2 =	vld [tilespmem:s0+$0x10]  }
0x107: {  	[tilespmem:s0+$0xFFFFFF00] =	vst v1;
	v1 =	vld [tilespmem:s26+$0x10];
	v5 =	vmul.f32 v7, v6  }
0x108: {  	v6 =	vld [tilespmem:s26+$0xFFFFFF10]  }
0x109: {  	[tilespmem:s0+$0x90] =	vst v5;
	v5 =	vld [tilespmem:s0+$0xA0]  }
0x10a: {  	v3 =	vmul.f32 v4, v3;
	v4 =	vld [tilespmem:s26+$0xA0]  }
0x10b: {  	v7 =	vld [tilespmem:s0+$0xFFFFFF20]  }
0x10c: {  	[tilespmem:s0+$0xFFFFFF90] =	vst v3;
	v3 =	vld [tilespmem:s0+$0xFFFFFFA0];
	v1 =	vmul.f32 v1, v2  }
0x10d: {  	v2 =	vmul.f32 v6, v8;
	v6 =	vld [tilespmem:s26+$0xFFFFFFA0]  }
0x10e: {  	[tilespmem:s0+$0x10] =	vst v1;
	v1 =	vld [tilespmem:s0+$0x20]  }
0x10f: {  	[tilespmem:s0+$0xFFFFFF10] =	vst v2;
	v2 =	vld [tilespmem:s26+$0x20];
	v4 =	vmul.f32 v4, v5  }
0x110: {  	v5 =	vld [tilespmem:s26+$0xFFFFFF20]  }
0x111: {  	[tilespmem:s0+$0xA0] =	vst v4;
	v4 =	vld [tilespmem:s0+$0xB0]  }
0x112: {  	v3 =	vmul.f32 v6, v3;
	v6 =	vld [tilespmem:s26+$0xB0]  }
0x113: {  	v8 =	vld [tilespmem:s0+$0xFFFFFF30]  }
0x114: {  	[tilespmem:s0+$0xFFFFFFA0] =	vst v3;
	v3 =	vld [tilespmem:s0+$0xFFFFFFB0];
	v1 =	vmul.f32 v2, v1  }
0x115: {  	v2 =	vmul.f32 v5, v7;
	v5 =	vld [tilespmem:s26+$0xFFFFFFB0]  }
0x116: {  	[tilespmem:s0+$0x20] =	vst v1;
	v1 =	vld [tilespmem:s0+$0x30]  }
0x117: {  	[tilespmem:s0+$0xFFFFFF20] =	vst v2;
	v2 =	vld [tilespmem:s26+$0x30];
	v4 =	vmul.f32 v6, v4  }
0x118: {  	v6 =	vld [tilespmem:s26+$0xFFFFFF30]  }
0x119: {  	[tilespmem:s0+$0xB0] =	vst v4;
	v4 =	vld [tilespmem:s0+$0xC0]  }
0x11a: {  	v3 =	vmul.f32 v5, v3;
	v5 =	vld [tilespmem:s26+$0xC0]  }
0x11b: {  	v7 =	vld [tilespmem:s0+$0xFFFFFF40]  }
0x11c: {  	[tilespmem:s0+$0xFFFFFFB0] =	vst v3;
	v3 =	vld [tilespmem:s0+$0xFFFFFFC0];
	v1 =	vmul.f32 v2, v1  }
0x11d: {  	v2 =	vmul.f32 v6, v8;
	v6 =	vld [tilespmem:s26+$0xFFFFFFC0]  }
0x11e: {  	[tilespmem:s0+$0x30] =	vst v1;
	v1 =	vld [tilespmem:s0+$0x40]  }
0x11f: {  	[tilespmem:s0+$0xFFFFFF30] =	vst v2;
	v2 =	vld [tilespmem:s26+$0x40];
	v4 =	vmul.f32 v5, v4  }
0x120: {  	v5 =	vld [tilespmem:s26+$0xFFFFFF40]  }
0x121: {  	[tilespmem:s0+$0xC0] =	vst v4;
	v4 =	vld [tilespmem:s0+$0xD0]  }
0x122: {  	v3 =	vmul.f32 v6, v3;
	v6 =	vld [tilespmem:s26+$0xD0]  }
0x123: {  	v8 =	vld [tilespmem:s0+$0xFFFFFF50]  }
0x124: {  	[tilespmem:s0+$0xFFFFFFC0] =	vst v3;
	v3 =	vld [tilespmem:s0+$0xFFFFFFD0];
	v1 =	vmul.f32 v2, v1  }
0x125: {  	v2 =	vmul.f32 v5, v7;
	v5 =	vld [tilespmem:s26+$0xFFFFFFD0]  }
0x126: {  	[tilespmem:s0+$0x40] =	vst v1;
	v1 =	vld [tilespmem:s0+$0x50]  }
0x127: {  	[tilespmem:s0+$0xFFFFFF40] =	vst v2;
	v2 =	vld [tilespmem:s26+$0x50];
	v4 =	vmul.f32 v6, v4  }
0x128: {  	v6 =	vld [tilespmem:s26+$0xFFFFFF50]  }
0x129: {  	[tilespmem:s0+$0xD0] =	vst v4;
	v4 =	vld [tilespmem:s0+$0xE0]  }
0x12a: {  	v3 =	vmul.f32 v5, v3;
	v5 =	vld [tilespmem:s26+$0xE0]  }
0x12b: {  	v7 =	vld [tilespmem:s0+$0xFFFFFF60]  }
0x12c: {  	[tilespmem:s0+$0xFFFFFFD0] =	vst v3;
	v3 =	vld [tilespmem:s0+$0xFFFFFFE0];
	v1 =	vmul.f32 v2, v1  }
0x12d: {  	v2 =	vmul.f32 v6, v8;
	v6 =	vld [tilespmem:s26+$0xFFFFFFE0]  }
0x12e: {  	[tilespmem:s0+$0x50] =	vst v1;
	v8 =	vld [tilespmem:s0+$0x60]  }
0x12f: {  	[tilespmem:s0+$0xFFFFFF50] =	vst v2;
	v9 =	vld [tilespmem:s26+$0x60];
	v1 =	vmul.f32 v5, v4  }
0x130: {  	v4 =	vld [tilespmem:s26+$0xFFFFFF60]  }
0x131: {  	[tilespmem:s0+$0xE0] =	vst v1;
	v10 =	vld [tilespmem:s0+$0xF0]  }
0x132: {  	v2 =	vmul.f32 v6, v3;
	v6 =	vld [tilespmem:s26+$0xF0]  }
0x133: {  	v1 =	vld [tilespmem:s0+$0xFFFFFF70]  }
.Ltmp1:
0x134: {  	[tilespmem:s0+$0xFFFFFFE0] =	vst v2;
	v2 =	vld [tilespmem:s0+$0xFFFFFFF0];
	v3 =	vmul.f32 v9, v8;
	(pc) =	sbr.rel @p2 .LBB2_5-.Ltmp1, $4  }
0x135: {  	v5 =	vmul.f32 v4, v7;
	v4 =	vld [tilespmem:s26+$0xFFFFFFF0]  }
0x136: {  	[tilespmem:s0+$0x60] =	vst v3;
	v3 =	vld [tilespmem:s0+$0x70]  }
0x137: {  	[tilespmem:s0+$0xFFFFFF60] =	vst v5;
	v5 =	vld [tilespmem:s26+$0x70];
	v7 =	vmul.f32 v6, v10  }
0x138: {  	s0 =	sadd.s32 $0x200, s0;
	v6 =	vld [tilespmem:s26+$0xFFFFFF70]  }
0x139: {  	_ =	sdelay $0x1  }
0x13a: {  	v2 =	vmul.f32 v4, v2  }
0x13b: {  	[tilespmem:s25+$0xF0] =	vst v7;
	v3 =	vmul.f32 v5, v3  }
0x13c: {  	[tilespmem:s25+$0xFFFFFFF0] =	vst v2;
	v1 =	vmul.f32 v6, v1  }
0x13d: {  	[tilespmem:s25+$0x70] =	vst v3  }
0x13e: {  	[tilespmem:s25+$0xFFFFFF70] =	vst v1  }
0x13f: {  	[spmem:s4] =	stream.indirect.scatter.add.f32 [tilespmem:s14], [sflag:$0x9], $0x80, s16, s21, $0xb8;
	[tilespmem:$0x1DC80] =	vst v63  }
0x140: {  	_ =	swait.ge [sflag:s30], $0x28  }
0x141: {  	[sflag:s30] =	ssyncset.done $0x0  }
0x142: {  	[sflag:s30] =	ssyncadd.s32 $0xFFFFFFD8  }
0x143: {  	_ =	swait.ge [sflag:s30], $0x28  }
0x144: {  	[sflag:s30] =	ssyncset.done $0x0  }
0x145: {  	s0 =	simm.s32 $0x100;
	s26 =	simm.s32 $0x7C00;
	[sflag:s30] =	ssyncadd.s32 $0xFFFFFFD8  }
0x146: {  	[tilespmem:s26], [sflag:$0x7] =	stream.indirect.gather [hbm4b:s2+s21], $0x80, s0, s21, $0xb8;
	[tilespmem:$0x1DC80] =	vst v63  }
0x147: {  	s0 =	sadd.s32 @!p1 $0x78, s13  }
0x148: {  	s13 =	simm.s32 @!p1 $0xC;
	s0 =	simm.s32 @p1 $0x78  }
0x149: {  	_ =	swait.ge @!p1 [sflag:s13], $0x1400;
	s0 =	sadd.s32 s8, s0  }
0x14a: {  	[sflag:s13] =	ssyncset.done @!p1 $0x0;
	s25 =	sshrl.u32 s0, $0x3  }
0x14b: {  	s26 =	simm.s32 $0x180;
	[sflag:s13] =	ssyncadd.s32 @!p1 $0xFFFFEC00;
	s28 =	sadd.s32 s7, s25  }
0x14c: {  	[tilespmem:s26], [sflag:$0x4] =	stream.linear.gather [hbm4b:s28+s6], $0x28, $0x38;
	[tilespmem:$0x1DC80] =	vst v63  }
0x14d: {  	s0 =	sshll.u32 s0, $0x4;
	s28 =	sadd.s32 s3, s25  }
0x14e: {  	[tilespmem:s5], [sflag:$0x4] =	stream.linear.gather [hbm4b:s28+s6], $0x28, $0x38;
	[tilespmem:$0x1DC80] =	vst v63  }
0x14f: {  	s0 =	sadd.s32 s1, s0  }
0x150: {  	[tilespmem:s10], [sflag:$0x8] =	stream.linear.gather [hbm4b:s0+s6], $0x1400, $0x38;
	[tilespmem:$0x1DC80] =	vst v63  }
0x151: {  	_ =	swait.ge [sflag:s11], $0x1400  }
0x152: {  	[sflag:s11] =	ssyncset.done $0x0  }
0x153: {  	[sflag:s11] =	ssyncadd.s32 $0xFFFFEC00  }
0x154: {  	_ =	swait.ge [sflag:s11], $0x1400  }
0x155: {  	[sflag:s11] =	ssyncset.done $0x0  }
0x156: {  	s13 =	simm.s32 $0x1900;
	[sflag:s11] =	ssyncadd.s32 $0xFFFFEC00  }
0x157: {  	s25 =	simm.s32 $0x6900;
	v1 =	vld [tilespmem:s13+$0x80]  }
0x158: {  	v2 =	vld [tilespmem:s25+$0x80]  }
0x159: {  	v3 =	vld [tilespmem:s13+$0xFFFFFF80]  }
0x15a: {  	v4 =	vld [tilespmem:s25+$0xFFFFFF80]  }
0x15b: {  	v5 =	vld [tilespmem:s13+$0x0]  }
0x15c: {  	v6 =	vld [tilespmem:s25+$0x0]  }
0x15d: {  	v7 =	vld [tilespmem:s13+$0xFFFFFF00];
	v1 =	vmul.f32 v2, v1  }
0x15e: {  	v2 =	vld [tilespmem:s25+$0xFFFFFF00]  }
0x15f: {  	[tilespmem:s13+$0x80] =	vst v1;
	v1 =	vld [tilespmem:s13+$0x90]  }
0x160: {  	v3 =	vmul.f32 v4, v3;
	v4 =	vld [tilespmem:s25+$0x90]  }
0x161: {  	v8 =	vld [tilespmem:s13+$0xFFFFFF10]  }
0x162: {  	[tilespmem:s13+$0xFFFFFF80] =	vst v3;
	v3 =	vmul.f32 v6, v5;
	v5 =	vld [tilespmem:s13+$0xFFFFFF90]  }
0x163: {  	v6 =	vld [tilespmem:s25+$0xFFFFFF90];
	v2 =	vmul.f32 v2, v7  }
0x164: {  	[tilespmem:s13+$0x0] =	vst v3;
	v3 =	vld [tilespmem:s13+$0x10]  }
0x165: {  	v7 =	vld [tilespmem:s25+$0x10];
	[tilespmem:s13+$0xFFFFFF00] =	vst v2;
	v1 =	vmul.f32 v4, v1  }
0x166: {  	v2 =	vld [tilespmem:s25+$0xFFFFFF10]  }
0x167: {  	[tilespmem:s13+$0x90] =	vst v1;
	v1 =	vld [tilespmem:s13+$0xA0]  }
0x168: {  	v4 =	vmul.f32 v6, v5;
	v5 =	vld [tilespmem:s25+$0xA0]  }
0x169: {  	v6 =	vld [tilespmem:s13+$0xFFFFFF20]  }
0x16a: {  	[tilespmem:s13+$0xFFFFFF90] =	vst v4;
	v3 =	vmul.f32 v7, v3;
	v4 =	vld [tilespmem:s13+$0xFFFFFFA0]  }
0x16b: {  	v7 =	vld [tilespmem:s25+$0xFFFFFFA0];
	v2 =	vmul.f32 v2, v8  }
0x16c: {  	[tilespmem:s13+$0x10] =	vst v3;
	v3 =	vld [tilespmem:s13+$0x20]  }
0x16d: {  	v8 =	vld [tilespmem:s25+$0x20];
	[tilespmem:s13+$0xFFFFFF10] =	vst v2;
	v1 =	vmul.f32 v5, v1  }
0x16e: {  	v2 =	vld [tilespmem:s25+$0xFFFFFF20]  }
0x16f: {  	[tilespmem:s13+$0xA0] =	vst v1;
	v1 =	vld [tilespmem:s13+$0xB0]  }
0x170: {  	v4 =	vmul.f32 v7, v4;
	v5 =	vld [tilespmem:s25+$0xB0]  }
0x171: {  	v7 =	vld [tilespmem:s13+$0xFFFFFF30]  }
0x172: {  	[tilespmem:s13+$0xFFFFFFA0] =	vst v4;
	v3 =	vmul.f32 v8, v3;
	v4 =	vld [tilespmem:s13+$0xFFFFFFB0]  }
0x173: {  	v8 =	vld [tilespmem:s25+$0xFFFFFFB0];
	v2 =	vmul.f32 v2, v6  }
0x174: {  	[tilespmem:s13+$0x20] =	vst v3;
	v3 =	vld [tilespmem:s13+$0x30]  }
0x175: {  	v6 =	vld [tilespmem:s25+$0x30];
	[tilespmem:s13+$0xFFFFFF20] =	vst v2;
	v1 =	vmul.f32 v5, v1  }
0x176: {  	v2 =	vld [tilespmem:s25+$0xFFFFFF30]  }
0x177: {  	[tilespmem:s13+$0xB0] =	vst v1;
	v1 =	vld [tilespmem:s13+$0xC0]  }
0x178: {  	v4 =	vmul.f32 v8, v4;
	v5 =	vld [tilespmem:s25+$0xC0]  }
0x179: {  	v8 =	vld [tilespmem:s13+$0xFFFFFF40]  }
0x17a: {  	[tilespmem:s13+$0xFFFFFFB0] =	vst v4;
	v3 =	vmul.f32 v6, v3;
	v4 =	vld [tilespmem:s13+$0xFFFFFFC0]  }
0x17b: {  	v6 =	vld [tilespmem:s25+$0xFFFFFFC0];
	v2 =	vmul.f32 v2, v7  }
0x17c: {  	[tilespmem:s13+$0x30] =	vst v3;
	v3 =	vld [tilespmem:s13+$0x40]  }
0x17d: {  	v7 =	vld [tilespmem:s25+$0x40];
	[tilespmem:s13+$0xFFFFFF30] =	vst v2;
	v1 =	vmul.f32 v5, v1  }
0x17e: {  	v2 =	vld [tilespmem:s25+$0xFFFFFF40]  }
0x17f: {  	[tilespmem:s13+$0xC0] =	vst v1;
	v1 =	vld [tilespmem:s13+$0xD0]  }
0x180: {  	v4 =	vmul.f32 v6, v4;
	v5 =	vld [tilespmem:s25+$0xD0]  }
0x181: {  	v6 =	vld [tilespmem:s13+$0xFFFFFF50]  }
0x182: {  	[tilespmem:s13+$0xFFFFFFC0] =	vst v4;
	v3 =	vmul.f32 v7, v3;
	v4 =	vld [tilespmem:s13+$0xFFFFFFD0]  }
0x183: {  	v7 =	vld [tilespmem:s25+$0xFFFFFFD0];
	v2 =	vmul.f32 v2, v8  }
0x184: {  	[tilespmem:s13+$0x40] =	vst v3;
	v3 =	vld [tilespmem:s13+$0x50]  }
0x185: {  	v8 =	vld [tilespmem:s25+$0x50];
	[tilespmem:s13+$0xFFFFFF40] =	vst v2;
	v1 =	vmul.f32 v5, v1  }
0x186: {  	v2 =	vld [tilespmem:s25+$0xFFFFFF50]  }
0x187: {  	[tilespmem:s13+$0xD0] =	vst v1;
	v1 =	vld [tilespmem:s13+$0xE0]  }
0x188: {  	v4 =	vmul.f32 v7, v4;
	v5 =	vld [tilespmem:s25+$0xE0]  }
0x189: {  	v7 =	vld [tilespmem:s13+$0xFFFFFF60]  }
0x18a: {  	[tilespmem:s13+$0xFFFFFFD0] =	vst v4;
	v3 =	vmul.f32 v8, v3;
	v4 =	vld [tilespmem:s13+$0xFFFFFFE0]  }
0x18b: {  	v8 =	vld [tilespmem:s25+$0xFFFFFFE0];
	v2 =	vmul.f32 v2, v6  }
0x18c: {  	[tilespmem:s13+$0x50] =	vst v3;
	v3 =	vld [tilespmem:s13+$0x60]  }
0x18d: {  	v6 =	vld [tilespmem:s25+$0x60];
	[tilespmem:s13+$0xFFFFFF50] =	vst v2;
	v1 =	vmul.f32 v5, v1  }
0x18e: {  	v5 =	vld [tilespmem:s25+$0xFFFFFF60]  }
0x18f: {  	v9 =	vld [tilespmem:s13+$0xF0];
	[tilespmem:s13+$0xE0] =	vst v1  }
0x190: {  	v2 =	vmul.f32 v8, v4;
	v8 =	vld [tilespmem:s25+$0xF0]  }
0x191: {  	v1 =	vld [tilespmem:s13+$0xFFFFFF70]  }
0x192: {  	[tilespmem:s13+$0xFFFFFFE0] =	vst v2;
	v3 =	vmul.f32 v6, v3;
	v2 =	vld [tilespmem:s13+$0xFFFFFFF0]  }
0x193: {  	v4 =	vld [tilespmem:s25+$0xFFFFFFF0];
	v5 =	vmul.f32 v5, v7  }
0x194: {  	[tilespmem:s13+$0x60] =	vst v3;
	v3 =	vld [tilespmem:s13+$0x70]  }
0x195: {  	[tilespmem:s13+$0xFFFFFF60] =	vst v5;
	v5 =	vld [tilespmem:s25+$0x70];
	v7 =	vmul.f32 v8, v9  }
0x196: {  	s26 =	simm.s32 $0x0;
	s0 =	simm.s32 $0x1B00;
	v6 =	vld [tilespmem:s25+$0xFFFFFF70]  }
.LBB2_7:
0x197: {  	v8 =	vld [tilespmem:s0+$0x80];
	[tilespmem:s13+$0xF0] =	vst v7;
	s25 =	sadd.s32 $0x200, s25  }
0x198: {  	s26 =	sadd.s32 $0x4, s26;
	v7 =	vld [tilespmem:s25+$0x80];
	v2 =	vmul.f32 v4, v2  }
0x199: {  	p1 =	slt.u32 s26, $0x24;
	v4 =	vld [tilespmem:s25+$0xFFFFFF00]  }
0x19a: {  	v9 =	vld [tilespmem:s0+$0xFFFFFF80];
	[tilespmem:s13+$0xFFFFFFF0] =	vst v2;
	v2 =	vmul.f32 v5, v3  }
0x19b: {  	v3 =	vld [tilespmem:s25+$0xFFFFFF80];
	v1 =	vmul.f32 v6, v1  }
0x19c: {  	v5 =	vld [tilespmem:s0+$0x0];
	[tilespmem:s13+$0x70] =	vst v2  }
0x19d: {  	v2 =	vld [tilespmem:s25+$0x0];
	v6 =	vmul.f32 v7, v8;
	[tilespmem:s13+$0xFFFFFF70] =	vst v1;
	s13 =	smov.u32 s0  }
0x19e: {  	v1 =	vld [tilespmem:s0+$0xFFFFFF00]  }
0x19f: {  	[tilespmem:s0+$0x80] =	vst v6;
	v6 =	vld [tilespmem:s0+$0x90]  }
0x1a0: {  	v3 =	vmul.f32 v3, v9;
	v7 =	vld [tilespmem:s25+$0x90]  }
0x1a1: {  	v8 =	vld [tilespmem:s0+$0xFFFFFF10]  }
0x1a2: {  	[tilespmem:s0+$0xFFFFFF80] =	vst v3;
	v3 =	vld [tilespmem:s0+$0xFFFFFF90];
	v2 =	vmul.f32 v2, v5  }
0x1a3: {  	v1 =	vmul.f32 v4, v1;
	v4 =	vld [tilespmem:s25+$0xFFFFFF90]  }
0x1a4: {  	[tilespmem:s0+$0x0] =	vst v2;
	v2 =	vld [tilespmem:s0+$0x10]  }
0x1a5: {  	[tilespmem:s0+$0xFFFFFF00] =	vst v1;
	v1 =	vld [tilespmem:s25+$0x10];
	v5 =	vmul.f32 v7, v6  }
0x1a6: {  	v6 =	vld [tilespmem:s25+$0xFFFFFF10]  }
0x1a7: {  	[tilespmem:s0+$0x90] =	vst v5;
	v5 =	vld [tilespmem:s0+$0xA0]  }
0x1a8: {  	v3 =	vmul.f32 v4, v3;
	v4 =	vld [tilespmem:s25+$0xA0]  }
0x1a9: {  	v7 =	vld [tilespmem:s0+$0xFFFFFF20]  }
0x1aa: {  	[tilespmem:s0+$0xFFFFFF90] =	vst v3;
	v3 =	vld [tilespmem:s0+$0xFFFFFFA0];
	v1 =	vmul.f32 v1, v2  }
0x1ab: {  	v2 =	vmul.f32 v6, v8;
	v6 =	vld [tilespmem:s25+$0xFFFFFFA0]  }
0x1ac: {  	[tilespmem:s0+$0x10] =	vst v1;
	v1 =	vld [tilespmem:s0+$0x20]  }
0x1ad: {  	[tilespmem:s0+$0xFFFFFF10] =	vst v2;
	v2 =	vld [tilespmem:s25+$0x20];
	v4 =	vmul.f32 v4, v5  }
0x1ae: {  	v5 =	vld [tilespmem:s25+$0xFFFFFF20]  }
0x1af: {  	[tilespmem:s0+$0xA0] =	vst v4;
	v4 =	vld [tilespmem:s0+$0xB0]  }
0x1b0: {  	v3 =	vmul.f32 v6, v3;
	v6 =	vld [tilespmem:s25+$0xB0]  }
0x1b1: {  	v8 =	vld [tilespmem:s0+$0xFFFFFF30]  }
0x1b2: {  	[tilespmem:s0+$0xFFFFFFA0] =	vst v3;
	v3 =	vld [tilespmem:s0+$0xFFFFFFB0];
	v1 =	vmul.f32 v2, v1  }
0x1b3: {  	v2 =	vmul.f32 v5, v7;
	v5 =	vld [tilespmem:s25+$0xFFFFFFB0]  }
0x1b4: {  	[tilespmem:s0+$0x20] =	vst v1;
	v1 =	vld [tilespmem:s0+$0x30]  }
0x1b5: {  	[tilespmem:s0+$0xFFFFFF20] =	vst v2;
	v2 =	vld [tilespmem:s25+$0x30];
	v4 =	vmul.f32 v6, v4  }
0x1b6: {  	v6 =	vld [tilespmem:s25+$0xFFFFFF30]  }
0x1b7: {  	[tilespmem:s0+$0xB0] =	vst v4;
	v4 =	vld [tilespmem:s0+$0xC0]  }
0x1b8: {  	v3 =	vmul.f32 v5, v3;
	v5 =	vld [tilespmem:s25+$0xC0]  }
0x1b9: {  	v7 =	vld [tilespmem:s0+$0xFFFFFF40]  }
0x1ba: {  	[tilespmem:s0+$0xFFFFFFB0] =	vst v3;
	v3 =	vld [tilespmem:s0+$0xFFFFFFC0];
	v1 =	vmul.f32 v2, v1  }
0x1bb: {  	v2 =	vmul.f32 v6, v8;
	v6 =	vld [tilespmem:s25+$0xFFFFFFC0]  }
0x1bc: {  	[tilespmem:s0+$0x30] =	vst v1;
	v1 =	vld [tilespmem:s0+$0x40]  }
0x1bd: {  	[tilespmem:s0+$0xFFFFFF30] =	vst v2;
	v2 =	vld [tilespmem:s25+$0x40];
	v4 =	vmul.f32 v5, v4  }
0x1be: {  	v5 =	vld [tilespmem:s25+$0xFFFFFF40]  }
0x1bf: {  	[tilespmem:s0+$0xC0] =	vst v4;
	v4 =	vld [tilespmem:s0+$0xD0]  }
0x1c0: {  	v3 =	vmul.f32 v6, v3;
	v6 =	vld [tilespmem:s25+$0xD0]  }
0x1c1: {  	v8 =	vld [tilespmem:s0+$0xFFFFFF50]  }
0x1c2: {  	[tilespmem:s0+$0xFFFFFFC0] =	vst v3;
	v3 =	vld [tilespmem:s0+$0xFFFFFFD0];
	v1 =	vmul.f32 v2, v1  }
0x1c3: {  	v2 =	vmul.f32 v5, v7;
	v5 =	vld [tilespmem:s25+$0xFFFFFFD0]  }
0x1c4: {  	[tilespmem:s0+$0x40] =	vst v1;
	v1 =	vld [tilespmem:s0+$0x50]  }
0x1c5: {  	[tilespmem:s0+$0xFFFFFF40] =	vst v2;
	v2 =	vld [tilespmem:s25+$0x50];
	v4 =	vmul.f32 v6, v4  }
0x1c6: {  	v6 =	vld [tilespmem:s25+$0xFFFFFF50]  }
0x1c7: {  	[tilespmem:s0+$0xD0] =	vst v4;
	v4 =	vld [tilespmem:s0+$0xE0]  }
0x1c8: {  	v3 =	vmul.f32 v5, v3;
	v5 =	vld [tilespmem:s25+$0xE0]  }
0x1c9: {  	v7 =	vld [tilespmem:s0+$0xFFFFFF60]  }
0x1ca: {  	[tilespmem:s0+$0xFFFFFFD0] =	vst v3;
	v3 =	vld [tilespmem:s0+$0xFFFFFFE0];
	v1 =	vmul.f32 v2, v1  }
0x1cb: {  	v2 =	vmul.f32 v6, v8;
	v6 =	vld [tilespmem:s25+$0xFFFFFFE0]  }
0x1cc: {  	[tilespmem:s0+$0x50] =	vst v1;
	v8 =	vld [tilespmem:s0+$0x60]  }
0x1cd: {  	[tilespmem:s0+$0xFFFFFF50] =	vst v2;
	v9 =	vld [tilespmem:s25+$0x60];
	v1 =	vmul.f32 v5, v4  }
0x1ce: {  	v4 =	vld [tilespmem:s25+$0xFFFFFF60]  }
0x1cf: {  	[tilespmem:s0+$0xE0] =	vst v1;
	v10 =	vld [tilespmem:s0+$0xF0]  }
0x1d0: {  	v2 =	vmul.f32 v6, v3;
	v6 =	vld [tilespmem:s25+$0xF0]  }
0x1d1: {  	v1 =	vld [tilespmem:s0+$0xFFFFFF70]  }
.Ltmp2:
0x1d2: {  	[tilespmem:s0+$0xFFFFFFE0] =	vst v2;
	v2 =	vld [tilespmem:s0+$0xFFFFFFF0];
	v3 =	vmul.f32 v9, v8;
	(pc) =	sbr.rel @p1 .LBB2_7-.Ltmp2, $4  }
0x1d3: {  	v5 =	vmul.f32 v4, v7;
	v4 =	vld [tilespmem:s25+$0xFFFFFFF0]  }
0x1d4: {  	[tilespmem:s0+$0x60] =	vst v3;
	v3 =	vld [tilespmem:s0+$0x70]  }
0x1d5: {  	[tilespmem:s0+$0xFFFFFF60] =	vst v5;
	v5 =	vld [tilespmem:s25+$0x70];
	v7 =	vmul.f32 v6, v10  }
0x1d6: {  	s0 =	sadd.s32 $0x200, s0;
	v6 =	vld [tilespmem:s25+$0xFFFFFF70]  }
0x1d7: {  	_ =	sdelay $0x1  }
0x1d8: {  	v2 =	vmul.f32 v4, v2  }
0x1d9: {  	[tilespmem:s13+$0xF0] =	vst v7;
	v3 =	vmul.f32 v5, v3  }
0x1da: {  	[tilespmem:s13+$0xFFFFFFF0] =	vst v2;
	v1 =	vmul.f32 v6, v1  }
0x1db: {  	[tilespmem:s13+$0x70] =	vst v3  }
0x1dc: {  	[tilespmem:s13+$0xFFFFFF70] =	vst v1  }
0x1dd: {  	[spmem:s4] =	stream.indirect.scatter.add.f32 [tilespmem:s19], [sflag:$0xA], $0x80, s18, s21, $0xb8;
	[tilespmem:$0x1DC80] =	vst v63  }
0x1de: {  	_ =	swait.ge [sflag:s9], $0x28  }
0x1df: {  	[sflag:s9] =	ssyncset.done $0x0  }
0x1e0: {  	[sflag:s9] =	ssyncadd.s32 $0xFFFFFFD8  }
0x1e1: {  	_ =	swait.ge [sflag:s9], $0x28  }
0x1e2: {  	[sflag:s9] =	ssyncset.done $0x0  }
0x1e3: {  	s0 =	simm.s32 $0x180;
	s25 =	simm.s32 $0x9000;
	[sflag:s9] =	ssyncadd.s32 $0xFFFFFFD8  }
0x1e4: {  	[tilespmem:s25], [sflag:$0x8] =	stream.indirect.gather [hbm4b:s2+s21], $0x80, s0, s21, $0xb8;
	[tilespmem:$0x1DC80] =	vst v63  }
0x1e5: {  	_ =	swait.ge [sflag:s31], $0x1400  }
0x1e6: {  	s26 =	sld [smem:$0x7FC]  }
0x1e7: {  	s13 =	smul.u32 $0xA0, s12;
	_ =	sdelay $0x1  }
0x1e8: {  	s0 =	sadd.s32 s13, s26  }
0x1e9: {  	[sflag:s31] =	ssyncset.done $0x0;
	s25 =	sshrl.u32 s0, $0x3  }
0x1ea: {  	[sflag:s31] =	ssyncadd.s32 $0xFFFFEC00;
	s26 =	sadd.s32 s7, s25  }
0x1eb: {  	[tilespmem:s6], [sflag:$0x1] =	stream.linear.gather [hbm4b:s26+s6], $0x28, $0x38;
	[tilespmem:$0x1DC80] =	vst v63  }
0x1ec: {  	s0 =	sshll.u32 s0, $0x4;
	s25 =	sadd.s32 s3, s25  }
0x1ed: {  	[tilespmem:s16], [sflag:$0x1] =	stream.linear.gather [hbm4b:s25+s6], $0x28, $0x38;
	[tilespmem:$0x1DC80] =	vst v63  }
0x1ee: {  	s0 =	sadd.s32 s1, s0  }
0x1ef: {  	[tilespmem:s14], [sflag:$0x5] =	stream.linear.gather [hbm4b:s0+s6], $0x1400, $0x38;
	[tilespmem:$0x1DC80] =	vst v63  }
0x1f0: {  	_ =	swait.ge [sflag:s22], $0x1400  }
0x1f1: {  	[sflag:s22] =	ssyncset.done $0x0  }
0x1f2: {  	[sflag:s22] =	ssyncadd.s32 $0xFFFFEC00  }
0x1f3: {  	_ =	swait.ge [sflag:s22], $0x1400  }
0x1f4: {  	[sflag:s22] =	ssyncset.done $0x0  }
0x1f5: {  	s25 =	simm.s32 $0x2D00;
	[sflag:s22] =	ssyncadd.s32 $0xFFFFEC00  }
0x1f6: {  	s26 =	simm.s32 $0x7D00;
	v1 =	vld [tilespmem:s25+$0x80]  }
0x1f7: {  	v2 =	vld [tilespmem:s26+$0x80]  }
0x1f8: {  	v3 =	vld [tilespmem:s25+$0xFFFFFF80]  }
0x1f9: {  	v4 =	vld [tilespmem:s26+$0xFFFFFF80]  }
0x1fa: {  	v5 =	vld [tilespmem:s25+$0x0]  }
0x1fb: {  	v6 =	vld [tilespmem:s26+$0x0]  }
0x1fc: {  	v7 =	vld [tilespmem:s25+$0xFFFFFF00];
	v1 =	vmul.f32 v2, v1  }
0x1fd: {  	v2 =	vld [tilespmem:s26+$0xFFFFFF00]  }
0x1fe: {  	[tilespmem:s25+$0x80] =	vst v1;
	v1 =	vld [tilespmem:s25+$0x90]  }
0x1ff: {  	v3 =	vmul.f32 v4, v3;
	v4 =	vld [tilespmem:s26+$0x90]  }
0x200: {  	v8 =	vld [tilespmem:s25+$0xFFFFFF10]  }
0x201: {  	[tilespmem:s25+$0xFFFFFF80] =	vst v3;
	v3 =	vmul.f32 v6, v5;
	v5 =	vld [tilespmem:s25+$0xFFFFFF90]  }
0x202: {  	v6 =	vld [tilespmem:s26+$0xFFFFFF90];
	v2 =	vmul.f32 v2, v7  }
0x203: {  	[tilespmem:s25+$0x0] =	vst v3;
	v3 =	vld [tilespmem:s25+$0x10]  }
0x204: {  	v7 =	vld [tilespmem:s26+$0x10];
	[tilespmem:s25+$0xFFFFFF00] =	vst v2;
	v1 =	vmul.f32 v4, v1  }
0x205: {  	v2 =	vld [tilespmem:s26+$0xFFFFFF10]  }
0x206: {  	[tilespmem:s25+$0x90] =	vst v1;
	v1 =	vld [tilespmem:s25+$0xA0]  }
0x207: {  	v4 =	vmul.f32 v6, v5;
	v5 =	vld [tilespmem:s26+$0xA0]  }
0x208: {  	v6 =	vld [tilespmem:s25+$0xFFFFFF20]  }
0x209: {  	[tilespmem:s25+$0xFFFFFF90] =	vst v4;
	v3 =	vmul.f32 v7, v3;
	v4 =	vld [tilespmem:s25+$0xFFFFFFA0]  }
0x20a: {  	v7 =	vld [tilespmem:s26+$0xFFFFFFA0];
	v2 =	vmul.f32 v2, v8  }
0x20b: {  	[tilespmem:s25+$0x10] =	vst v3;
	v3 =	vld [tilespmem:s25+$0x20]  }
0x20c: {  	v8 =	vld [tilespmem:s26+$0x20];
	[tilespmem:s25+$0xFFFFFF10] =	vst v2;
	v1 =	vmul.f32 v5, v1  }
0x20d: {  	v2 =	vld [tilespmem:s26+$0xFFFFFF20]  }
0x20e: {  	[tilespmem:s25+$0xA0] =	vst v1;
	v1 =	vld [tilespmem:s25+$0xB0]  }
0x20f: {  	v4 =	vmul.f32 v7, v4;
	v5 =	vld [tilespmem:s26+$0xB0]  }
0x210: {  	v7 =	vld [tilespmem:s25+$0xFFFFFF30]  }
0x211: {  	[tilespmem:s25+$0xFFFFFFA0] =	vst v4;
	v3 =	vmul.f32 v8, v3;
	v4 =	vld [tilespmem:s25+$0xFFFFFFB0]  }
0x212: {  	v8 =	vld [tilespmem:s26+$0xFFFFFFB0];
	v2 =	vmul.f32 v2, v6  }
0x213: {  	[tilespmem:s25+$0x20] =	vst v3;
	v3 =	vld [tilespmem:s25+$0x30]  }
0x214: {  	v6 =	vld [tilespmem:s26+$0x30];
	[tilespmem:s25+$0xFFFFFF20] =	vst v2;
	v1 =	vmul.f32 v5, v1  }
0x215: {  	v2 =	vld [tilespmem:s26+$0xFFFFFF30]  }
0x216: {  	[tilespmem:s25+$0xB0] =	vst v1;
	v1 =	vld [tilespmem:s25+$0xC0]  }
0x217: {  	v4 =	vmul.f32 v8, v4;
	v5 =	vld [tilespmem:s26+$0xC0]  }
0x218: {  	v8 =	vld [tilespmem:s25+$0xFFFFFF40]  }
0x219: {  	[tilespmem:s25+$0xFFFFFFB0] =	vst v4;
	v3 =	vmul.f32 v6, v3;
	v4 =	vld [tilespmem:s25+$0xFFFFFFC0]  }
0x21a: {  	v6 =	vld [tilespmem:s26+$0xFFFFFFC0];
	v2 =	vmul.f32 v2, v7  }
0x21b: {  	[tilespmem:s25+$0x30] =	vst v3;
	v3 =	vld [tilespmem:s25+$0x40]  }
0x21c: {  	v7 =	vld [tilespmem:s26+$0x40];
	[tilespmem:s25+$0xFFFFFF30] =	vst v2;
	v1 =	vmul.f32 v5, v1  }
0x21d: {  	v2 =	vld [tilespmem:s26+$0xFFFFFF40]  }
0x21e: {  	[tilespmem:s25+$0xC0] =	vst v1;
	v1 =	vld [tilespmem:s25+$0xD0]  }
0x21f: {  	v4 =	vmul.f32 v6, v4;
	v5 =	vld [tilespmem:s26+$0xD0]  }
0x220: {  	v6 =	vld [tilespmem:s25+$0xFFFFFF50]  }
0x221: {  	[tilespmem:s25+$0xFFFFFFC0] =	vst v4;
	v3 =	vmul.f32 v7, v3;
	v4 =	vld [tilespmem:s25+$0xFFFFFFD0]  }
0x222: {  	v7 =	vld [tilespmem:s26+$0xFFFFFFD0];
	v2 =	vmul.f32 v2, v8  }
0x223: {  	[tilespmem:s25+$0x40] =	vst v3;
	v3 =	vld [tilespmem:s25+$0x50]  }
0x224: {  	v8 =	vld [tilespmem:s26+$0x50];
	[tilespmem:s25+$0xFFFFFF40] =	vst v2;
	v1 =	vmul.f32 v5, v1  }
0x225: {  	v2 =	vld [tilespmem:s26+$0xFFFFFF50]  }
0x226: {  	[tilespmem:s25+$0xD0] =	vst v1;
	v1 =	vld [tilespmem:s25+$0xE0]  }
0x227: {  	v4 =	vmul.f32 v7, v4;
	v5 =	vld [tilespmem:s26+$0xE0]  }
0x228: {  	v7 =	vld [tilespmem:s25+$0xFFFFFF60]  }
0x229: {  	[tilespmem:s25+$0xFFFFFFD0] =	vst v4;
	v3 =	vmul.f32 v8, v3;
	v4 =	vld [tilespmem:s25+$0xFFFFFFE0]  }
0x22a: {  	v8 =	vld [tilespmem:s26+$0xFFFFFFE0];
	v2 =	vmul.f32 v2, v6  }
0x22b: {  	[tilespmem:s25+$0x50] =	vst v3;
	v3 =	vld [tilespmem:s25+$0x60]  }
0x22c: {  	v6 =	vld [tilespmem:s26+$0x60];
	[tilespmem:s25+$0xFFFFFF50] =	vst v2;
	v1 =	vmul.f32 v5, v1  }
0x22d: {  	v5 =	vld [tilespmem:s26+$0xFFFFFF60]  }
0x22e: {  	v9 =	vld [tilespmem:s25+$0xF0];
	[tilespmem:s25+$0xE0] =	vst v1  }
0x22f: {  	v2 =	vmul.f32 v8, v4;
	v8 =	vld [tilespmem:s26+$0xF0]  }
0x230: {  	v1 =	vld [tilespmem:s25+$0xFFFFFF70]  }
0x231: {  	[tilespmem:s25+$0xFFFFFFE0] =	vst v2;
	v3 =	vmul.f32 v6, v3;
	v2 =	vld [tilespmem:s25+$0xFFFFFFF0]  }
0x232: {  	v4 =	vld [tilespmem:s26+$0xFFFFFFF0];
	v5 =	vmul.f32 v5, v7  }
0x233: {  	[tilespmem:s25+$0x60] =	vst v3;
	v3 =	vld [tilespmem:s25+$0x70]  }
0x234: {  	[tilespmem:s25+$0xFFFFFF60] =	vst v5;
	v5 =	vld [tilespmem:s26+$0x70];
	v7 =	vmul.f32 v8, v9  }
0x235: {  	s28 =	simm.s32 $0x0;
	s0 =	simm.s32 $0x2F00;
	v6 =	vld [tilespmem:s26+$0xFFFFFF70]  }
.LBB2_9:
0x236: {  	v8 =	vld [tilespmem:s0+$0x80];
	[tilespmem:s25+$0xF0] =	vst v7;
	s26 =	sadd.s32 $0x200, s26  }
0x237: {  	s28 =	sadd.s32 $0x4, s28;
	v7 =	vld [tilespmem:s26+$0x80];
	v2 =	vmul.f32 v4, v2  }
0x238: {  	p1 =	slt.u32 s28, $0x24;
	v4 =	vld [tilespmem:s26+$0xFFFFFF00]  }
0x239: {  	v9 =	vld [tilespmem:s0+$0xFFFFFF80];
	[tilespmem:s25+$0xFFFFFFF0] =	vst v2;
	v2 =	vmul.f32 v5, v3  }
0x23a: {  	v3 =	vld [tilespmem:s26+$0xFFFFFF80];
	v1 =	vmul.f32 v6, v1  }
0x23b: {  	v5 =	vld [tilespmem:s0+$0x0];
	[tilespmem:s25+$0x70] =	vst v2  }
0x23c: {  	v2 =	vld [tilespmem:s26+$0x0];
	v6 =	vmul.f32 v7, v8;
	[tilespmem:s25+$0xFFFFFF70] =	vst v1;
	s25 =	smov.u32 s0  }
0x23d: {  	v1 =	vld [tilespmem:s0+$0xFFFFFF00]  }
0x23e: {  	[tilespmem:s0+$0x80] =	vst v6;
	v6 =	vld [tilespmem:s0+$0x90]  }
0x23f: {  	v3 =	vmul.f32 v3, v9;
	v7 =	vld [tilespmem:s26+$0x90]  }
0x240: {  	v8 =	vld [tilespmem:s0+$0xFFFFFF10]  }
0x241: {  	[tilespmem:s0+$0xFFFFFF80] =	vst v3;
	v3 =	vld [tilespmem:s0+$0xFFFFFF90];
	v2 =	vmul.f32 v2, v5  }
0x242: {  	v1 =	vmul.f32 v4, v1;
	v4 =	vld [tilespmem:s26+$0xFFFFFF90]  }
0x243: {  	[tilespmem:s0+$0x0] =	vst v2;
	v2 =	vld [tilespmem:s0+$0x10]  }
0x244: {  	[tilespmem:s0+$0xFFFFFF00] =	vst v1;
	v1 =	vld [tilespmem:s26+$0x10];
	v5 =	vmul.f32 v7, v6  }
0x245: {  	v6 =	vld [tilespmem:s26+$0xFFFFFF10]  }
0x246: {  	[tilespmem:s0+$0x90] =	vst v5;
	v5 =	vld [tilespmem:s0+$0xA0]  }
0x247: {  	v3 =	vmul.f32 v4, v3;
	v4 =	vld [tilespmem:s26+$0xA0]  }
0x248: {  	v7 =	vld [tilespmem:s0+$0xFFFFFF20]  }
0x249: {  	[tilespmem:s0+$0xFFFFFF90] =	vst v3;
	v3 =	vld [tilespmem:s0+$0xFFFFFFA0];
	v1 =	vmul.f32 v1, v2  }
0x24a: {  	v2 =	vmul.f32 v6, v8;
	v6 =	vld [tilespmem:s26+$0xFFFFFFA0]  }
0x24b: {  	[tilespmem:s0+$0x10] =	vst v1;
	v1 =	vld [tilespmem:s0+$0x20]  }
0x24c: {  	[tilespmem:s0+$0xFFFFFF10] =	vst v2;
	v2 =	vld [tilespmem:s26+$0x20];
	v4 =	vmul.f32 v4, v5  }
0x24d: {  	v5 =	vld [tilespmem:s26+$0xFFFFFF20]  }
0x24e: {  	[tilespmem:s0+$0xA0] =	vst v4;
	v4 =	vld [tilespmem:s0+$0xB0]  }
0x24f: {  	v3 =	vmul.f32 v6, v3;
	v6 =	vld [tilespmem:s26+$0xB0]  }
0x250: {  	v8 =	vld [tilespmem:s0+$0xFFFFFF30]  }
0x251: {  	[tilespmem:s0+$0xFFFFFFA0] =	vst v3;
	v3 =	vld [tilespmem:s0+$0xFFFFFFB0];
	v1 =	vmul.f32 v2, v1  }
0x252: {  	v2 =	vmul.f32 v5, v7;
	v5 =	vld [tilespmem:s26+$0xFFFFFFB0]  }
0x253: {  	[tilespmem:s0+$0x20] =	vst v1;
	v1 =	vld [tilespmem:s0+$0x30]  }
0x254: {  	[tilespmem:s0+$0xFFFFFF20] =	vst v2;
	v2 =	vld [tilespmem:s26+$0x30];
	v4 =	vmul.f32 v6, v4  }
0x255: {  	v6 =	vld [tilespmem:s26+$0xFFFFFF30]  }
0x256: {  	[tilespmem:s0+$0xB0] =	vst v4;
	v4 =	vld [tilespmem:s0+$0xC0]  }
0x257: {  	v3 =	vmul.f32 v5, v3;
	v5 =	vld [tilespmem:s26+$0xC0]  }
0x258: {  	v7 =	vld [tilespmem:s0+$0xFFFFFF40]  }
0x259: {  	[tilespmem:s0+$0xFFFFFFB0] =	vst v3;
	v3 =	vld [tilespmem:s0+$0xFFFFFFC0];
	v1 =	vmul.f32 v2, v1  }
0x25a: {  	v2 =	vmul.f32 v6, v8;
	v6 =	vld [tilespmem:s26+$0xFFFFFFC0]  }
0x25b: {  	[tilespmem:s0+$0x30] =	vst v1;
	v1 =	vld [tilespmem:s0+$0x40]  }
0x25c: {  	[tilespmem:s0+$0xFFFFFF30] =	vst v2;
	v2 =	vld [tilespmem:s26+$0x40];
	v4 =	vmul.f32 v5, v4  }
0x25d: {  	v5 =	vld [tilespmem:s26+$0xFFFFFF40]  }
0x25e: {  	[tilespmem:s0+$0xC0] =	vst v4;
	v4 =	vld [tilespmem:s0+$0xD0]  }
0x25f: {  	v3 =	vmul.f32 v6, v3;
	v6 =	vld [tilespmem:s26+$0xD0]  }
0x260: {  	v8 =	vld [tilespmem:s0+$0xFFFFFF50]  }
0x261: {  	[tilespmem:s0+$0xFFFFFFC0] =	vst v3;
	v3 =	vld [tilespmem:s0+$0xFFFFFFD0];
	v1 =	vmul.f32 v2, v1  }
0x262: {  	v2 =	vmul.f32 v5, v7;
	v5 =	vld [tilespmem:s26+$0xFFFFFFD0]  }
0x263: {  	[tilespmem:s0+$0x40] =	vst v1;
	v1 =	vld [tilespmem:s0+$0x50]  }
0x264: {  	[tilespmem:s0+$0xFFFFFF40] =	vst v2;
	v2 =	vld [tilespmem:s26+$0x50];
	v4 =	vmul.f32 v6, v4  }
0x265: {  	v6 =	vld [tilespmem:s26+$0xFFFFFF50]  }
0x266: {  	[tilespmem:s0+$0xD0] =	vst v4;
	v4 =	vld [tilespmem:s0+$0xE0]  }
0x267: {  	v3 =	vmul.f32 v5, v3;
	v5 =	vld [tilespmem:s26+$0xE0]  }
0x268: {  	v7 =	vld [tilespmem:s0+$0xFFFFFF60]  }
0x269: {  	[tilespmem:s0+$0xFFFFFFD0] =	vst v3;
	v3 =	vld [tilespmem:s0+$0xFFFFFFE0];
	v1 =	vmul.f32 v2, v1  }
0x26a: {  	v2 =	vmul.f32 v6, v8;
	v6 =	vld [tilespmem:s26+$0xFFFFFFE0]  }
0x26b: {  	[tilespmem:s0+$0x50] =	vst v1;
	v8 =	vld [tilespmem:s0+$0x60]  }
0x26c: {  	[tilespmem:s0+$0xFFFFFF50] =	vst v2;
	v9 =	vld [tilespmem:s26+$0x60];
	v1 =	vmul.f32 v5, v4  }
0x26d: {  	v4 =	vld [tilespmem:s26+$0xFFFFFF60]  }
0x26e: {  	[tilespmem:s0+$0xE0] =	vst v1;
	v10 =	vld [tilespmem:s0+$0xF0]  }
0x26f: {  	v2 =	vmul.f32 v6, v3;
	v6 =	vld [tilespmem:s26+$0xF0]  }
0x270: {  	v1 =	vld [tilespmem:s0+$0xFFFFFF70]  }
.Ltmp3:
0x271: {  	[tilespmem:s0+$0xFFFFFFE0] =	vst v2;
	v2 =	vld [tilespmem:s0+$0xFFFFFFF0];
	v3 =	vmul.f32 v9, v8;
	(pc) =	sbr.rel @p1 .LBB2_9-.Ltmp3, $4  }
0x272: {  	v5 =	vmul.f32 v4, v7;
	v4 =	vld [tilespmem:s26+$0xFFFFFFF0]  }
0x273: {  	[tilespmem:s0+$0x60] =	vst v3;
	v3 =	vld [tilespmem:s0+$0x70]  }
0x274: {  	[tilespmem:s0+$0xFFFFFF60] =	vst v5;
	v5 =	vld [tilespmem:s26+$0x70];
	v7 =	vmul.f32 v6, v10  }
0x275: {  	s0 =	sadd.s32 $0x200, s0;
	v6 =	vld [tilespmem:s26+$0xFFFFFF70]  }
0x276: {  	_ =	sdelay $0x1  }
0x277: {  	v2 =	vmul.f32 v4, v2  }
0x278: {  	[tilespmem:s25+$0xF0] =	vst v7;
	v3 =	vmul.f32 v5, v3  }
0x279: {  	[tilespmem:s25+$0xFFFFFFF0] =	vst v2;
	v1 =	vmul.f32 v6, v1  }
0x27a: {  	[tilespmem:s25+$0x70] =	vst v3  }
0x27b: {  	s0 =	simm.s32 $0x300;
	s28 =	simm.s32 $0x2C00;
	[tilespmem:s25+$0xFFFFFF70] =	vst v1  }
0x27c: {  	[spmem:s4] =	stream.indirect.scatter.add.f32 [tilespmem:s28], [sflag:$0xB], $0x80, s0, s21, $0xb8;
	[tilespmem:$0x1DC80] =	vst v63  }
0x27d: {  	_ =	swait.ge [sflag:s20], $0x28  }
0x27e: {  	[sflag:s20] =	ssyncset.done $0x0  }
0x27f: {  	[sflag:s20] =	ssyncadd.s32 $0xFFFFFFD8  }
0x280: {  	_ =	swait.ge [sflag:s20], $0x28  }
0x281: {  	[sflag:s20] =	ssyncset.done $0x0  }
0x282: {  	s25 =	simm.s32 $0x5400;
	[sflag:s20] =	ssyncadd.s32 $0xFFFFFFD8  }
0x283: {  	[tilespmem:s25], [sflag:$0x5] =	stream.indirect.gather [hbm4b:s2+s21], $0x80, s6, s21, $0xb8;
	[tilespmem:$0x1DC80] =	vst v63  }
0x284: {  	_ =	swait.ge [sflag:s24], $0x1400  }
0x285: {  	s26 =	sld [smem:$0x7FD];
	_ =	sdelay $0x2  }
0x286: {  	s0 =	sadd.s32 s13, s26  }
0x287: {  	[sflag:s24] =	ssyncset.done $0x0;
	s13 =	sshrl.u32 s0, $0x3  }
0x288: {  	[sflag:s24] =	ssyncadd.s32 $0xFFFFEC00;
	s28 =	sadd.s32 s7, s13  }
0x289: {  	[tilespmem:s17], [sflag:$0x2] =	stream.linear.gather [hbm4b:s28+s6], $0x28, $0x38;
	[tilespmem:$0x1DC80] =	vst v63  }
0x28a: {  	s0 =	sshll.u32 s0, $0x4;
	s13 =	sadd.s32 s3, s13  }
0x28b: {  	[tilespmem:s18], [sflag:$0x2] =	stream.linear.gather [hbm4b:s13+s6], $0x28, $0x38;
	[tilespmem:$0x1DC80] =	vst v63  }
0x28c: {  	s0 =	sadd.s32 s1, s0  }
0x28d: {  	[tilespmem:s19], [sflag:$0x6] =	stream.linear.gather [hbm4b:s0+s6], $0x1400, $0x38;
	[tilespmem:$0x1DC80] =	vst v63  }
0x28e: {  	_ =	swait.ge [sflag:s15], $0x1400  }
0x28f: {  	[sflag:s15] =	ssyncset.done $0x0  }
0x290: {  	[sflag:s15] =	ssyncadd.s32 $0xFFFFEC00  }
0x291: {  	_ =	swait.ge [sflag:s15], $0x1400  }
0x292: {  	[sflag:s15] =	ssyncset.done $0x0  }
0x293: {  	s13 =	simm.s32 $0x4100;
	[sflag:s15] =	ssyncadd.s32 $0xFFFFEC00  }
0x294: {  	s25 =	simm.s32 $0x9100;
	v1 =	vld [tilespmem:s13+$0x80]  }
0x295: {  	v2 =	vld [tilespmem:s25+$0x80]  }
0x296: {  	v3 =	vld [tilespmem:s13+$0xFFFFFF80]  }
0x297: {  	v4 =	vld [tilespmem:s25+$0xFFFFFF80]  }
0x298: {  	v5 =	vld [tilespmem:s13+$0x0]  }
0x299: {  	v6 =	vld [tilespmem:s25+$0x0]  }
0x29a: {  	v7 =	vld [tilespmem:s13+$0xFFFFFF00];
	v1 =	vmul.f32 v2, v1  }
0x29b: {  	v2 =	vld [tilespmem:s25+$0xFFFFFF00]  }
0x29c: {  	[tilespmem:s13+$0x80] =	vst v1;
	v1 =	vld [tilespmem:s13+$0x90]  }
0x29d: {  	v3 =	vmul.f32 v4, v3;
	v4 =	vld [tilespmem:s25+$0x90]  }
0x29e: {  	v8 =	vld [tilespmem:s13+$0xFFFFFF10]  }
0x29f: {  	[tilespmem:s13+$0xFFFFFF80] =	vst v3;
	v3 =	vmul.f32 v6, v5;
	v5 =	vld [tilespmem:s13+$0xFFFFFF90]  }
0x2a0: {  	v6 =	vld [tilespmem:s25+$0xFFFFFF90];
	v2 =	vmul.f32 v2, v7  }
0x2a1: {  	[tilespmem:s13+$0x0] =	vst v3;
	v3 =	vld [tilespmem:s13+$0x10]  }
0x2a2: {  	v7 =	vld [tilespmem:s25+$0x10];
	[tilespmem:s13+$0xFFFFFF00] =	vst v2;
	v1 =	vmul.f32 v4, v1  }
0x2a3: {  	v2 =	vld [tilespmem:s25+$0xFFFFFF10]  }
0x2a4: {  	[tilespmem:s13+$0x90] =	vst v1;
	v1 =	vld [tilespmem:s13+$0xA0]  }
0x2a5: {  	v4 =	vmul.f32 v6, v5;
	v5 =	vld [tilespmem:s25+$0xA0]  }
0x2a6: {  	v6 =	vld [tilespmem:s13+$0xFFFFFF20]  }
0x2a7: {  	[tilespmem:s13+$0xFFFFFF90] =	vst v4;
	v3 =	vmul.f32 v7, v3;
	v4 =	vld [tilespmem:s13+$0xFFFFFFA0]  }
0x2a8: {  	v7 =	vld [tilespmem:s25+$0xFFFFFFA0];
	v2 =	vmul.f32 v2, v8  }
0x2a9: {  	[tilespmem:s13+$0x10] =	vst v3;
	v3 =	vld [tilespmem:s13+$0x20]  }
0x2aa: {  	v8 =	vld [tilespmem:s25+$0x20];
	[tilespmem:s13+$0xFFFFFF10] =	vst v2;
	v1 =	vmul.f32 v5, v1  }
0x2ab: {  	v2 =	vld [tilespmem:s25+$0xFFFFFF20]  }
0x2ac: {  	[tilespmem:s13+$0xA0] =	vst v1;
	v1 =	vld [tilespmem:s13+$0xB0]  }
0x2ad: {  	v4 =	vmul.f32 v7, v4;
	v5 =	vld [tilespmem:s25+$0xB0]  }
0x2ae: {  	v7 =	vld [tilespmem:s13+$0xFFFFFF30]  }
0x2af: {  	[tilespmem:s13+$0xFFFFFFA0] =	vst v4;
	v3 =	vmul.f32 v8, v3;
	v4 =	vld [tilespmem:s13+$0xFFFFFFB0]  }
0x2b0: {  	v8 =	vld [tilespmem:s25+$0xFFFFFFB0];
	v2 =	vmul.f32 v2, v6  }
0x2b1: {  	[tilespmem:s13+$0x20] =	vst v3;
	v3 =	vld [tilespmem:s13+$0x30]  }
0x2b2: {  	v6 =	vld [tilespmem:s25+$0x30];
	[tilespmem:s13+$0xFFFFFF20] =	vst v2;
	v1 =	vmul.f32 v5, v1  }
0x2b3: {  	v2 =	vld [tilespmem:s25+$0xFFFFFF30]  }
0x2b4: {  	[tilespmem:s13+$0xB0] =	vst v1;
	v1 =	vld [tilespmem:s13+$0xC0]  }
0x2b5: {  	v4 =	vmul.f32 v8, v4;
	v5 =	vld [tilespmem:s25+$0xC0]  }
0x2b6: {  	v8 =	vld [tilespmem:s13+$0xFFFFFF40]  }
0x2b7: {  	[tilespmem:s13+$0xFFFFFFB0] =	vst v4;
	v3 =	vmul.f32 v6, v3;
	v4 =	vld [tilespmem:s13+$0xFFFFFFC0]  }
0x2b8: {  	v6 =	vld [tilespmem:s25+$0xFFFFFFC0];
	v2 =	vmul.f32 v2, v7  }
0x2b9: {  	[tilespmem:s13+$0x30] =	vst v3;
	v3 =	vld [tilespmem:s13+$0x40]  }
0x2ba: {  	v7 =	vld [tilespmem:s25+$0x40];
	[tilespmem:s13+$0xFFFFFF30] =	vst v2;
	v1 =	vmul.f32 v5, v1  }
0x2bb: {  	v2 =	vld [tilespmem:s25+$0xFFFFFF40]  }
0x2bc: {  	[tilespmem:s13+$0xC0] =	vst v1;
	v1 =	vld [tilespmem:s13+$0xD0]  }
0x2bd: {  	v4 =	vmul.f32 v6, v4;
	v5 =	vld [tilespmem:s25+$0xD0]  }
0x2be: {  	v6 =	vld [tilespmem:s13+$0xFFFFFF50]  }
0x2bf: {  	[tilespmem:s13+$0xFFFFFFC0] =	vst v4;
	v3 =	vmul.f32 v7, v3;
	v4 =	vld [tilespmem:s13+$0xFFFFFFD0]  }
0x2c0: {  	v7 =	vld [tilespmem:s25+$0xFFFFFFD0];
	v2 =	vmul.f32 v2, v8  }
0x2c1: {  	[tilespmem:s13+$0x40] =	vst v3;
	v3 =	vld [tilespmem:s13+$0x50]  }
0x2c2: {  	v8 =	vld [tilespmem:s25+$0x50];
	[tilespmem:s13+$0xFFFFFF40] =	vst v2;
	v1 =	vmul.f32 v5, v1  }
0x2c3: {  	v2 =	vld [tilespmem:s25+$0xFFFFFF50]  }
0x2c4: {  	[tilespmem:s13+$0xD0] =	vst v1;
	v1 =	vld [tilespmem:s13+$0xE0]  }
0x2c5: {  	v4 =	vmul.f32 v7, v4;
	v5 =	vld [tilespmem:s25+$0xE0]  }
0x2c6: {  	v7 =	vld [tilespmem:s13+$0xFFFFFF60]  }
0x2c7: {  	[tilespmem:s13+$0xFFFFFFD0] =	vst v4;
	v3 =	vmul.f32 v8, v3;
	v4 =	vld [tilespmem:s13+$0xFFFFFFE0]  }
0x2c8: {  	v8 =	vld [tilespmem:s25+$0xFFFFFFE0];
	v2 =	vmul.f32 v2, v6  }
0x2c9: {  	[tilespmem:s13+$0x50] =	vst v3;
	v3 =	vld [tilespmem:s13+$0x60]  }
0x2ca: {  	v6 =	vld [tilespmem:s25+$0x60];
	[tilespmem:s13+$0xFFFFFF50] =	vst v2;
	v1 =	vmul.f32 v5, v1  }
0x2cb: {  	v5 =	vld [tilespmem:s25+$0xFFFFFF60]  }
0x2cc: {  	v9 =	vld [tilespmem:s13+$0xF0];
	[tilespmem:s13+$0xE0] =	vst v1  }
0x2cd: {  	v2 =	vmul.f32 v8, v4;
	v8 =	vld [tilespmem:s25+$0xF0]  }
0x2ce: {  	v1 =	vld [tilespmem:s13+$0xFFFFFF70]  }
0x2cf: {  	[tilespmem:s13+$0xFFFFFFE0] =	vst v2;
	v3 =	vmul.f32 v6, v3;
	v2 =	vld [tilespmem:s13+$0xFFFFFFF0]  }
0x2d0: {  	v4 =	vld [tilespmem:s25+$0xFFFFFFF0];
	v5 =	vmul.f32 v5, v7  }
0x2d1: {  	[tilespmem:s13+$0x60] =	vst v3;
	v3 =	vld [tilespmem:s13+$0x70]  }
0x2d2: {  	[tilespmem:s13+$0xFFFFFF60] =	vst v5;
	v5 =	vld [tilespmem:s25+$0x70];
	v7 =	vmul.f32 v8, v9  }
0x2d3: {  	s26 =	simm.s32 $0x0;
	s0 =	simm.s32 $0x4300;
	v6 =	vld [tilespmem:s25+$0xFFFFFF70]  }
.LBB2_11:
0x2d4: {  	v8 =	vld [tilespmem:s0+$0x80];
	[tilespmem:s13+$0xF0] =	vst v7;
	s25 =	sadd.s32 $0x200, s25  }
0x2d5: {  	s26 =	sadd.s32 $0x4, s26;
	v7 =	vld [tilespmem:s25+$0x80];
	v2 =	vmul.f32 v4, v2  }
0x2d6: {  	p1 =	slt.u32 s26, $0x24;
	v4 =	vld [tilespmem:s25+$0xFFFFFF00]  }
0x2d7: {  	v9 =	vld [tilespmem:s0+$0xFFFFFF80];
	[tilespmem:s13+$0xFFFFFFF0] =	vst v2;
	v2 =	vmul.f32 v5, v3  }
0x2d8: {  	v3 =	vld [tilespmem:s25+$0xFFFFFF80];
	v1 =	vmul.f32 v6, v1  }
0x2d9: {  	v5 =	vld [tilespmem:s0+$0x0];
	[tilespmem:s13+$0x70] =	vst v2  }
0x2da: {  	v2 =	vld [tilespmem:s25+$0x0];
	v6 =	vmul.f32 v7, v8;
	[tilespmem:s13+$0xFFFFFF70] =	vst v1;
	s13 =	smov.u32 s0  }
0x2db: {  	v1 =	vld [tilespmem:s0+$0xFFFFFF00]  }
0x2dc: {  	[tilespmem:s0+$0x80] =	vst v6;
	v6 =	vld [tilespmem:s0+$0x90]  }
0x2dd: {  	v3 =	vmul.f32 v3, v9;
	v7 =	vld [tilespmem:s25+$0x90]  }
0x2de: {  	v8 =	vld [tilespmem:s0+$0xFFFFFF10]  }
0x2df: {  	[tilespmem:s0+$0xFFFFFF80] =	vst v3;
	v3 =	vld [tilespmem:s0+$0xFFFFFF90];
	v2 =	vmul.f32 v2, v5  }
0x2e0: {  	v1 =	vmul.f32 v4, v1;
	v4 =	vld [tilespmem:s25+$0xFFFFFF90]  }
0x2e1: {  	[tilespmem:s0+$0x0] =	vst v2;
	v2 =	vld [tilespmem:s0+$0x10]  }
0x2e2: {  	[tilespmem:s0+$0xFFFFFF00] =	vst v1;
	v1 =	vld [tilespmem:s25+$0x10];
	v5 =	vmul.f32 v7, v6  }
0x2e3: {  	v6 =	vld [tilespmem:s25+$0xFFFFFF10]  }
0x2e4: {  	[tilespmem:s0+$0x90] =	vst v5;
	v5 =	vld [tilespmem:s0+$0xA0]  }
0x2e5: {  	v3 =	vmul.f32 v4, v3;
	v4 =	vld [tilespmem:s25+$0xA0]  }
0x2e6: {  	v7 =	vld [tilespmem:s0+$0xFFFFFF20]  }
0x2e7: {  	[tilespmem:s0+$0xFFFFFF90] =	vst v3;
	v3 =	vld [tilespmem:s0+$0xFFFFFFA0];
	v1 =	vmul.f32 v1, v2  }
0x2e8: {  	v2 =	vmul.f32 v6, v8;
	v6 =	vld [tilespmem:s25+$0xFFFFFFA0]  }
0x2e9: {  	[tilespmem:s0+$0x10] =	vst v1;
	v1 =	vld [tilespmem:s0+$0x20]  }
0x2ea: {  	[tilespmem:s0+$0xFFFFFF10] =	vst v2;
	v2 =	vld [tilespmem:s25+$0x20];
	v4 =	vmul.f32 v4, v5  }
0x2eb: {  	v5 =	vld [tilespmem:s25+$0xFFFFFF20]  }
0x2ec: {  	[tilespmem:s0+$0xA0] =	vst v4;
	v4 =	vld [tilespmem:s0+$0xB0]  }
0x2ed: {  	v3 =	vmul.f32 v6, v3;
	v6 =	vld [tilespmem:s25+$0xB0]  }
0x2ee: {  	v8 =	vld [tilespmem:s0+$0xFFFFFF30]  }
0x2ef: {  	[tilespmem:s0+$0xFFFFFFA0] =	vst v3;
	v3 =	vld [tilespmem:s0+$0xFFFFFFB0];
	v1 =	vmul.f32 v2, v1  }
0x2f0: {  	v2 =	vmul.f32 v5, v7;
	v5 =	vld [tilespmem:s25+$0xFFFFFFB0]  }
0x2f1: {  	[tilespmem:s0+$0x20] =	vst v1;
	v1 =	vld [tilespmem:s0+$0x30]  }
0x2f2: {  	[tilespmem:s0+$0xFFFFFF20] =	vst v2;
	v2 =	vld [tilespmem:s25+$0x30];
	v4 =	vmul.f32 v6, v4  }
0x2f3: {  	v6 =	vld [tilespmem:s25+$0xFFFFFF30]  }
0x2f4: {  	[tilespmem:s0+$0xB0] =	vst v4;
	v4 =	vld [tilespmem:s0+$0xC0]  }
0x2f5: {  	v3 =	vmul.f32 v5, v3;
	v5 =	vld [tilespmem:s25+$0xC0]  }
0x2f6: {  	v7 =	vld [tilespmem:s0+$0xFFFFFF40]  }
0x2f7: {  	[tilespmem:s0+$0xFFFFFFB0] =	vst v3;
	v3 =	vld [tilespmem:s0+$0xFFFFFFC0];
	v1 =	vmul.f32 v2, v1  }
0x2f8: {  	v2 =	vmul.f32 v6, v8;
	v6 =	vld [tilespmem:s25+$0xFFFFFFC0]  }
0x2f9: {  	[tilespmem:s0+$0x30] =	vst v1;
	v1 =	vld [tilespmem:s0+$0x40]  }
0x2fa: {  	[tilespmem:s0+$0xFFFFFF30] =	vst v2;
	v2 =	vld [tilespmem:s25+$0x40];
	v4 =	vmul.f32 v5, v4  }
0x2fb: {  	v5 =	vld [tilespmem:s25+$0xFFFFFF40]  }
0x2fc: {  	[tilespmem:s0+$0xC0] =	vst v4;
	v4 =	vld [tilespmem:s0+$0xD0]  }
0x2fd: {  	v3 =	vmul.f32 v6, v3;
	v6 =	vld [tilespmem:s25+$0xD0]  }
0x2fe: {  	v8 =	vld [tilespmem:s0+$0xFFFFFF50]  }
0x2ff: {  	[tilespmem:s0+$0xFFFFFFC0] =	vst v3;
	v3 =	vld [tilespmem:s0+$0xFFFFFFD0];
	v1 =	vmul.f32 v2, v1  }
0x300: {  	v2 =	vmul.f32 v5, v7;
	v5 =	vld [tilespmem:s25+$0xFFFFFFD0]  }
0x301: {  	[tilespmem:s0+$0x40] =	vst v1;
	v1 =	vld [tilespmem:s0+$0x50]  }
0x302: {  	[tilespmem:s0+$0xFFFFFF40] =	vst v2;
	v2 =	vld [tilespmem:s25+$0x50];
	v4 =	vmul.f32 v6, v4  }
0x303: {  	v6 =	vld [tilespmem:s25+$0xFFFFFF50]  }
0x304: {  	[tilespmem:s0+$0xD0] =	vst v4;
	v4 =	vld [tilespmem:s0+$0xE0]  }
0x305: {  	v3 =	vmul.f32 v5, v3;
	v5 =	vld [tilespmem:s25+$0xE0]  }
0x306: {  	v7 =	vld [tilespmem:s0+$0xFFFFFF60]  }
0x307: {  	[tilespmem:s0+$0xFFFFFFD0] =	vst v3;
	v3 =	vld [tilespmem:s0+$0xFFFFFFE0];
	v1 =	vmul.f32 v2, v1  }
0x308: {  	v2 =	vmul.f32 v6, v8;
	v6 =	vld [tilespmem:s25+$0xFFFFFFE0]  }
0x309: {  	[tilespmem:s0+$0x50] =	vst v1;
	v8 =	vld [tilespmem:s0+$0x60]  }
0x30a: {  	[tilespmem:s0+$0xFFFFFF50] =	vst v2;
	v9 =	vld [tilespmem:s25+$0x60];
	v1 =	vmul.f32 v5, v4  }
0x30b: {  	v4 =	vld [tilespmem:s25+$0xFFFFFF60]  }
0x30c: {  	[tilespmem:s0+$0xE0] =	vst v1;
	v10 =	vld [tilespmem:s0+$0xF0]  }
0x30d: {  	v2 =	vmul.f32 v6, v3;
	v6 =	vld [tilespmem:s25+$0xF0]  }
0x30e: {  	v1 =	vld [tilespmem:s0+$0xFFFFFF70]  }
.Ltmp4:
0x30f: {  	[tilespmem:s0+$0xFFFFFFE0] =	vst v2;
	v2 =	vld [tilespmem:s0+$0xFFFFFFF0];
	v3 =	vmul.f32 v9, v8;
	(pc) =	sbr.rel @p1 .LBB2_11-.Ltmp4, $4  }
0x310: {  	v5 =	vmul.f32 v4, v7;
	v4 =	vld [tilespmem:s25+$0xFFFFFFF0]  }
0x311: {  	[tilespmem:s0+$0x60] =	vst v3;
	v3 =	vld [tilespmem:s0+$0x70]  }
0x312: {  	[tilespmem:s0+$0xFFFFFF60] =	vst v5;
	v5 =	vld [tilespmem:s25+$0x70];
	v7 =	vmul.f32 v6, v10  }
0x313: {  	s0 =	sadd.s32 $0x200, s0;
	v6 =	vld [tilespmem:s25+$0xFFFFFF70]  }
0x314: {  	_ = 	snop  }
0x315: {  	s12 =	sadd.s32 $0x1, s12  }
0x316: {  	v2 =	vmul.f32 v4, v2;
	p1 =	sne.s32 s12, $0x3E  }
.Ltmp5:
0x317: {  	[tilespmem:s13+$0xF0] =	vst v7;
	v3 =	vmul.f32 v5, v3;
	(pc) =	sbr.rel @p1 .LBB2_4-.Ltmp5, $4  }
0x318: {  	[tilespmem:s13+$0xFFFFFFF0] =	vst v2;
	v1 =	vmul.f32 v6, v1  }
0x319: {  	[tilespmem:s13+$0x70] =	vst v3  }
0x31a: {  	[tilespmem:s13+$0xFFFFFF70] =	vst v1  }
0x31b: {  	[spmem:s4] =	stream.indirect.scatter.add.f32 [tilespmem:s10], [sflag:$0xC], $0x80, s5, s21, $0xb8;
	[tilespmem:$0x1DC80] =	vst v63  }
0x31c: {  	_ =	swait.ge [sflag:s23], $0x28  }
0x31d: {  	[sflag:s23] =	ssyncset.done $0x0  }
0x31e: {  	[sflag:s23] =	ssyncadd.s32 $0xFFFFFFD8  }
0x31f: {  	_ =	swait.ge [sflag:s23], $0x28  }
0x320: {  	[sflag:s23] =	ssyncset.done $0x0  }
0x321: {  	s0 =	simm.s32 $0x6800;
	s28 =	simm.s32 $0xB;
	[sflag:s23] =	ssyncadd.s32 $0xFFFFFFD8  }
0x322: {  	[tilespmem:s0], [sflag:$0x6] =	stream.indirect.gather [hbm4b:s2+s21], $0x80, s17, s21, $0xb8;
	[tilespmem:$0x1DC80] =	vst v63  }
0x323: {  	_ =	swait.ge [sflag:s28], $0x1400  }
0x324: {  	[sflag:s28] =	ssyncset.done $0x0  }
0x325: {  	[sflag:s28] =	ssyncadd.s32 $0xFFFFEC00  }
0x326: {  	_ =	swait.ge [sflag:s29], $0x1400  }
0x327: {  	[sflag:s29] =	ssyncset.done $0x0  }
0x328: {  	[sflag:s29] =	ssyncadd.s32 $0xFFFFEC00  }
0x329: {  	_ =	swait.ge [sflag:s29], $0x1400  }
0x32a: {  	[sflag:s29] =	ssyncset.done $0x0  }
0x32b: {  	s12 =	simm.s32 $0x500;
	[sflag:s29] =	ssyncadd.s32 $0xFFFFEC00  }
0x32c: {  	s13 =	simm.s32 $0x5500;
	v1 =	vld [tilespmem:s12+$0x80]  }
0x32d: {  	v2 =	vld [tilespmem:s13+$0x80]  }
0x32e: {  	v3 =	vld [tilespmem:s12+$0xFFFFFF80]  }
0x32f: {  	v4 =	vld [tilespmem:s13+$0xFFFFFF80]  }
0x330: {  	v5 =	vld [tilespmem:s12+$0x0]  }
0x331: {  	v6 =	vld [tilespmem:s13+$0x0]  }
0x332: {  	v7 =	vld [tilespmem:s12+$0xFFFFFF00];
	v1 =	vmul.f32 v2, v1  }
0x333: {  	v2 =	vld [tilespmem:s13+$0xFFFFFF00]  }
0x334: {  	[tilespmem:s12+$0x80] =	vst v1;
	v1 =	vld [tilespmem:s12+$0x90]  }
0x335: {  	v3 =	vmul.f32 v4, v3;
	v4 =	vld [tilespmem:s13+$0x90]  }
0x336: {  	v8 =	vld [tilespmem:s12+$0xFFFFFF10]  }
0x337: {  	[tilespmem:s12+$0xFFFFFF80] =	vst v3;
	v3 =	vmul.f32 v6, v5;
	v5 =	vld [tilespmem:s12+$0xFFFFFF90]  }
0x338: {  	v6 =	vld [tilespmem:s13+$0xFFFFFF90];
	v2 =	vmul.f32 v2, v7  }
0x339: {  	[tilespmem:s12+$0x0] =	vst v3;
	v3 =	vld [tilespmem:s12+$0x10]  }
0x33a: {  	v7 =	vld [tilespmem:s13+$0x10];
	[tilespmem:s12+$0xFFFFFF00] =	vst v2;
	v1 =	vmul.f32 v4, v1  }
0x33b: {  	v2 =	vld [tilespmem:s13+$0xFFFFFF10]  }
0x33c: {  	[tilespmem:s12+$0x90] =	vst v1;
	v1 =	vld [tilespmem:s12+$0xA0]  }
0x33d: {  	v4 =	vmul.f32 v6, v5;
	v5 =	vld [tilespmem:s13+$0xA0]  }
0x33e: {  	v6 =	vld [tilespmem:s12+$0xFFFFFF20]  }
0x33f: {  	[tilespmem:s12+$0xFFFFFF90] =	vst v4;
	v3 =	vmul.f32 v7, v3;
	v4 =	vld [tilespmem:s12+$0xFFFFFFA0]  }
0x340: {  	v7 =	vld [tilespmem:s13+$0xFFFFFFA0];
	v2 =	vmul.f32 v2, v8  }
0x341: {  	[tilespmem:s12+$0x10] =	vst v3;
	v3 =	vld [tilespmem:s12+$0x20]  }
0x342: {  	v8 =	vld [tilespmem:s13+$0x20];
	[tilespmem:s12+$0xFFFFFF10] =	vst v2;
	v1 =	vmul.f32 v5, v1  }
0x343: {  	v2 =	vld [tilespmem:s13+$0xFFFFFF20]  }
0x344: {  	[tilespmem:s12+$0xA0] =	vst v1;
	v1 =	vld [tilespmem:s12+$0xB0]  }
0x345: {  	v4 =	vmul.f32 v7, v4;
	v5 =	vld [tilespmem:s13+$0xB0]  }
0x346: {  	v7 =	vld [tilespmem:s12+$0xFFFFFF30]  }
0x347: {  	[tilespmem:s12+$0xFFFFFFA0] =	vst v4;
	v3 =	vmul.f32 v8, v3;
	v4 =	vld [tilespmem:s12+$0xFFFFFFB0]  }
0x348: {  	v8 =	vld [tilespmem:s13+$0xFFFFFFB0];
	v2 =	vmul.f32 v2, v6  }
0x349: {  	[tilespmem:s12+$0x20] =	vst v3;
	v3 =	vld [tilespmem:s12+$0x30]  }
0x34a: {  	v6 =	vld [tilespmem:s13+$0x30];
	[tilespmem:s12+$0xFFFFFF20] =	vst v2;
	v1 =	vmul.f32 v5, v1  }
0x34b: {  	v2 =	vld [tilespmem:s13+$0xFFFFFF30]  }
0x34c: {  	[tilespmem:s12+$0xB0] =	vst v1;
	v1 =	vld [tilespmem:s12+$0xC0]  }
0x34d: {  	v4 =	vmul.f32 v8, v4;
	v5 =	vld [tilespmem:s13+$0xC0]  }
0x34e: {  	v8 =	vld [tilespmem:s12+$0xFFFFFF40]  }
0x34f: {  	[tilespmem:s12+$0xFFFFFFB0] =	vst v4;
	v3 =	vmul.f32 v6, v3;
	v4 =	vld [tilespmem:s12+$0xFFFFFFC0]  }
0x350: {  	v6 =	vld [tilespmem:s13+$0xFFFFFFC0];
	v2 =	vmul.f32 v2, v7  }
0x351: {  	[tilespmem:s12+$0x30] =	vst v3;
	v3 =	vld [tilespmem:s12+$0x40]  }
0x352: {  	v7 =	vld [tilespmem:s13+$0x40];
	[tilespmem:s12+$0xFFFFFF30] =	vst v2;
	v1 =	vmul.f32 v5, v1  }
0x353: {  	v2 =	vld [tilespmem:s13+$0xFFFFFF40]  }
0x354: {  	[tilespmem:s12+$0xC0] =	vst v1;
	v1 =	vld [tilespmem:s12+$0xD0]  }
0x355: {  	v4 =	vmul.f32 v6, v4;
	v5 =	vld [tilespmem:s13+$0xD0]  }
0x356: {  	v6 =	vld [tilespmem:s12+$0xFFFFFF50]  }
0x357: {  	[tilespmem:s12+$0xFFFFFFC0] =	vst v4;
	v3 =	vmul.f32 v7, v3;
	v4 =	vld [tilespmem:s12+$0xFFFFFFD0]  }
0x358: {  	v7 =	vld [tilespmem:s13+$0xFFFFFFD0];
	v2 =	vmul.f32 v2, v8  }
0x359: {  	[tilespmem:s12+$0x40] =	vst v3;
	v3 =	vld [tilespmem:s12+$0x50]  }
0x35a: {  	v8 =	vld [tilespmem:s13+$0x50];
	[tilespmem:s12+$0xFFFFFF40] =	vst v2;
	v1 =	vmul.f32 v5, v1  }
0x35b: {  	v2 =	vld [tilespmem:s13+$0xFFFFFF50]  }
0x35c: {  	[tilespmem:s12+$0xD0] =	vst v1;
	v1 =	vld [tilespmem:s12+$0xE0]  }
0x35d: {  	v4 =	vmul.f32 v7, v4;
	v5 =	vld [tilespmem:s13+$0xE0]  }
0x35e: {  	v7 =	vld [tilespmem:s12+$0xFFFFFF60]  }
0x35f: {  	[tilespmem:s12+$0xFFFFFFD0] =	vst v4;
	v3 =	vmul.f32 v8, v3;
	v4 =	vld [tilespmem:s12+$0xFFFFFFE0]  }
0x360: {  	v8 =	vld [tilespmem:s13+$0xFFFFFFE0];
	v2 =	vmul.f32 v2, v6  }
0x361: {  	[tilespmem:s12+$0x50] =	vst v3;
	v3 =	vld [tilespmem:s12+$0x60]  }
0x362: {  	v6 =	vld [tilespmem:s13+$0x60];
	[tilespmem:s12+$0xFFFFFF50] =	vst v2;
	v1 =	vmul.f32 v5, v1  }
0x363: {  	v5 =	vld [tilespmem:s13+$0xFFFFFF60]  }
0x364: {  	v9 =	vld [tilespmem:s12+$0xF0];
	[tilespmem:s12+$0xE0] =	vst v1  }
0x365: {  	v2 =	vmul.f32 v8, v4;
	v8 =	vld [tilespmem:s13+$0xF0]  }
0x366: {  	v1 =	vld [tilespmem:s12+$0xFFFFFF70]  }
0x367: {  	[tilespmem:s12+$0xFFFFFFE0] =	vst v2;
	v3 =	vmul.f32 v6, v3;
	v2 =	vld [tilespmem:s12+$0xFFFFFFF0]  }
0x368: {  	v4 =	vld [tilespmem:s13+$0xFFFFFFF0];
	v5 =	vmul.f32 v5, v7  }
0x369: {  	[tilespmem:s12+$0x60] =	vst v3;
	v3 =	vld [tilespmem:s12+$0x70]  }
0x36a: {  	[tilespmem:s12+$0xFFFFFF60] =	vst v5;
	v5 =	vld [tilespmem:s13+$0x70];
	v7 =	vmul.f32 v8, v9  }
0x36b: {  	s25 =	simm.s32 $0x0;
	s0 =	simm.s32 $0x700;
	v6 =	vld [tilespmem:s13+$0xFFFFFF70]  }
.LBB2_14:
0x36c: {  	v8 =	vld [tilespmem:s0+$0x80];
	[tilespmem:s12+$0xF0] =	vst v7;
	s13 =	sadd.s32 $0x200, s13  }
0x36d: {  	s25 =	sadd.s32 $0x4, s25;
	v7 =	vld [tilespmem:s13+$0x80];
	v2 =	vmul.f32 v4, v2  }
0x36e: {  	p1 =	slt.u32 s25, $0x24;
	v4 =	vld [tilespmem:s13+$0xFFFFFF00]  }
0x36f: {  	v9 =	vld [tilespmem:s0+$0xFFFFFF80];
	[tilespmem:s12+$0xFFFFFFF0] =	vst v2;
	v2 =	vmul.f32 v5, v3  }
0x370: {  	v3 =	vld [tilespmem:s13+$0xFFFFFF80];
	v1 =	vmul.f32 v6, v1  }
0x371: {  	v5 =	vld [tilespmem:s0+$0x0];
	[tilespmem:s12+$0x70] =	vst v2  }
0x372: {  	v2 =	vld [tilespmem:s13+$0x0];
	v6 =	vmul.f32 v7, v8;
	[tilespmem:s12+$0xFFFFFF70] =	vst v1;
	s12 =	smov.u32 s0  }
0x373: {  	v1 =	vld [tilespmem:s0+$0xFFFFFF00]  }
0x374: {  	[tilespmem:s0+$0x80] =	vst v6;
	v6 =	vld [tilespmem:s0+$0x90]  }
0x375: {  	v3 =	vmul.f32 v3, v9;
	v7 =	vld [tilespmem:s13+$0x90]  }
0x376: {  	v8 =	vld [tilespmem:s0+$0xFFFFFF10]  }
0x377: {  	[tilespmem:s0+$0xFFFFFF80] =	vst v3;
	v3 =	vld [tilespmem:s0+$0xFFFFFF90];
	v2 =	vmul.f32 v2, v5  }
0x378: {  	v1 =	vmul.f32 v4, v1;
	v4 =	vld [tilespmem:s13+$0xFFFFFF90]  }
0x379: {  	[tilespmem:s0+$0x0] =	vst v2;
	v2 =	vld [tilespmem:s0+$0x10]  }
0x37a: {  	[tilespmem:s0+$0xFFFFFF00] =	vst v1;
	v1 =	vld [tilespmem:s13+$0x10];
	v5 =	vmul.f32 v7, v6  }
0x37b: {  	v6 =	vld [tilespmem:s13+$0xFFFFFF10]  }
0x37c: {  	[tilespmem:s0+$0x90] =	vst v5;
	v5 =	vld [tilespmem:s0+$0xA0]  }
0x37d: {  	v3 =	vmul.f32 v4, v3;
	v4 =	vld [tilespmem:s13+$0xA0]  }
0x37e: {  	v7 =	vld [tilespmem:s0+$0xFFFFFF20]  }
0x37f: {  	[tilespmem:s0+$0xFFFFFF90] =	vst v3;
	v3 =	vld [tilespmem:s0+$0xFFFFFFA0];
	v1 =	vmul.f32 v1, v2  }
0x380: {  	v2 =	vmul.f32 v6, v8;
	v6 =	vld [tilespmem:s13+$0xFFFFFFA0]  }
0x381: {  	[tilespmem:s0+$0x10] =	vst v1;
	v1 =	vld [tilespmem:s0+$0x20]  }
0x382: {  	[tilespmem:s0+$0xFFFFFF10] =	vst v2;
	v2 =	vld [tilespmem:s13+$0x20];
	v4 =	vmul.f32 v4, v5  }
0x383: {  	v5 =	vld [tilespmem:s13+$0xFFFFFF20]  }
0x384: {  	[tilespmem:s0+$0xA0] =	vst v4;
	v4 =	vld [tilespmem:s0+$0xB0]  }
0x385: {  	v3 =	vmul.f32 v6, v3;
	v6 =	vld [tilespmem:s13+$0xB0]  }
0x386: {  	v8 =	vld [tilespmem:s0+$0xFFFFFF30]  }
0x387: {  	[tilespmem:s0+$0xFFFFFFA0] =	vst v3;
	v3 =	vld [tilespmem:s0+$0xFFFFFFB0];
	v1 =	vmul.f32 v2, v1  }
0x388: {  	v2 =	vmul.f32 v5, v7;
	v5 =	vld [tilespmem:s13+$0xFFFFFFB0]  }
0x389: {  	[tilespmem:s0+$0x20] =	vst v1;
	v1 =	vld [tilespmem:s0+$0x30]  }
0x38a: {  	[tilespmem:s0+$0xFFFFFF20] =	vst v2;
	v2 =	vld [tilespmem:s13+$0x30];
	v4 =	vmul.f32 v6, v4  }
0x38b: {  	v6 =	vld [tilespmem:s13+$0xFFFFFF30]  }
0x38c: {  	[tilespmem:s0+$0xB0] =	vst v4;
	v4 =	vld [tilespmem:s0+$0xC0]  }
0x38d: {  	v3 =	vmul.f32 v5, v3;
	v5 =	vld [tilespmem:s13+$0xC0]  }
0x38e: {  	v7 =	vld [tilespmem:s0+$0xFFFFFF40]  }
0x38f: {  	[tilespmem:s0+$0xFFFFFFB0] =	vst v3;
	v3 =	vld [tilespmem:s0+$0xFFFFFFC0];
	v1 =	vmul.f32 v2, v1  }
0x390: {  	v2 =	vmul.f32 v6, v8;
	v6 =	vld [tilespmem:s13+$0xFFFFFFC0]  }
0x391: {  	[tilespmem:s0+$0x30] =	vst v1;
	v1 =	vld [tilespmem:s0+$0x40]  }
0x392: {  	[tilespmem:s0+$0xFFFFFF30] =	vst v2;
	v2 =	vld [tilespmem:s13+$0x40];
	v4 =	vmul.f32 v5, v4  }
0x393: {  	v5 =	vld [tilespmem:s13+$0xFFFFFF40]  }
0x394: {  	[tilespmem:s0+$0xC0] =	vst v4;
	v4 =	vld [tilespmem:s0+$0xD0]  }
0x395: {  	v3 =	vmul.f32 v6, v3;
	v6 =	vld [tilespmem:s13+$0xD0]  }
0x396: {  	v8 =	vld [tilespmem:s0+$0xFFFFFF50]  }
0x397: {  	[tilespmem:s0+$0xFFFFFFC0] =	vst v3;
	v3 =	vld [tilespmem:s0+$0xFFFFFFD0];
	v1 =	vmul.f32 v2, v1  }
0x398: {  	v2 =	vmul.f32 v5, v7;
	v5 =	vld [tilespmem:s13+$0xFFFFFFD0]  }
0x399: {  	[tilespmem:s0+$0x40] =	vst v1;
	v1 =	vld [tilespmem:s0+$0x50]  }
0x39a: {  	[tilespmem:s0+$0xFFFFFF40] =	vst v2;
	v2 =	vld [tilespmem:s13+$0x50];
	v4 =	vmul.f32 v6, v4  }
0x39b: {  	v6 =	vld [tilespmem:s13+$0xFFFFFF50]  }
0x39c: {  	[tilespmem:s0+$0xD0] =	vst v4;
	v4 =	vld [tilespmem:s0+$0xE0]  }
0x39d: {  	v3 =	vmul.f32 v5, v3;
	v5 =	vld [tilespmem:s13+$0xE0]  }
0x39e: {  	v7 =	vld [tilespmem:s0+$0xFFFFFF60]  }
0x39f: {  	[tilespmem:s0+$0xFFFFFFD0] =	vst v3;
	v3 =	vld [tilespmem:s0+$0xFFFFFFE0];
	v1 =	vmul.f32 v2, v1  }
0x3a0: {  	v2 =	vmul.f32 v6, v8;
	v6 =	vld [tilespmem:s13+$0xFFFFFFE0]  }
0x3a1: {  	[tilespmem:s0+$0x50] =	vst v1;
	v8 =	vld [tilespmem:s0+$0x60]  }
0x3a2: {  	[tilespmem:s0+$0xFFFFFF50] =	vst v2;
	v9 =	vld [tilespmem:s13+$0x60];
	v1 =	vmul.f32 v5, v4  }
0x3a3: {  	v4 =	vld [tilespmem:s13+$0xFFFFFF60]  }
0x3a4: {  	[tilespmem:s0+$0xE0] =	vst v1;
	v10 =	vld [tilespmem:s0+$0xF0]  }
0x3a5: {  	v2 =	vmul.f32 v6, v3;
	v6 =	vld [tilespmem:s13+$0xF0]  }
0x3a6: {  	v1 =	vld [tilespmem:s0+$0xFFFFFF70]  }
.Ltmp6:
0x3a7: {  	[tilespmem:s0+$0xFFFFFFE0] =	vst v2;
	v2 =	vld [tilespmem:s0+$0xFFFFFFF0];
	v3 =	vmul.f32 v9, v8;
	(pc) =	sbr.rel @p1 .LBB2_14-.Ltmp6, $4  }
0x3a8: {  	v5 =	vmul.f32 v4, v7;
	v4 =	vld [tilespmem:s13+$0xFFFFFFF0]  }
0x3a9: {  	[tilespmem:s0+$0x60] =	vst v3;
	v3 =	vld [tilespmem:s0+$0x70]  }
0x3aa: {  	[tilespmem:s0+$0xFFFFFF60] =	vst v5;
	v5 =	vld [tilespmem:s13+$0x70];
	v7 =	vmul.f32 v6, v10  }
0x3ab: {  	s0 =	sadd.s32 $0x200, s0;
	v6 =	vld [tilespmem:s13+$0xFFFFFF70]  }
0x3ac: {  	_ =	sdelay $0x1  }
0x3ad: {  	v2 =	vmul.f32 v4, v2  }
0x3ae: {  	[tilespmem:s12+$0xF0] =	vst v7;
	v3 =	vmul.f32 v5, v3  }
0x3af: {  	[tilespmem:s12+$0xFFFFFFF0] =	vst v2;
	v1 =	vmul.f32 v6, v1  }
0x3b0: {  	[tilespmem:s12+$0x70] =	vst v3  }
0x3b1: {  	s0 =	simm.s32 $0xC;
	[tilespmem:s12+$0xFFFFFF70] =	vst v1  }
0x3b2: {  	[spmem:s4] =	stream.indirect.scatter.add.f32 [tilespmem:s14], [sflag:$0x9], $0x80, s16, s21, $0xb8;
	[tilespmem:$0x1DC80] =	vst v63  }
0x3b3: {  	_ =	swait.ge [sflag:s0], $0x1400  }
0x3b4: {  	[sflag:s0] =	ssyncset.done $0x0  }
0x3b5: {  	[sflag:s0] =	ssyncadd.s32 $0xFFFFEC00  }
0x3b6: {  	_ =	swait.ge [sflag:s11], $0x1400  }
0x3b7: {  	[sflag:s11] =	ssyncset.done $0x0  }
0x3b8: {  	[sflag:s11] =	ssyncadd.s32 $0xFFFFEC00  }
0x3b9: {  	_ =	swait.ge [sflag:s11], $0x1400  }
0x3ba: {  	[sflag:s11] =	ssyncset.done $0x0  }
0x3bb: {  	s12 =	simm.s32 $0x1900;
	[sflag:s11] =	ssyncadd.s32 $0xFFFFEC00  }
0x3bc: {  	s13 =	simm.s32 $0x6900;
	v1 =	vld [tilespmem:s12+$0x80]  }
0x3bd: {  	v2 =	vld [tilespmem:s13+$0x80]  }
0x3be: {  	v3 =	vld [tilespmem:s12+$0xFFFFFF80]  }
0x3bf: {  	v4 =	vld [tilespmem:s13+$0xFFFFFF80]  }
0x3c0: {  	v5 =	vld [tilespmem:s12+$0x0]  }
0x3c1: {  	v6 =	vld [tilespmem:s13+$0x0]  }
0x3c2: {  	v7 =	vld [tilespmem:s12+$0xFFFFFF00];
	v1 =	vmul.f32 v2, v1  }
0x3c3: {  	v2 =	vld [tilespmem:s13+$0xFFFFFF00]  }
0x3c4: {  	[tilespmem:s12+$0x80] =	vst v1;
	v1 =	vld [tilespmem:s12+$0x90]  }
0x3c5: {  	v3 =	vmul.f32 v4, v3;
	v4 =	vld [tilespmem:s13+$0x90]  }
0x3c6: {  	v8 =	vld [tilespmem:s12+$0xFFFFFF10]  }
0x3c7: {  	[tilespmem:s12+$0xFFFFFF80] =	vst v3;
	v3 =	vmul.f32 v6, v5;
	v5 =	vld [tilespmem:s12+$0xFFFFFF90]  }
0x3c8: {  	v6 =	vld [tilespmem:s13+$0xFFFFFF90];
	v2 =	vmul.f32 v2, v7  }
0x3c9: {  	[tilespmem:s12+$0x0] =	vst v3;
	v3 =	vld [tilespmem:s12+$0x10]  }
0x3ca: {  	v7 =	vld [tilespmem:s13+$0x10];
	[tilespmem:s12+$0xFFFFFF00] =	vst v2;
	v1 =	vmul.f32 v4, v1  }
0x3cb: {  	v2 =	vld [tilespmem:s13+$0xFFFFFF10]  }
0x3cc: {  	[tilespmem:s12+$0x90] =	vst v1;
	v1 =	vld [tilespmem:s12+$0xA0]  }
0x3cd: {  	v4 =	vmul.f32 v6, v5;
	v5 =	vld [tilespmem:s13+$0xA0]  }
0x3ce: {  	v6 =	vld [tilespmem:s12+$0xFFFFFF20]  }
0x3cf: {  	[tilespmem:s12+$0xFFFFFF90] =	vst v4;
	v3 =	vmul.f32 v7, v3;
	v4 =	vld [tilespmem:s12+$0xFFFFFFA0]  }
0x3d0: {  	v7 =	vld [tilespmem:s13+$0xFFFFFFA0];
	v2 =	vmul.f32 v2, v8  }
0x3d1: {  	[tilespmem:s12+$0x10] =	vst v3;
	v3 =	vld [tilespmem:s12+$0x20]  }
0x3d2: {  	v8 =	vld [tilespmem:s13+$0x20];
	[tilespmem:s12+$0xFFFFFF10] =	vst v2;
	v1 =	vmul.f32 v5, v1  }
0x3d3: {  	v2 =	vld [tilespmem:s13+$0xFFFFFF20]  }
0x3d4: {  	[tilespmem:s12+$0xA0] =	vst v1;
	v1 =	vld [tilespmem:s12+$0xB0]  }
0x3d5: {  	v4 =	vmul.f32 v7, v4;
	v5 =	vld [tilespmem:s13+$0xB0]  }
0x3d6: {  	v7 =	vld [tilespmem:s12+$0xFFFFFF30]  }
0x3d7: {  	[tilespmem:s12+$0xFFFFFFA0] =	vst v4;
	v3 =	vmul.f32 v8, v3;
	v4 =	vld [tilespmem:s12+$0xFFFFFFB0]  }
0x3d8: {  	v8 =	vld [tilespmem:s13+$0xFFFFFFB0];
	v2 =	vmul.f32 v2, v6  }
0x3d9: {  	[tilespmem:s12+$0x20] =	vst v3;
	v3 =	vld [tilespmem:s12+$0x30]  }
0x3da: {  	v6 =	vld [tilespmem:s13+$0x30];
	[tilespmem:s12+$0xFFFFFF20] =	vst v2;
	v1 =	vmul.f32 v5, v1  }
0x3db: {  	v2 =	vld [tilespmem:s13+$0xFFFFFF30]  }
0x3dc: {  	[tilespmem:s12+$0xB0] =	vst v1;
	v1 =	vld [tilespmem:s12+$0xC0]  }
0x3dd: {  	v4 =	vmul.f32 v8, v4;
	v5 =	vld [tilespmem:s13+$0xC0]  }
0x3de: {  	v8 =	vld [tilespmem:s12+$0xFFFFFF40]  }
0x3df: {  	[tilespmem:s12+$0xFFFFFFB0] =	vst v4;
	v3 =	vmul.f32 v6, v3;
	v4 =	vld [tilespmem:s12+$0xFFFFFFC0]  }
0x3e0: {  	v6 =	vld [tilespmem:s13+$0xFFFFFFC0];
	v2 =	vmul.f32 v2, v7  }
0x3e1: {  	[tilespmem:s12+$0x30] =	vst v3;
	v3 =	vld [tilespmem:s12+$0x40]  }
0x3e2: {  	v7 =	vld [tilespmem:s13+$0x40];
	[tilespmem:s12+$0xFFFFFF30] =	vst v2;
	v1 =	vmul.f32 v5, v1  }
0x3e3: {  	v2 =	vld [tilespmem:s13+$0xFFFFFF40]  }
0x3e4: {  	[tilespmem:s12+$0xC0] =	vst v1;
	v1 =	vld [tilespmem:s12+$0xD0]  }
0x3e5: {  	v4 =	vmul.f32 v6, v4;
	v5 =	vld [tilespmem:s13+$0xD0]  }
0x3e6: {  	v6 =	vld [tilespmem:s12+$0xFFFFFF50]  }
0x3e7: {  	[tilespmem:s12+$0xFFFFFFC0] =	vst v4;
	v3 =	vmul.f32 v7, v3;
	v4 =	vld [tilespmem:s12+$0xFFFFFFD0]  }
0x3e8: {  	v7 =	vld [tilespmem:s13+$0xFFFFFFD0];
	v2 =	vmul.f32 v2, v8  }
0x3e9: {  	[tilespmem:s12+$0x40] =	vst v3;
	v3 =	vld [tilespmem:s12+$0x50]  }
0x3ea: {  	v8 =	vld [tilespmem:s13+$0x50];
	[tilespmem:s12+$0xFFFFFF40] =	vst v2;
	v1 =	vmul.f32 v5, v1  }
0x3eb: {  	v2 =	vld [tilespmem:s13+$0xFFFFFF50]  }
0x3ec: {  	[tilespmem:s12+$0xD0] =	vst v1;
	v1 =	vld [tilespmem:s12+$0xE0]  }
0x3ed: {  	v4 =	vmul.f32 v7, v4;
	v5 =	vld [tilespmem:s13+$0xE0]  }
0x3ee: {  	v7 =	vld [tilespmem:s12+$0xFFFFFF60]  }
0x3ef: {  	[tilespmem:s12+$0xFFFFFFD0] =	vst v4;
	v3 =	vmul.f32 v8, v3;
	v4 =	vld [tilespmem:s12+$0xFFFFFFE0]  }
0x3f0: {  	v8 =	vld [tilespmem:s13+$0xFFFFFFE0];
	v2 =	vmul.f32 v2, v6  }
0x3f1: {  	[tilespmem:s12+$0x50] =	vst v3;
	v3 =	vld [tilespmem:s12+$0x60]  }
0x3f2: {  	v6 =	vld [tilespmem:s13+$0x60];
	[tilespmem:s12+$0xFFFFFF50] =	vst v2;
	v1 =	vmul.f32 v5, v1  }
0x3f3: {  	v5 =	vld [tilespmem:s13+$0xFFFFFF60]  }
0x3f4: {  	v9 =	vld [tilespmem:s12+$0xF0];
	[tilespmem:s12+$0xE0] =	vst v1  }
0x3f5: {  	v2 =	vmul.f32 v8, v4;
	v8 =	vld [tilespmem:s13+$0xF0]  }
0x3f6: {  	v1 =	vld [tilespmem:s12+$0xFFFFFF70]  }
0x3f7: {  	[tilespmem:s12+$0xFFFFFFE0] =	vst v2;
	v3 =	vmul.f32 v6, v3;
	v2 =	vld [tilespmem:s12+$0xFFFFFFF0]  }
0x3f8: {  	v4 =	vld [tilespmem:s13+$0xFFFFFFF0];
	v5 =	vmul.f32 v5, v7  }
0x3f9: {  	[tilespmem:s12+$0x60] =	vst v3;
	v3 =	vld [tilespmem:s12+$0x70]  }
0x3fa: {  	s25 =	simm.s32 $0x0;
	[tilespmem:s12+$0xFFFFFF60] =	vst v5;
	v5 =	vld [tilespmem:s13+$0x70];
	v7 =	vmul.f32 v8, v9  }
0x3fb: {  	s28 =	simm.s32 $0xD;
	s0 =	simm.s32 $0x1B00;
	v6 =	vld [tilespmem:s13+$0xFFFFFF70];
	s26 =	rddreg [dreg:$0x1f]  }
.LBB2_16:
0x3fc: {  	v8 =	vld [tilespmem:s0+$0x80];
	[tilespmem:s12+$0xF0] =	vst v7;
	s13 =	sadd.s32 $0x200, s13  }
0x3fd: {  	s25 =	sadd.s32 $0x4, s25;
	v7 =	vld [tilespmem:s13+$0x80];
	v2 =	vmul.f32 v4, v2  }
0x3fe: {  	p1 =	slt.u32 s25, $0x24;
	v4 =	vld [tilespmem:s13+$0xFFFFFF00]  }
0x3ff: {  	v9 =	vld [tilespmem:s0+$0xFFFFFF80];
	[tilespmem:s12+$0xFFFFFFF0] =	vst v2;
	v2 =	vmul.f32 v5, v3  }
0x400: {  	v3 =	vld [tilespmem:s13+$0xFFFFFF80];
	v1 =	vmul.f32 v6, v1  }
0x401: {  	v5 =	vld [tilespmem:s0+$0x0];
	[tilespmem:s12+$0x70] =	vst v2  }
0x402: {  	v2 =	vld [tilespmem:s13+$0x0];
	v6 =	vmul.f32 v7, v8;
	[tilespmem:s12+$0xFFFFFF70] =	vst v1;
	s12 =	smov.u32 s0  }
0x403: {  	v1 =	vld [tilespmem:s0+$0xFFFFFF00]  }
0x404: {  	[tilespmem:s0+$0x80] =	vst v6;
	v6 =	vld [tilespmem:s0+$0x90]  }
0x405: {  	v3 =	vmul.f32 v3, v9;
	v7 =	vld [tilespmem:s13+$0x90]  }
0x406: {  	v8 =	vld [tilespmem:s0+$0xFFFFFF10]  }
0x407: {  	[tilespmem:s0+$0xFFFFFF80] =	vst v3;
	v3 =	vld [tilespmem:s0+$0xFFFFFF90];
	v2 =	vmul.f32 v2, v5  }
0x408: {  	v1 =	vmul.f32 v4, v1;
	v4 =	vld [tilespmem:s13+$0xFFFFFF90]  }
0x409: {  	[tilespmem:s0+$0x0] =	vst v2;
	v2 =	vld [tilespmem:s0+$0x10]  }
0x40a: {  	[tilespmem:s0+$0xFFFFFF00] =	vst v1;
	v1 =	vld [tilespmem:s13+$0x10];
	v5 =	vmul.f32 v7, v6  }
0x40b: {  	v6 =	vld [tilespmem:s13+$0xFFFFFF10]  }
0x40c: {  	[tilespmem:s0+$0x90] =	vst v5;
	v5 =	vld [tilespmem:s0+$0xA0]  }
0x40d: {  	v3 =	vmul.f32 v4, v3;
	v4 =	vld [tilespmem:s13+$0xA0]  }
0x40e: {  	v7 =	vld [tilespmem:s0+$0xFFFFFF20]  }
0x40f: {  	[tilespmem:s0+$0xFFFFFF90] =	vst v3;
	v3 =	vld [tilespmem:s0+$0xFFFFFFA0];
	v1 =	vmul.f32 v1, v2  }
0x410: {  	v2 =	vmul.f32 v6, v8;
	v6 =	vld [tilespmem:s13+$0xFFFFFFA0]  }
0x411: {  	[tilespmem:s0+$0x10] =	vst v1;
	v1 =	vld [tilespmem:s0+$0x20]  }
0x412: {  	[tilespmem:s0+$0xFFFFFF10] =	vst v2;
	v2 =	vld [tilespmem:s13+$0x20];
	v4 =	vmul.f32 v4, v5  }
0x413: {  	v5 =	vld [tilespmem:s13+$0xFFFFFF20]  }
0x414: {  	[tilespmem:s0+$0xA0] =	vst v4;
	v4 =	vld [tilespmem:s0+$0xB0]  }
0x415: {  	v3 =	vmul.f32 v6, v3;
	v6 =	vld [tilespmem:s13+$0xB0]  }
0x416: {  	v8 =	vld [tilespmem:s0+$0xFFFFFF30]  }
0x417: {  	[tilespmem:s0+$0xFFFFFFA0] =	vst v3;
	v3 =	vld [tilespmem:s0+$0xFFFFFFB0];
	v1 =	vmul.f32 v2, v1  }
0x418: {  	v2 =	vmul.f32 v5, v7;
	v5 =	vld [tilespmem:s13+$0xFFFFFFB0]  }
0x419: {  	[tilespmem:s0+$0x20] =	vst v1;
	v1 =	vld [tilespmem:s0+$0x30]  }
0x41a: {  	[tilespmem:s0+$0xFFFFFF20] =	vst v2;
	v2 =	vld [tilespmem:s13+$0x30];
	v4 =	vmul.f32 v6, v4  }
0x41b: {  	v6 =	vld [tilespmem:s13+$0xFFFFFF30]  }
0x41c: {  	[tilespmem:s0+$0xB0] =	vst v4;
	v4 =	vld [tilespmem:s0+$0xC0]  }
0x41d: {  	v3 =	vmul.f32 v5, v3;
	v5 =	vld [tilespmem:s13+$0xC0]  }
0x41e: {  	v7 =	vld [tilespmem:s0+$0xFFFFFF40]  }
0x41f: {  	[tilespmem:s0+$0xFFFFFFB0] =	vst v3;
	v3 =	vld [tilespmem:s0+$0xFFFFFFC0];
	v1 =	vmul.f32 v2, v1  }
0x420: {  	v2 =	vmul.f32 v6, v8;
	v6 =	vld [tilespmem:s13+$0xFFFFFFC0]  }
0x421: {  	[tilespmem:s0+$0x30] =	vst v1;
	v1 =	vld [tilespmem:s0+$0x40]  }
0x422: {  	[tilespmem:s0+$0xFFFFFF30] =	vst v2;
	v2 =	vld [tilespmem:s13+$0x40];
	v4 =	vmul.f32 v5, v4  }
0x423: {  	v5 =	vld [tilespmem:s13+$0xFFFFFF40]  }
0x424: {  	[tilespmem:s0+$0xC0] =	vst v4;
	v4 =	vld [tilespmem:s0+$0xD0]  }
0x425: {  	v3 =	vmul.f32 v6, v3;
	v6 =	vld [tilespmem:s13+$0xD0]  }
0x426: {  	v8 =	vld [tilespmem:s0+$0xFFFFFF50]  }
0x427: {  	[tilespmem:s0+$0xFFFFFFC0] =	vst v3;
	v3 =	vld [tilespmem:s0+$0xFFFFFFD0];
	v1 =	vmul.f32 v2, v1  }
0x428: {  	v2 =	vmul.f32 v5, v7;
	v5 =	vld [tilespmem:s13+$0xFFFFFFD0]  }
0x429: {  	[tilespmem:s0+$0x40] =	vst v1;
	v1 =	vld [tilespmem:s0+$0x50]  }
0x42a: {  	[tilespmem:s0+$0xFFFFFF40] =	vst v2;
	v2 =	vld [tilespmem:s13+$0x50];
	v4 =	vmul.f32 v6, v4  }
0x42b: {  	v6 =	vld [tilespmem:s13+$0xFFFFFF50]  }
0x42c: {  	[tilespmem:s0+$0xD0] =	vst v4;
	v4 =	vld [tilespmem:s0+$0xE0]  }
0x42d: {  	v3 =	vmul.f32 v5, v3;
	v5 =	vld [tilespmem:s13+$0xE0]  }
0x42e: {  	v7 =	vld [tilespmem:s0+$0xFFFFFF60]  }
0x42f: {  	[tilespmem:s0+$0xFFFFFFD0] =	vst v3;
	v3 =	vld [tilespmem:s0+$0xFFFFFFE0];
	v1 =	vmul.f32 v2, v1  }
0x430: {  	v2 =	vmul.f32 v6, v8;
	v6 =	vld [tilespmem:s13+$0xFFFFFFE0]  }
0x431: {  	[tilespmem:s0+$0x50] =	vst v1;
	v8 =	vld [tilespmem:s0+$0x60]  }
0x432: {  	[tilespmem:s0+$0xFFFFFF50] =	vst v2;
	v9 =	vld [tilespmem:s13+$0x60];
	v1 =	vmul.f32 v5, v4  }
0x433: {  	v4 =	vld [tilespmem:s13+$0xFFFFFF60]  }
0x434: {  	[tilespmem:s0+$0xE0] =	vst v1;
	v10 =	vld [tilespmem:s0+$0xF0]  }
0x435: {  	v2 =	vmul.f32 v6, v3;
	v6 =	vld [tilespmem:s13+$0xF0]  }
0x436: {  	v1 =	vld [tilespmem:s0+$0xFFFFFF70]  }
.Ltmp7:
0x437: {  	[tilespmem:s0+$0xFFFFFFE0] =	vst v2;
	v2 =	vld [tilespmem:s0+$0xFFFFFFF0];
	v3 =	vmul.f32 v9, v8;
	(pc) =	sbr.rel @p1 .LBB2_16-.Ltmp7, $4  }
0x438: {  	v5 =	vmul.f32 v4, v7;
	v4 =	vld [tilespmem:s13+$0xFFFFFFF0]  }
0x439: {  	[tilespmem:s0+$0x60] =	vst v3;
	v3 =	vld [tilespmem:s0+$0x70]  }
0x43a: {  	[tilespmem:s0+$0xFFFFFF60] =	vst v5;
	v5 =	vld [tilespmem:s13+$0x70];
	v7 =	vmul.f32 v6, v10  }
0x43b: {  	s0 =	sadd.s32 $0x200, s0;
	v6 =	vld [tilespmem:s13+$0xFFFFFF70]  }
0x43c: {  	_ =	sdelay $0x1  }
0x43d: {  	v2 =	vmul.f32 v4, v2  }
0x43e: {  	[tilespmem:s12+$0xF0] =	vst v7;
	v3 =	vmul.f32 v5, v3  }
0x43f: {  	[tilespmem:s12+$0xFFFFFFF0] =	vst v2;
	v1 =	vmul.f32 v6, v1  }
0x440: {  	[tilespmem:s12+$0x70] =	vst v3  }
0x441: {  	[tilespmem:s12+$0xFFFFFF70] =	vst v1  }
0x442: {  	[spmem:s4] =	stream.indirect.scatter.add.f32 [tilespmem:s19], [sflag:$0xA], $0x80, s18, s21, $0xb8;
	[tilespmem:$0x1DC80] =	vst v63  }
0x443: {  	_ =	swait.ge [sflag:s31], $0x1400  }
0x444: {  	[sflag:s31] =	ssyncset.done $0x0  }
0x445: {  	[sflag:s31] =	ssyncadd.s32 $0xFFFFEC00  }
0x446: {  	_ =	swait.ge [sflag:s24], $0x1400  }
0x447: {  	[sflag:s24] =	ssyncset.done $0x0  }
0x448: {  	[sflag:s24] =	ssyncadd.s32 $0xFFFFEC00  }
0x449: {  	s0 =	stileid.u32;
	[bflag:$0x0] =	sbarrier.arrive $0xFFFF  }
0x44a: {  	s0 =	sshll.u32 s0, $0x6;
	s25 =	rddreg [dreg:$0x6]  }
0x44b: {  	s0 =	sor.u32 $0x1C0D, s0;
	s13 =	rddreg [dreg:$0x11];
	s12 =	sshrl.u32 s25, $0x3  }
0x44c: {  	[hbm:s13], [sflag:s0] =	dma.local [spmem:s12], $0x2700  }
0x44d: {  	_ =	swait.ge [sflag:s28], $0x2700  }
0x44e: {  	[sflag:s28] =	ssyncset.done $0x0  }
0x44f: {  	s12 =	sshrl.u32 @!p0 s26, $0x3;
	s13 =	rddreg [dreg:$0x15];
	[sflag:s28] =	ssyncadd.s32 $0xFFFFD900  }
0x450: {  	[hbm:s13], [sflag:s0] =	dma.local @!p0 [spmem:s12], $0x100  }
0x451: {  	s0 =	simm.s32 @!p0 $0xD  }
0x452: {  	_ =	swait.ge @!p0 [sflag:s0], $0x100  }
0x453: {  	s12 =	sld [smem:$0x7FB];
	_ =	sdelay $0x2  }
0x454: {  	s13 =	sadd.s32 $0x1, s12;
	s12 =	rddreg [dreg:$0x16]  }
0x455: {  	p1 =	sne.s32 s13, s12  }
.Ltmp8:
0x456: {  	_ = 	snop;
	(pc) =	sbr.rel @p1 .LBB2_1-.Ltmp8, $3  }
0x457: {  	_ =	sdelay $0x1  }
0x458: {  	[sflag:s0] =	ssyncset.done @!p0 $0x0  }
0x459: {  	[sflag:s0] =	ssyncadd.s32 @!p0 $0xFFFFFF00  }
0x45a: {  	_ =	sfence.sel $0x180000  }
0x45b: {  	[bflag:$0x0] =	sbarrier.arrive $0xFFFF  }
0x45c: {  	_ =	strace $0x90000047  }
0x45d: {  	s0 =	stileid.u32;
	[bflag:$0x2] =	sbarrier.arrive $0xFFFF  }
0x45e: {  	p0 =	sne.s32 s0, $0x0;
	s0 =	rddreg [dreg:$0x5]  }
0x45f: {  	s0 =	sadd.s32 @!p0 $0x100000, s0  }
0x460: {  	[sflag:s0] =	ssyncadd.tile.s32 @!p0 $0x1;
	_ =	shalt  }
.Lfunc_end2:
_tile_overlayer_lowered:
.L_overlay_start_2:
0x461: {  	(tag) =	ssettag $0x2  }
0x462: {  	s0 =	rddreg [dreg:$0x0];
	s2 =	stileid.u32  }
0x463: {  	s1 =	rddreg [dreg:$0x1];
	p0 =	sne.s32 s2, $0x0  }
0x464: {  	s3 =	rddreg [dreg:$0x2];
	[bflag:$0x3] =	sbarrier.arrive $0xFFFF;
	s2 =	simm.s32 @!p0 $0x1C0D  }
0x465: {  	[timem:s3], [sflag:s2] =	dma.local @!p0 [hbm:s0], s1  }
0x466: {  	s0 =	simm.s32 @!p0 $0xD  }
0x467: {  	_ =	swait.ge @!p0 [sflag:s0], s1  }
0x468: {  	s1 =	ssub.s32 @!p0 $0x0, s1;
	[sflag:s0] =	ssyncset.done @!p0 $0x0  }
0x469: {  	[sflag:s0] =	ssyncadd.s32 @!p0 s1  }
0x46a: {  	[bflag:$0x3] =	sbarrier.arrive $0xFFFF  }
0x46b: {  	_ =	shalt  }

</sc_bundles>
